<compile_context>
chip_gen: v7x
topology: tpu7x:2x2x1
jax: 0.10.2.dev20260603
libtpu: 0.0.44.dev20260713+nightly
codegen_flags: <defaults>
</compile_context>

<pallas_src>
import jax
import jax.numpy as jnp
from jax import lax
from jax.experimental import pallas as pl
from jax.experimental.pallas import tpu as pltpu
from jax.experimental.pallas import tpu_sc as plsc

N = 524288
R0 = N // 128
R1 = R0 // 128
NRAYS = 8192
NWORKERS = 32
CHUNK = N // NWORKERS
L = 16


def _seq_scan_sublane(ref, nrows):
    def body(c, _):
        ref[pl.ds(c, 1), :] = ref[pl.ds(c, 1), :] + ref[pl.ds(c - 1, 1), :]
        return 0
    lax.fori_loop(1, nrows, body, 0, unroll=4)


def _alpha_scan_kernel(dt_ref, sdf_ref, dirs_ref, grads_ref, car_ref, beta_ref,
                       eps_ref, alpha_ref, excl_ref, s0_ref, s1_ref, s2_ref):
    car = car_ref[0]
    beta = beta_ref[0]
    eps = eps_ref[0]
    x, y, z = dirs_ref[0], dirs_ref[1], dirs_ref[2]
    gx, gy, gz = grads_ref[0], grads_ref[1], grads_ref[2]
    true_cos = (x * gx + z * gz) + y * gy
    relu = lambda v: jnp.maximum(v, 0.0)
    iter_cos = relu(-true_cos * 0.5 + 0.5) * (1.0 - car) + relu(-true_cos) * car
    iter_cos = -iter_cos
    dt = dt_ref[...]
    sdf = sdf_ref[...]
    est_next = sdf + iter_cos * dt * 0.5
    est_prev = sdf - iter_cos * dt * 0.5
    prev_cdf = jax.nn.sigmoid(est_prev * beta)
    next_cdf = jax.nn.sigmoid(est_next * beta)
    alpha = jnp.clip((prev_cdf - next_cdf + eps) / (prev_cdf + eps), 0.0, 1.0)
    alpha_ref[...] = alpha
    logs = jnp.log(jnp.float32(1.00000095367431640625) - alpha)

    lt = logs.T
    s0_ref[...] = lt
    _seq_scan_sublane(s0_ref, 128)
    lasts0 = s0_ref[pl.ds(127, 1), :]
    s1_ref[...] = lasts0.reshape(R1, 128).T
    _seq_scan_sublane(s1_ref, 128)
    lasts1 = s1_ref[pl.ds(127, 1), :]
    s2_ref[...] = lasts1.reshape(R1, 1)
    _seq_scan_sublane(s2_ref, R1)
    inc2 = s2_ref[...]
    off2 = jnp.concatenate([jnp.zeros((1, 1), jnp.float32), inc2[:-1, :]],
                           axis=0).reshape(1, R1)
    lvl1_t = s1_ref[...] + off2
    lvl1 = lvl1_t.T.reshape(1, R0)
    off0 = jnp.concatenate([jnp.zeros((1, 1), jnp.float32), lvl1[:, :-1]],
                           axis=1)
    inc_t = s0_ref[...] + off0
    excl_t = inc_t - lt
    excl_ref[...] = excl_t.T


def _alpha_scan(dt2, sdf2, dirs_t, grads_t, car, beta, interpret=False):
    return pl.pallas_call(
        _alpha_scan_kernel,
        out_shape=(
            jax.ShapeDtypeStruct((R0, 128), jnp.float32),
            jax.ShapeDtypeStruct((R0, 128), jnp.float32),
        ),
        in_specs=[
            pl.BlockSpec(memory_space=pltpu.VMEM),
            pl.BlockSpec(memory_space=pltpu.VMEM),
            pl.BlockSpec(memory_space=pltpu.VMEM),
            pl.BlockSpec(memory_space=pltpu.VMEM),
            pl.BlockSpec(memory_space=pltpu.SMEM),
            pl.BlockSpec(memory_space=pltpu.SMEM),
            pl.BlockSpec(memory_space=pltpu.SMEM),
        ],
        out_specs=(
            pl.BlockSpec(memory_space=pltpu.VMEM),
            pl.BlockSpec(memory_space=pltpu.VMEM),
        ),
        scratch_shapes=[
            pltpu.VMEM((128, R0), jnp.float32),
            pltpu.VMEM((128, R1), jnp.float32),
            pltpu.VMEM((R1, 1), jnp.float32),
        ],
        interpret=interpret,
    )(dt2, sdf2, dirs_t, grads_t, car, beta,
      jnp.full((1,), 1e-06, dtype=jnp.float32))


def _finish_kernel(excl_ref, base_ref, alpha_ref, t_ref, w_ref):
    within = excl_ref[...] - base_ref[...]
    t = jnp.exp(within)
    t_ref[...] = t
    w_ref[...] = alpha_ref[...] * t


def _finish(excl2, base2, alpha2, interpret=False):
    spec = pl.BlockSpec((512, 128), lambda i: (i, 0))
    return pl.pallas_call(
        _finish_kernel,
        out_shape=(
            jax.ShapeDtypeStruct((R0, 128), jnp.float32),
            jax.ShapeDtypeStruct((R0, 128), jnp.float32),
        ),
        grid=(R0 // 512,),
        in_specs=[spec, spec, spec],
        out_specs=(spec, spec),
        interpret=interpret,
    )(excl2, base2, alpha2)


def _expand_body(excl_hbm, cu_hbm, base_hbm,
                 cu_v, g_v, z_v, zm_v, ic_v, base_v, sem_g):
    wid = lax.axis_index("s") * 2 + lax.axis_index("c")
    lo = wid * CHUNK
    nblk = CHUNK // L

    pltpu.sync_copy(cu_hbm, cu_v)

    zeros16 = jnp.zeros((L,), jnp.int32)

    def zbody(k, _):
        z_v[pl.ds(k * L, L)] = zeros16
        return 0

    lax.fori_loop(0, nblk, zbody, 0, unroll=4)

    copies = [
        pltpu.async_copy(excl_hbm.at[cu_v.at[pl.ds(j * 128, 128)]],
                         g_v.at[pl.ds(j * 128, 128)], sem_g)
        for j in range(NRAYS // 128)
    ]

    iota16 = lax.iota(jnp.int32, L)

    def sbody(j, cnt):
        cu16 = cu_v[pl.ds(j * L, L)]
        cnt = cnt + jnp.where(cu16 <= lo, 1, 0).astype(jnp.int32)
        idx16 = cu16 - lo
        rid16 = iota16 + j * L
        mask = (idx16 >= 0) & (idx16 < CHUNK)
        plsc.store_scatter(z_v, [idx16], rid16, mask=mask)
        return cnt

    cnt = lax.fori_loop(0, NRAYS // L, sbody, jnp.zeros((L,), jnp.int32),
                        unroll=4)
    r_lo = jnp.broadcast_to(jnp.sum(cnt) - 1, (L,))

    def abody(k, _):
        zm_v[pl.ds(k * L, L)] = plsc.cummax(z_v[pl.ds(k * L, L)])
        return 0

    lax.fori_loop(0, nblk, abody, 0, unroll=1)

    ic_v[pl.ds(0, L)] = r_lo

    def bbody(kk, carry):
        idx = (iota16 + kk * L) * L + (L - 1)
        bm16 = plsc.load_gather(zm_v, [idx])
        c16 = jnp.maximum(plsc.cummax(bm16), carry)
        ic_v[pl.ds(L + kk * L, L)] = c16
        return jnp.broadcast_to(jnp.max(c16), (L,))

    lax.fori_loop(0, nblk // L, bbody, r_lo, unroll=1)

    for c in copies:
        c.wait()

    def cbody(k, _):
        m = zm_v[pl.ds(k * L, L)]
        prev = plsc.load_gather(ic_v, [jnp.broadcast_to(k + L - 1, (L,))])
        base_v[pl.ds(k * L, L)] = plsc.load_gather(g_v, [jnp.maximum(m, prev)])
        return 0

    lax.fori_loop(0, nblk, cbody, 0, unroll=1)

    pltpu.sync_copy(base_v, base_hbm.at[pl.ds(lo, CHUNK)])


def _base_from_starts(excl_flat, cu_seqlens):
    cu_starts = lax.slice(cu_seqlens, (0,), (NRAYS,))
    return pl.kernel(
        _expand_body,
        out_type=jax.ShapeDtypeStruct((N,), jnp.float32),
        mesh=plsc.VectorSubcoreMesh(core_axis_name="c", subcore_axis_name="s"),
        compiler_params=pltpu.CompilerParams(needs_layout_passes=False),
        scratch_types=[
            pltpu.VMEM((NRAYS,), jnp.int32),
            pltpu.VMEM((NRAYS,), jnp.float32),
            pltpu.VMEM((CHUNK,), jnp.int32),
            pltpu.VMEM((CHUNK,), jnp.int32),
            pltpu.VMEM((CHUNK // L + L,), jnp.int32),
            pltpu.VMEM((CHUNK,), jnp.float32),
            pltpu.SemaphoreType.DMA,
        ],
    )(excl_flat, cu_starts)


def kernel(samples_dt, samples_dirs, sdf, gradients, cos_anneal_ratio,
           logistic_beta, cu_seqlens, interpret=False):
    dt2 = samples_dt.reshape(R0, 128)
    sdf2 = sdf.reshape(R0, 128)
    dirs_t = samples_dirs.T.reshape(3, R0, 128)
    grads_t = gradients.T.reshape(3, R0, 128)
    alpha2, excl2 = _alpha_scan(dt2, sdf2, dirs_t, grads_t,
                                cos_anneal_ratio, logistic_beta,
                                interpret=interpret)
    base2 = _base_from_starts(excl2.reshape(N), cu_seqlens).reshape(R0, 128)
    t2, w2 = _finish(excl2, base2, alpha2, interpret=interpret)
    return (w2.reshape(N, 1), t2.reshape(N, 1), alpha2.reshape(N, 1))

# --- scband reference (transcript-rebuilt; emitter-appended) ---
"""Pipeline reference for scband-volume-rendering-neu-s-89790586290721 (READ-ONLY COPY).

The authoritative reference and input builder live on the scoring server;
editing this copy changes nothing except your own understanding.
"""

import jax, jax.numpy as jnp
import numpy as np

N_SAMPLES = 524288
N_RAYS = 8192

def setup_inputs(seed: int = 0) -> dict:
    key = jax.random.key(seed)
    k1, k2, k3, k4, k5, k6 = jax.random.split(key, 6)
    samples_dt = jax.random.uniform(k1, (N_SAMPLES, 1), dtype=jnp.float32)
    dirs = jax.random.normal(k2, (N_SAMPLES, 3), dtype=jnp.float32)
    samples_dirs = dirs / (jnp.linalg.norm(dirs, axis=-1, keepdims=True) + 1e-8)
    sdf = jax.random.normal(k3, (N_SAMPLES, 1), dtype=jnp.float32)
    gradients = jax.random.normal(k4, (N_SAMPLES, 3), dtype=jnp.float32)
    cos_anneal_ratio = jax.random.uniform(k5, (1,), dtype=jnp.float32)
    logistic_beta = jnp.ones((1,), dtype=jnp.float32) * 64.0
    bp = jnp.sort(jax.random.randint(k6, (N_RAYS - 1,), 0, N_SAMPLES))
    cu_seqlens = jnp.concatenate([
        jnp.zeros((1,), dtype=jnp.int32),
        bp.astype(jnp.int32),
        jnp.full((1,), N_SAMPLES, dtype=jnp.int32),
    ])
    return {
        'samples_dt': samples_dt,
        'samples_dirs': samples_dirs,
        'sdf': sdf,
        'gradients': gradients,
        'cos_anneal_ratio': cos_anneal_ratio,
        'logistic_beta': logistic_beta,
        'cu_seqlens': cu_seqlens,
    }

def reference(samples_dt, samples_dirs, sdf, gradients, cos_anneal_ratio, logistic_beta, cu_seqlens):
    # --- compute_alphas_from_logistic_beta ---
    car = cos_anneal_ratio[0]
    beta = logistic_beta[0]
    true_cos = jnp.sum(samples_dirs * gradients, axis=-1, keepdims=True)
    iter_cos = jax.nn.relu(-true_cos * 0.5 + 0.5) * (1.0 - car) + jax.nn.relu(-true_cos) * car
    iter_cos = -iter_cos
    estimated_next_sdf = sdf + iter_cos * samples_dt * 0.5
    estimated_prev_sdf = sdf - iter_cos * samples_dt * 0.5
    prev_cdf = jax.nn.sigmoid(estimated_prev_sdf * beta)
    next_cdf = jax.nn.sigmoid(estimated_next_sdf * beta)
    alpha = jnp.clip((prev_cdf - next_cdf + 1e-06) / (prev_cdf + 1e-06), 0.0, 1.0)
    # --- compute_transmittance_from_alphas (ragged exclusive cumprod of 1-alpha per ray) ---
    one_minus_alpha = 1.0 - alpha + 1e-06
    logs = jnp.log(one_minus_alpha)[:, 0]
    inc = jnp.cumsum(logs)
    excl = inc - logs  # exclusive global cumsum of logs
    n = logs.shape[0]
    seg = jnp.searchsorted(cu_seqlens, jnp.arange(n), side='right') - 1
    seg = jnp.clip(seg, 0, cu_seqlens.shape[0] - 2)
    seg_start = jnp.clip(cu_seqlens[seg], 0, n - 1)
    within_excl = excl - excl[seg_start]
    transmittance = jnp.exp(within_excl)[:, None]
    # --- compute_weights_from_transmittance_and_alphas ---
    weights = (alpha * transmittance).reshape(-1, 1)
    return (weights, transmittance, alpha)

if __name__ == "__main__":
    import jax
    _d = setup_inputs()
    print(jax.jit(kernel)(*tuple(_d.values())))

</pallas_src>

<mosaic_0001>
#map = affine_map<(d0, d1) -> (0)>
module attributes {stable_mosaic.version = 14 : i64} {
  func.func @_expand_body(%arg0: i32, %arg1: i32, %arg2: memref<524288xf32, #tpu.memory_space<hbm>>, %arg3: memref<8192xi32, #tpu.memory_space<hbm>>, %arg4: memref<524288xf32, #tpu.memory_space<hbm>>, %arg5: memref<8192xi32, #tpu.memory_space<vmem>>, %arg6: memref<8192xf32, #tpu.memory_space<vmem>>, %arg7: memref<16384xi32, #tpu.memory_space<vmem>>, %arg8: memref<16384xi32, #tpu.memory_space<vmem>>, %arg9: memref<1040xi32, #tpu.memory_space<vmem>>, %arg10: memref<16384xf32, #tpu.memory_space<vmem>>, %arg11: memref<!tpu.dma_semaphore, #tpu.memory_space<semaphore_mem>>) attributes {dimension_semantics = [#tpu.dimension_semantics<core_parallel>, #tpu.dimension_semantics<subcore_parallel>], iteration_bounds = array<i64: 2, 16>, scalar_prefetch = 0 : i64, scratch_operands = 7 : i64, tpu.core_type = #tpu.core_type<sc_vector_subcore>, window_params = [{transform_indices = #map}, {transform_indices = #map}, {transform_indices = #map}]} {
    %mul3A = arith.constant 2 : i32
    %mul3A_0 = arith.muli %arg1, %mul3A : i32
    %add3A = arith.addi %mul3A_0, %arg0 : i32
    %mul3A_1 = arith.constant 16384 : i32
    %mul3A_2 = arith.muli %add3A, %mul3A_1 : i32
    "tpu.region"() ({
      %run_scoped3A = tpu.sem_alloc : memref<!tpu.dma_semaphore, #tpu.memory_space<semaphore_mem>>
      tpu.enqueue_dma source(%arg3 : memref<8192xi32, #tpu.memory_space<hbm>>) target(%arg5 : memref<8192xi32, #tpu.memory_space<vmem>>) target_semaphore(%run_scoped3A : memref<!tpu.dma_semaphore, #tpu.memory_space<semaphore_mem>>)
      tpu.wait_dma2 semaphore(%run_scoped3A : memref<!tpu.dma_semaphore, #tpu.memory_space<semaphore_mem>>) src(%arg3 : memref<8192xi32, #tpu.memory_space<hbm>>) dst(%arg5 : memref<8192xi32, #tpu.memory_space<vmem>>)
      tpu.yield
    }) : () -> ()
    %broadcast_in_dim3A = arith.constant 0 : i32
    %broadcast_in_dim3A_3 = vector.broadcast %broadcast_in_dim3A : i32 to vector<16xi32>
    %scan3A = arith.constant 0 : i32
    %scan3A_4 = arith.constant 0 : i32
    %scan3A_5 = arith.constant 1024 : i32
    %scan3A_6 = arith.addi %scan3A_4, %scan3A_5 : i32
    %scan3A_7 = arith.constant 4 : i32
    %scan3A_8 = scf.for %scan3A_810 = %scan3A_4 to %scan3A_6 step %scan3A_7 iter_args(%scan3A_811 = %scan3A) -> (i32)  : i32 {
      %mul3A_812 = arith.constant 16 : i32
      %mul3A_813 = arith.muli %scan3A_810, %mul3A_812 : i32
      %swap3A_814 = arith.index_cast %mul3A_813 : i32 to index
      %swap3A_815 = tpu.vector_load %arg7[%swap3A_814] {strides = array<i32>} : memref<16384xi32, #tpu.memory_space<vmem>>, vector<16xi32>,
      tpu.vector_store %arg7[%swap3A_814], %broadcast_in_dim3A_3 {strides = array<i32>} : memref<16384xi32, #tpu.memory_space<vmem>>, vector<16xi32>,
      %scan3A_816 = arith.constant 0 : i32
      %scan3A_817 = arith.constant 1 : i32
      %scan3A_818 = arith.addi %scan3A_810, %scan3A_817 : i32
      %mul3A_819 = arith.constant 16 : i32
      %mul3A_820 = arith.muli %scan3A_818, %mul3A_819 : i32
      %swap3A_821 = arith.index_cast %mul3A_820 : i32 to index
      %swap3A_822 = tpu.vector_load %arg7[%swap3A_821] {strides = array<i32>} : memref<16384xi32, #tpu.memory_space<vmem>>, vector<16xi32>,
      tpu.vector_store %arg7[%swap3A_821], %broadcast_in_dim3A_3 {strides = array<i32>} : memref<16384xi32, #tpu.memory_space<vmem>>, vector<16xi32>,
      %scan3A_823 = arith.constant 0 : i32
      %scan3A_824 = arith.constant 2 : i32
      %scan3A_825 = arith.addi %scan3A_810, %scan3A_824 : i32
      %mul3A_826 = arith.constant 16 : i32
      %mul3A_827 = arith.muli %scan3A_825, %mul3A_826 : i32
      %swap3A_828 = arith.index_cast %mul3A_827 : i32 to index
      %swap3A_829 = tpu.vector_load %arg7[%swap3A_828] {strides = array<i32>} : memref<16384xi32, #tpu.memory_space<vmem>>, vector<16xi32>,
      tpu.vector_store %arg7[%swap3A_828], %broadcast_in_dim3A_3 {strides = array<i32>} : memref<16384xi32, #tpu.memory_space<vmem>>, vector<16xi32>,
      %scan3A_830 = arith.constant 0 : i32
      %scan3A_831 = arith.constant 3 : i32
      %scan3A_832 = arith.addi %scan3A_810, %scan3A_831 : i32
      %mul3A_833 = arith.constant 16 : i32
      %mul3A_834 = arith.muli %scan3A_832, %mul3A_833 : i32
      %swap3A_835 = arith.index_cast %mul3A_834 : i32 to index
      %swap3A_836 = tpu.vector_load %arg7[%swap3A_835] {strides = array<i32>} : memref<16384xi32, #tpu.memory_space<vmem>>, vector<16xi32>,
      tpu.vector_store %arg7[%swap3A_835], %broadcast_in_dim3A_3 {strides = array<i32>} : memref<16384xi32, #tpu.memory_space<vmem>>, vector<16xi32>,
      %scan3A_837 = arith.constant 0 : i32
      scf.yield %scan3A_837 : i32
    }
    %scan3A_9 = arith.constant 1024 : i32
    %dma_start3A = arith.constant 0 : i32
    %dma_start3A_10 = tpu.memref_slice %arg6[%dma_start3A] : memref<8192xf32, #tpu.memory_space<vmem>> -> memref<128xf32, #tpu.memory_space<vmem>>
    %dma_start3A_11 = arith.constant 0 : i32
    %dma_start3A_12 = tpu.memref_slice %arg5[%dma_start3A_11] : memref<8192xi32, #tpu.memory_space<vmem>> -> memref<128xi32, #tpu.memory_space<vmem>>
    %dma_start3A_13 = arith.constant 0 : i32
    %dma_start3A_14 = tpu.memref_slice %arg2[%dma_start3A_13] : memref<524288xf32, #tpu.memory_space<hbm>> -> memref<524288xf32, #tpu.memory_space<hbm>>
    tpu.enqueue_indirect_dma source(%dma_start3A_14 : memref<524288xf32, #tpu.memory_space<hbm>>) target(%dma_start3A_10 : memref<128xf32, #tpu.memory_space<vmem>>) offsets(%dma_start3A_12 : memref<128xi32, #tpu.memory_space<vmem>>) semaphore(%arg11 : memref<!tpu.dma_semaphore, #tpu.memory_space<semaphore_mem>>)
    %dma_start3A_15 = arith.constant 128 : i32
    %dma_start3A_16 = tpu.memref_slice %arg6[%dma_start3A_15] : memref<8192xf32, #tpu.memory_space<vmem>> -> memref<128xf32, #tpu.memory_space<vmem>>
    %dma_start3A_17 = arith.constant 128 : i32
    %dma_start3A_18 = tpu.memref_slice %arg5[%dma_start3A_17] : memref<8192xi32, #tpu.memory_space<vmem>> -> memref<128xi32, #tpu.memory_space<vmem>>
    %dma_start3A_19 = arith.constant 0 : i32
    %dma_start3A_20 = tpu.memref_slice %arg2[%dma_start3A_19] : memref<524288xf32, #tpu.memory_space<hbm>> -> memref<524288xf32, #tpu.memory_space<hbm>>
    tpu.enqueue_indirect_dma source(%dma_start3A_20 : memref<524288xf32, #tpu.memory_space<hbm>>) target(%dma_start3A_16 : memref<128xf32, #tpu.memory_space<vmem>>) offsets(%dma_start3A_18 : memref<128xi32, #tpu.memory_space<vmem>>) semaphore(%arg11 : memref<!tpu.dma_semaphore, #tpu.memory_space<semaphore_mem>>)
    %dma_start3A_21 = arith.constant 256 : i32
    %dma_start3A_22 = tpu.memref_slice %arg6[%dma_start3A_21] : memref<8192xf32, #tpu.memory_space<vmem>> -> memref<128xf32, #tpu.memory_space<vmem>>
    %dma_start3A_23 = arith.constant 256 : i32
    %dma_start3A_24 = tpu.memref_slice %arg5[%dma_start3A_23] : memref<8192xi32, #tpu.memory_space<vmem>> -> memref<128xi32, #tpu.memory_space<vmem>>
    %dma_start3A_25 = arith.constant 0 : i32
    %dma_start3A_26 = tpu.memref_slice %arg2[%dma_start3A_25] : memref<524288xf32, #tpu.memory_space<hbm>> -> memref<524288xf32, #tpu.memory_space<hbm>>
    tpu.enqueue_indirect_dma source(%dma_start3A_26 : memref<524288xf32, #tpu.memory_space<hbm>>) target(%dma_start3A_22 : memref<128xf32, #tpu.memory_space<vmem>>) offsets(%dma_start3A_24 : memref<128xi32, #tpu.memory_space<vmem>>) semaphore(%arg11 : memref<!tpu.dma_semaphore, #tpu.memory_space<semaphore_mem>>)
    %dma_start3A_27 = arith.constant 384 : i32
    %dma_start3A_28 = tpu.memref_slice %arg6[%dma_start3A_27] : memref<8192xf32, #tpu.memory_space<vmem>> -> memref<128xf32, #tpu.memory_space<vmem>>
    %dma_start3A_29 = arith.constant 384 : i32
    %dma_start3A_30 = tpu.memref_slice %arg5[%dma_start3A_29] : memref<8192xi32, #tpu.memory_space<vmem>> -> memref<128xi32, #tpu.memory_space<vmem>>
    %dma_start3A_31 = arith.constant 0 : i32
    %dma_start3A_32 = tpu.memref_slice %arg2[%dma_start3A_31] : memref<524288xf32, #tpu.memory_space<hbm>> -> memref<524288xf32, #tpu.memory_space<hbm>>
    tpu.enqueue_indirect_dma source(%dma_start3A_32 : memref<524288xf32, #tpu.memory_space<hbm>>) target(%dma_start3A_28 : memref<128xf32, #tpu.memory_space<vmem>>) offsets(%dma_start3A_30 : memref<128xi32, #tpu.memory_space<vmem>>) semaphore(%arg11 : memref<!tpu.dma_semaphore, #tpu.memory_space<semaphore_mem>>)
    %dma_start3A_33 = arith.constant 512 : i32
    %dma_start3A_34 = tpu.memref_slice %arg6[%dma_start3A_33] : memref<8192xf32, #tpu.memory_space<vmem>> -> memref<128xf32, #tpu.memory_space<vmem>>
    %dma_start3A_35 = arith.constant 512 : i32
    %dma_start3A_36 = tpu.memref_slice %arg5[%dma_start3A_35] : memref<8192xi32, #tpu.memory_space<vmem>> -> memref<128xi32, #tpu.memory_space<vmem>>
    %dma_start3A_37 = arith.constant 0 : i32
    %dma_start3A_38 = tpu.memref_slice %arg2[%dma_start3A_37] : memref<524288xf32, #tpu.memory_space<hbm>> -> memref<524288xf32, #tpu.memory_space<hbm>>
    tpu.enqueue_indirect_dma source(%dma_start3A_38 : memref<524288xf32, #tpu.memory_space<hbm>>) target(%dma_start3A_34 : memref<128xf32, #tpu.memory_space<vmem>>) offsets(%dma_start3A_36 : memref<128xi32, #tpu.memory_space<vmem>>) semaphore(%arg11 : memref<!tpu.dma_semaphore, #tpu.memory_space<semaphore_mem>>)
    %dma_start3A_39 = arith.constant 640 : i32
    %dma_start3A_40 = tpu.memref_slice %arg6[%dma_start3A_39] : memref<8192xf32, #tpu.memory_space<vmem>> -> memref<128xf32, #tpu.memory_space<vmem>>
    %dma_start3A_41 = arith.constant 640 : i32
    %dma_start3A_42 = tpu.memref_slice %arg5[%dma_start3A_41] : memref<8192xi32, #tpu.memory_space<vmem>> -> memref<128xi32, #tpu.memory_space<vmem>>
    %dma_start3A_43 = arith.constant 0 : i32
    %dma_start3A_44 = tpu.memref_slice %arg2[%dma_start3A_43] : memref<524288xf32, #tpu.memory_space<hbm>> -> memref<524288xf32, #tpu.memory_space<hbm>>
    tpu.enqueue_indirect_dma source(%dma_start3A_44 : memref<524288xf32, #tpu.memory_space<hbm>>) target(%dma_start3A_40 : memref<128xf32, #tpu.memory_space<vmem>>) offsets(%dma_start3A_42 : memref<128xi32, #tpu.memory_space<vmem>>) semaphore(%arg11 : memref<!tpu.dma_semaphore, #tpu.memory_space<semaphore_mem>>)
    %dma_start3A_45 = arith.constant 768 : i32
    %dma_start3A_46 = tpu.memref_slice %arg6[%dma_start3A_45] : memref<8192xf32, #tpu.memory_space<vmem>> -> memref<128xf32, #tpu.memory_space<vmem>>
    %dma_start3A_47 = arith.constant 768 : i32
    %dma_start3A_48 = tpu.memref_slice %arg5[%dma_start3A_47] : memref<8192xi32, #tpu.memory_space<vmem>> -> memref<128xi32, #tpu.memory_space<vmem>>
    %dma_start3A_49 = arith.constant 0 : i32
    %dma_start3A_50 = tpu.memref_slice %arg2[%dma_start3A_49] : memref<524288xf32, #tpu.memory_space<hbm>> -> memref<524288xf32, #tpu.memory_space<hbm>>
    tpu.enqueue_indirect_dma source(%dma_start3A_50 : memref<524288xf32, #tpu.memory_space<hbm>>) target(%dma_start3A_46 : memref<128xf32, #tpu.memory_space<vmem>>) offsets(%dma_start3A_48 : memref<128xi32, #tpu.memory_space<vmem>>) semaphore(%arg11 : memref<!tpu.dma_semaphore, #tpu.memory_space<semaphore_mem>>)
    %dma_start3A_51 = arith.constant 896 : i32
    %dma_start3A_52 = tpu.memref_slice %arg6[%dma_start3A_51] : memref<8192xf32, #tpu.memory_space<vmem>> -> memref<128xf32, #tpu.memory_space<vmem>>
    %dma_start3A_53 = arith.constant 896 : i32
    %dma_start3A_54 = tpu.memref_slice %arg5[%dma_start3A_53] : memref<8192xi32, #tpu.memory_space<vmem>> -> memref<128xi32, #tpu.memory_space<vmem>>
    %dma_start3A_55 = arith.constant 0 : i32
    %dma_start3A_56 = tpu.memref_slice %arg2[%dma_start3A_55] : memref<524288xf32, #tpu.memory_space<hbm>> -> memref<524288xf32, #tpu.memory_space<hbm>>
    tpu.enqueue_indirect_dma source(%dma_start3A_56 : memref<524288xf32, #tpu.memory_space<hbm>>) target(%dma_start3A_52 : memref<128xf32, #tpu.memory_space<vmem>>) offsets(%dma_start3A_54 : memref<128xi32, #tpu.memory_space<vmem>>) semaphore(%arg11 : memref<!tpu.dma_semaphore, #tpu.memory_space<semaphore_mem>>)
    %dma_start3A_57 = arith.constant 1024 : i32
    %dma_start3A_58 = tpu.memref_slice %arg6[%dma_start3A_57] : memref<8192xf32, #tpu.memory_space<vmem>> -> memref<128xf32, #tpu.memory_space<vmem>>
    %dma_start3A_59 = arith.constant 1024 : i32
    %dma_start3A_60 = tpu.memref_slice %arg5[%dma_start3A_59] : memref<8192xi32, #tpu.memory_space<vmem>> -> memref<128xi32, #tpu.memory_space<vmem>>
    %dma_start3A_61 = arith.constant 0 : i32
    %dma_start3A_62 = tpu.memref_slice %arg2[%dma_start3A_61] : memref<524288xf32, #tpu.memory_space<hbm>> -> memref<524288xf32, #tpu.memory_space<hbm>>
    tpu.enqueue_indirect_dma source(%dma_start3A_62 : memref<524288xf32, #tpu.memory_space<hbm>>) target(%dma_start3A_58 : memref<128xf32, #tpu.memory_space<vmem>>) offsets(%dma_start3A_60 : memref<128xi32, #tpu.memory_space<vmem>>) semaphore(%arg11 : memref<!tpu.dma_semaphore, #tpu.memory_space<semaphore_mem>>)
    %dma_start3A_63 = arith.constant 1152 : i32
    %dma_start3A_64 = tpu.memref_slice %arg6[%dma_start3A_63] : memref<8192xf32, #tpu.memory_space<vmem>> -> memref<128xf32, #tpu.memory_space<vmem>>
    %dma_start3A_65 = arith.constant 1152 : i32
    %dma_start3A_66 = tpu.memref_slice %arg5[%dma_start3A_65] : memref<8192xi32, #tpu.memory_space<vmem>> -> memref<128xi32, #tpu.memory_space<vmem>>
    %dma_start3A_67 = arith.constant 0 : i32
    %dma_start3A_68 = tpu.memref_slice %arg2[%dma_start3A_67] : memref<524288xf32, #tpu.memory_space<hbm>> -> memref<524288xf32, #tpu.memory_space<hbm>>
    tpu.enqueue_indirect_dma source(%dma_start3A_68 : memref<524288xf32, #tpu.memory_space<hbm>>) target(%dma_start3A_64 : memref<128xf32, #tpu.memory_space<vmem>>) offsets(%dma_start3A_66 : memref<128xi32, #tpu.memory_space<vmem>>) semaphore(%arg11 : memref<!tpu.dma_semaphore, #tpu.memory_space<semaphore_mem>>)
    %dma_start3A_69 = arith.constant 1280 : i32
    %dma_start3A_70 = tpu.memref_slice %arg6[%dma_start3A_69] : memref<8192xf32, #tpu.memory_space<vmem>> -> memref<128xf32, #tpu.memory_space<vmem>>
    %dma_start3A_71 = arith.constant 1280 : i32
    %dma_start3A_72 = tpu.memref_slice %arg5[%dma_start3A_71] : memref<8192xi32, #tpu.memory_space<vmem>> -> memref<128xi32, #tpu.memory_space<vmem>>
    %dma_start3A_73 = arith.constant 0 : i32
    %dma_start3A_74 = tpu.memref_slice %arg2[%dma_start3A_73] : memref<524288xf32, #tpu.memory_space<hbm>> -> memref<524288xf32, #tpu.memory_space<hbm>>
    tpu.enqueue_indirect_dma source(%dma_start3A_74 : memref<524288xf32, #tpu.memory_space<hbm>>) target(%dma_start3A_70 : memref<128xf32, #tpu.memory_space<vmem>>) offsets(%dma_start3A_72 : memref<128xi32, #tpu.memory_space<vmem>>) semaphore(%arg11 : memref<!tpu.dma_semaphore, #tpu.memory_space<semaphore_mem>>)
    %dma_start3A_75 = arith.constant 1408 : i32
    %dma_start3A_76 = tpu.memref_slice %arg6[%dma_start3A_75] : memref<8192xf32, #tpu.memory_space<vmem>> -> memref<128xf32, #tpu.memory_space<vmem>>
    %dma_start3A_77 = arith.constant 1408 : i32
    %dma_start3A_78 = tpu.memref_slice %arg5[%dma_start3A_77] : memref<8192xi32, #tpu.memory_space<vmem>> -> memref<128xi32, #tpu.memory_space<vmem>>
    %dma_start3A_79 = arith.constant 0 : i32
    %dma_start3A_80 = tpu.memref_slice %arg2[%dma_start3A_79] : memref<524288xf32, #tpu.memory_space<hbm>> -> memref<524288xf32, #tpu.memory_space<hbm>>
    tpu.enqueue_indirect_dma source(%dma_start3A_80 : memref<524288xf32, #tpu.memory_space<hbm>>) target(%dma_start3A_76 : memref<128xf32, #tpu.memory_space<vmem>>) offsets(%dma_start3A_78 : memref<128xi32, #tpu.memory_space<vmem>>) semaphore(%arg11 : memref<!tpu.dma_semaphore, #tpu.memory_space<semaphore_mem>>)
    %dma_start3A_81 = arith.constant 1536 : i32
    %dma_start3A_82 = tpu.memref_slice %arg6[%dma_start3A_81] : memref<8192xf32, #tpu.memory_space<vmem>> -> memref<128xf32, #tpu.memory_space<vmem>>
    %dma_start3A_83 = arith.constant 1536 : i32
    %dma_start3A_84 = tpu.memref_slice %arg5[%dma_start3A_83] : memref<8192xi32, #tpu.memory_space<vmem>> -> memref<128xi32, #tpu.memory_space<vmem>>
    %dma_start3A_85 = arith.constant 0 : i32
    %dma_start3A_86 = tpu.memref_slice %arg2[%dma_start3A_85] : memref<524288xf32, #tpu.memory_space<hbm>> -> memref<524288xf32, #tpu.memory_space<hbm>>
    tpu.enqueue_indirect_dma source(%dma_start3A_86 : memref<524288xf32, #tpu.memory_space<hbm>>) target(%dma_start3A_82 : memref<128xf32, #tpu.memory_space<vmem>>) offsets(%dma_start3A_84 : memref<128xi32, #tpu.memory_space<vmem>>) semaphore(%arg11 : memref<!tpu.dma_semaphore, #tpu.memory_space<semaphore_mem>>)
    %dma_start3A_87 = arith.constant 1664 : i32
    %dma_start3A_88 = tpu.memref_slice %arg6[%dma_start3A_87] : memref<8192xf32, #tpu.memory_space<vmem>> -> memref<128xf32, #tpu.memory_space<vmem>>
    %dma_start3A_89 = arith.constant 1664 : i32
    %dma_start3A_90 = tpu.memref_slice %arg5[%dma_start3A_89] : memref<8192xi32, #tpu.memory_space<vmem>> -> memref<128xi32, #tpu.memory_space<vmem>>
    %dma_start3A_91 = arith.constant 0 : i32
    %dma_start3A_92 = tpu.memref_slice %arg2[%dma_start3A_91] : memref<524288xf32, #tpu.memory_space<hbm>> -> memref<524288xf32, #tpu.memory_space<hbm>>
    tpu.enqueue_indirect_dma source(%dma_start3A_92 : memref<524288xf32, #tpu.memory_space<hbm>>) target(%dma_start3A_88 : memref<128xf32, #tpu.memory_space<vmem>>) offsets(%dma_start3A_90 : memref<128xi32, #tpu.memory_space<vmem>>) semaphore(%arg11 : memref<!tpu.dma_semaphore, #tpu.memory_space<semaphore_mem>>)
    %dma_start3A_93 = arith.constant 1792 : i32
    %dma_start3A_94 = tpu.memref_slice %arg6[%dma_start3A_93] : memref<8192xf32, #tpu.memory_space<vmem>> -> memref<128xf32, #tpu.memory_space<vmem>>
    %dma_start3A_95 = arith.constant 1792 : i32
    %dma_start3A_96 = tpu.memref_slice %arg5[%dma_start3A_95] : memref<8192xi32, #tpu.memory_space<vmem>> -> memref<128xi32, #tpu.memory_space<vmem>>
    %dma_start3A_97 = arith.constant 0 : i32
    %dma_start3A_98 = tpu.memref_slice %arg2[%dma_start3A_97] : memref<524288xf32, #tpu.memory_space<hbm>> -> memref<524288xf32, #tpu.memory_space<hbm>>
    tpu.enqueue_indirect_dma source(%dma_start3A_98 : memref<524288xf32, #tpu.memory_space<hbm>>) target(%dma_start3A_94 : memref<128xf32, #tpu.memory_space<vmem>>) offsets(%dma_start3A_96 : memref<128xi32, #tpu.memory_space<vmem>>) semaphore(%arg11 : memref<!tpu.dma_semaphore, #tpu.memory_space<semaphore_mem>>)
    %dma_start3A_99 = arith.constant 1920 : i32
    %dma_start3A_100 = tpu.memref_slice %arg6[%dma_start3A_99] : memref<8192xf32, #tpu.memory_space<vmem>> -> memref<128xf32, #tpu.memory_space<vmem>>
    %dma_start3A_101 = arith.constant 1920 : i32
    %dma_start3A_102 = tpu.memref_slice %arg5[%dma_start3A_101] : memref<8192xi32, #tpu.memory_space<vmem>> -> memref<128xi32, #tpu.memory_space<vmem>>
    %dma_start3A_103 = arith.constant 0 : i32
    %dma_start3A_104 = tpu.memref_slice %arg2[%dma_start3A_103] : memref<524288xf32, #tpu.memory_space<hbm>> -> memref<524288xf32, #tpu.memory_space<hbm>>
    tpu.enqueue_indirect_dma source(%dma_start3A_104 : memref<524288xf32, #tpu.memory_space<hbm>>) target(%dma_start3A_100 : memref<128xf32, #tpu.memory_space<vmem>>) offsets(%dma_start3A_102 : memref<128xi32, #tpu.memory_space<vmem>>) semaphore(%arg11 : memref<!tpu.dma_semaphore, #tpu.memory_space<semaphore_mem>>)
    %dma_start3A_105 = arith.constant 2048 : i32
    %dma_start3A_106 = tpu.memref_slice %arg6[%dma_start3A_105] : memref<8192xf32, #tpu.memory_space<vmem>> -> memref<128xf32, #tpu.memory_space<vmem>>
    %dma_start3A_107 = arith.constant 2048 : i32
    %dma_start3A_108 = tpu.memref_slice %arg5[%dma_start3A_107] : memref<8192xi32, #tpu.memory_space<vmem>> -> memref<128xi32, #tpu.memory_space<vmem>>
    %dma_start3A_109 = arith.constant 0 : i32
    %dma_start3A_110 = tpu.memref_slice %arg2[%dma_start3A_109] : memref<524288xf32, #tpu.memory_space<hbm>> -> memref<524288xf32, #tpu.memory_space<hbm>>
    tpu.enqueue_indirect_dma source(%dma_start3A_110 : memref<524288xf32, #tpu.memory_space<hbm>>) target(%dma_start3A_106 : memref<128xf32, #tpu.memory_space<vmem>>) offsets(%dma_start3A_108 : memref<128xi32, #tpu.memory_space<vmem>>) semaphore(%arg11 : memref<!tpu.dma_semaphore, #tpu.memory_space<semaphore_mem>>)
    %dma_start3A_111 = arith.constant 2176 : i32
    %dma_start3A_112 = tpu.memref_slice %arg6[%dma_start3A_111] : memref<8192xf32, #tpu.memory_space<vmem>> -> memref<128xf32, #tpu.memory_space<vmem>>
    %dma_start3A_113 = arith.constant 2176 : i32
    %dma_start3A_114 = tpu.memref_slice %arg5[%dma_start3A_113] : memref<8192xi32, #tpu.memory_space<vmem>> -> memref<128xi32, #tpu.memory_space<vmem>>
    %dma_start3A_115 = arith.constant 0 : i32
    %dma_start3A_116 = tpu.memref_slice %arg2[%dma_start3A_115] : memref<524288xf32, #tpu.memory_space<hbm>> -> memref<524288xf32, #tpu.memory_space<hbm>>
    tpu.enqueue_indirect_dma source(%dma_start3A_116 : memref<524288xf32, #tpu.memory_space<hbm>>) target(%dma_start3A_112 : memref<128xf32, #tpu.memory_space<vmem>>) offsets(%dma_start3A_114 : memref<128xi32, #tpu.memory_space<vmem>>) semaphore(%arg11 : memref<!tpu.dma_semaphore, #tpu.memory_space<semaphore_mem>>)
    %dma_start3A_117 = arith.constant 2304 : i32
    %dma_start3A_118 = tpu.memref_slice %arg6[%dma_start3A_117] : memref<8192xf32, #tpu.memory_space<vmem>> -> memref<128xf32, #tpu.memory_space<vmem>>
    %dma_start3A_119 = arith.constant 2304 : i32
    %dma_start3A_120 = tpu.memref_slice %arg5[%dma_start3A_119] : memref<8192xi32, #tpu.memory_space<vmem>> -> memref<128xi32, #tpu.memory_space<vmem>>
    %dma_start3A_121 = arith.constant 0 : i32
    %dma_start3A_122 = tpu.memref_slice %arg2[%dma_start3A_121] : memref<524288xf32, #tpu.memory_space<hbm>> -> memref<524288xf32, #tpu.memory_space<hbm>>
    tpu.enqueue_indirect_dma source(%dma_start3A_122 : memref<524288xf32, #tpu.memory_space<hbm>>) target(%dma_start3A_118 : memref<128xf32, #tpu.memory_space<vmem>>) offsets(%dma_start3A_120 : memref<128xi32, #tpu.memory_space<vmem>>) semaphore(%arg11 : memref<!tpu.dma_semaphore, #tpu.memory_space<semaphore_mem>>)
    %dma_start3A_123 = arith.constant 2432 : i32
    %dma_start3A_124 = tpu.memref_slice %arg6[%dma_start3A_123] : memref<8192xf32, #tpu.memory_space<vmem>> -> memref<128xf32, #tpu.memory_space<vmem>>
    %dma_start3A_125 = arith.constant 2432 : i32
    %dma_start3A_126 = tpu.memref_slice %arg5[%dma_start3A_125] : memref<8192xi32, #tpu.memory_space<vmem>> -> memref<128xi32, #tpu.memory_space<vmem>>
    %dma_start3A_127 = arith.constant 0 : i32
    %dma_start3A_128 = tpu.memref_slice %arg2[%dma_start3A_127] : memref<524288xf32, #tpu.memory_space<hbm>> -> memref<524288xf32, #tpu.memory_space<hbm>>
    tpu.enqueue_indirect_dma source(%dma_start3A_128 : memref<524288xf32, #tpu.memory_space<hbm>>) target(%dma_start3A_124 : memref<128xf32, #tpu.memory_space<vmem>>) offsets(%dma_start3A_126 : memref<128xi32, #tpu.memory_space<vmem>>) semaphore(%arg11 : memref<!tpu.dma_semaphore, #tpu.memory_space<semaphore_mem>>)
    %dma_start3A_129 = arith.constant 2560 : i32
    %dma_start3A_130 = tpu.memref_slice %arg6[%dma_start3A_129] : memref<8192xf32, #tpu.memory_space<vmem>> -> memref<128xf32, #tpu.memory_space<vmem>>
    %dma_start3A_131 = arith.constant 2560 : i32
    %dma_start3A_132 = tpu.memref_slice %arg5[%dma_start3A_131] : memref<8192xi32, #tpu.memory_space<vmem>> -> memref<128xi32, #tpu.memory_space<vmem>>
    %dma_start3A_133 = arith.constant 0 : i32
    %dma_start3A_134 = tpu.memref_slice %arg2[%dma_start3A_133] : memref<524288xf32, #tpu.memory_space<hbm>> -> memref<524288xf32, #tpu.memory_space<hbm>>
    tpu.enqueue_indirect_dma source(%dma_start3A_134 : memref<524288xf32, #tpu.memory_space<hbm>>) target(%dma_start3A_130 : memref<128xf32, #tpu.memory_space<vmem>>) offsets(%dma_start3A_132 : memref<128xi32, #tpu.memory_space<vmem>>) semaphore(%arg11 : memref<!tpu.dma_semaphore, #tpu.memory_space<semaphore_mem>>)
    %dma_start3A_135 = arith.constant 2688 : i32
    %dma_start3A_136 = tpu.memref_slice %arg6[%dma_start3A_135] : memref<8192xf32, #tpu.memory_space<vmem>> -> memref<128xf32, #tpu.memory_space<vmem>>
    %dma_start3A_137 = arith.constant 2688 : i32
    %dma_start3A_138 = tpu.memref_slice %arg5[%dma_start3A_137] : memref<8192xi32, #tpu.memory_space<vmem>> -> memref<128xi32, #tpu.memory_space<vmem>>
    %dma_start3A_139 = arith.constant 0 : i32
    %dma_start3A_140 = tpu.memref_slice %arg2[%dma_start3A_139] : memref<524288xf32, #tpu.memory_space<hbm>> -> memref<524288xf32, #tpu.memory_space<hbm>>
    tpu.enqueue_indirect_dma source(%dma_start3A_140 : memref<524288xf32, #tpu.memory_space<hbm>>) target(%dma_start3A_136 : memref<128xf32, #tpu.memory_space<vmem>>) offsets(%dma_start3A_138 : memref<128xi32, #tpu.memory_space<vmem>>) semaphore(%arg11 : memref<!tpu.dma_semaphore, #tpu.memory_space<semaphore_mem>>)
    %dma_start3A_141 = arith.constant 2816 : i32
    %dma_start3A_142 = tpu.memref_slice %arg6[%dma_start3A_141] : memref<8192xf32, #tpu.memory_space<vmem>> -> memref<128xf32, #tpu.memory_space<vmem>>
    %dma_start3A_143 = arith.constant 2816 : i32
    %dma_start3A_144 = tpu.memref_slice %arg5[%dma_start3A_143] : memref<8192xi32, #tpu.memory_space<vmem>> -> memref<128xi32, #tpu.memory_space<vmem>>
    %dma_start3A_145 = arith.constant 0 : i32
    %dma_start3A_146 = tpu.memref_slice %arg2[%dma_start3A_145] : memref<524288xf32, #tpu.memory_space<hbm>> -> memref<524288xf32, #tpu.memory_space<hbm>>
    tpu.enqueue_indirect_dma source(%dma_start3A_146 : memref<524288xf32, #tpu.memory_space<hbm>>) target(%dma_start3A_142 : memref<128xf32, #tpu.memory_space<vmem>>) offsets(%dma_start3A_144 : memref<128xi32, #tpu.memory_space<vmem>>) semaphore(%arg11 : memref<!tpu.dma_semaphore, #tpu.memory_space<semaphore_mem>>)
    %dma_start3A_147 = arith.constant 2944 : i32
    %dma_start3A_148 = tpu.memref_slice %arg6[%dma_start3A_147] : memref<8192xf32, #tpu.memory_space<vmem>> -> memref<128xf32, #tpu.memory_space<vmem>>
    %dma_start3A_149 = arith.constant 2944 : i32
    %dma_start3A_150 = tpu.memref_slice %arg5[%dma_start3A_149] : memref<8192xi32, #tpu.memory_space<vmem>> -> memref<128xi32, #tpu.memory_space<vmem>>
    %dma_start3A_151 = arith.constant 0 : i32
    %dma_start3A_152 = tpu.memref_slice %arg2[%dma_start3A_151] : memref<524288xf32, #tpu.memory_space<hbm>> -> memref<524288xf32, #tpu.memory_space<hbm>>
    tpu.enqueue_indirect_dma source(%dma_start3A_152 : memref<524288xf32, #tpu.memory_space<hbm>>) target(%dma_start3A_148 : memref<128xf32, #tpu.memory_space<vmem>>) offsets(%dma_start3A_150 : memref<128xi32, #tpu.memory_space<vmem>>) semaphore(%arg11 : memref<!tpu.dma_semaphore, #tpu.memory_space<semaphore_mem>>)
    %dma_start3A_153 = arith.constant 3072 : i32
    %dma_start3A_154 = tpu.memref_slice %arg6[%dma_start3A_153] : memref<8192xf32, #tpu.memory_space<vmem>> -> memref<128xf32, #tpu.memory_space<vmem>>
    %dma_start3A_155 = arith.constant 3072 : i32
    %dma_start3A_156 = tpu.memref_slice %arg5[%dma_start3A_155] : memref<8192xi32, #tpu.memory_space<vmem>> -> memref<128xi32, #tpu.memory_space<vmem>>
    %dma_start3A_157 = arith.constant 0 : i32
    %dma_start3A_158 = tpu.memref_slice %arg2[%dma_start3A_157] : memref<524288xf32, #tpu.memory_space<hbm>> -> memref<524288xf32, #tpu.memory_space<hbm>>
    tpu.enqueue_indirect_dma source(%dma_start3A_158 : memref<524288xf32, #tpu.memory_space<hbm>>) target(%dma_start3A_154 : memref<128xf32, #tpu.memory_space<vmem>>) offsets(%dma_start3A_156 : memref<128xi32, #tpu.memory_space<vmem>>) semaphore(%arg11 : memref<!tpu.dma_semaphore, #tpu.memory_space<semaphore_mem>>)
    %dma_start3A_159 = arith.constant 3200 : i32
    %dma_start3A_160 = tpu.memref_slice %arg6[%dma_start3A_159] : memref<8192xf32, #tpu.memory_space<vmem>> -> memref<128xf32, #tpu.memory_space<vmem>>
    %dma_start3A_161 = arith.constant 3200 : i32
    %dma_start3A_162 = tpu.memref_slice %arg5[%dma_start3A_161] : memref<8192xi32, #tpu.memory_space<vmem>> -> memref<128xi32, #tpu.memory_space<vmem>>
    %dma_start3A_163 = arith.constant 0 : i32
    %dma_start3A_164 = tpu.memref_slice %arg2[%dma_start3A_163] : memref<524288xf32, #tpu.memory_space<hbm>> -> memref<524288xf32, #tpu.memory_space<hbm>>
    tpu.enqueue_indirect_dma source(%dma_start3A_164 : memref<524288xf32, #tpu.memory_space<hbm>>) target(%dma_start3A_160 : memref<128xf32, #tpu.memory_space<vmem>>) offsets(%dma_start3A_162 : memref<128xi32, #tpu.memory_space<vmem>>) semaphore(%arg11 : memref<!tpu.dma_semaphore, #tpu.memory_space<semaphore_mem>>)
    %dma_start3A_165 = arith.constant 3328 : i32
    %dma_start3A_166 = tpu.memref_slice %arg6[%dma_start3A_165] : memref<8192xf32, #tpu.memory_space<vmem>> -> memref<128xf32, #tpu.memory_space<vmem>>
    %dma_start3A_167 = arith.constant 3328 : i32
    %dma_start3A_168 = tpu.memref_slice %arg5[%dma_start3A_167] : memref<8192xi32, #tpu.memory_space<vmem>> -> memref<128xi32, #tpu.memory_space<vmem>>
    %dma_start3A_169 = arith.constant 0 : i32
    %dma_start3A_170 = tpu.memref_slice %arg2[%dma_start3A_169] : memref<524288xf32, #tpu.memory_space<hbm>> -> memref<524288xf32, #tpu.memory_space<hbm>>
    tpu.enqueue_indirect_dma source(%dma_start3A_170 : memref<524288xf32, #tpu.memory_space<hbm>>) target(%dma_start3A_166 : memref<128xf32, #tpu.memory_space<vmem>>) offsets(%dma_start3A_168 : memref<128xi32, #tpu.memory_space<vmem>>) semaphore(%arg11 : memref<!tpu.dma_semaphore, #tpu.memory_space<semaphore_mem>>)
    %dma_start3A_171 = arith.constant 3456 : i32
    %dma_start3A_172 = tpu.memref_slice %arg6[%dma_start3A_171] : memref<8192xf32, #tpu.memory_space<vmem>> -> memref<128xf32, #tpu.memory_space<vmem>>
    %dma_start3A_173 = arith.constant 3456 : i32
    %dma_start3A_174 = tpu.memref_slice %arg5[%dma_start3A_173] : memref<8192xi32, #tpu.memory_space<vmem>> -> memref<128xi32, #tpu.memory_space<vmem>>
    %dma_start3A_175 = arith.constant 0 : i32
    %dma_start3A_176 = tpu.memref_slice %arg2[%dma_start3A_175] : memref<524288xf32, #tpu.memory_space<hbm>> -> memref<524288xf32, #tpu.memory_space<hbm>>
    tpu.enqueue_indirect_dma source(%dma_start3A_176 : memref<524288xf32, #tpu.memory_space<hbm>>) target(%dma_start3A_172 : memref<128xf32, #tpu.memory_space<vmem>>) offsets(%dma_start3A_174 : memref<128xi32, #tpu.memory_space<vmem>>) semaphore(%arg11 : memref<!tpu.dma_semaphore, #tpu.memory_space<semaphore_mem>>)
    %dma_start3A_177 = arith.constant 3584 : i32
    %dma_start3A_178 = tpu.memref_slice %arg6[%dma_start3A_177] : memref<8192xf32, #tpu.memory_space<vmem>> -> memref<128xf32, #tpu.memory_space<vmem>>
    %dma_start3A_179 = arith.constant 3584 : i32
    %dma_start3A_180 = tpu.memref_slice %arg5[%dma_start3A_179] : memref<8192xi32, #tpu.memory_space<vmem>> -> memref<128xi32, #tpu.memory_space<vmem>>
    %dma_start3A_181 = arith.constant 0 : i32
    %dma_start3A_182 = tpu.memref_slice %arg2[%dma_start3A_181] : memref<524288xf32, #tpu.memory_space<hbm>> -> memref<524288xf32, #tpu.memory_space<hbm>>
    tpu.enqueue_indirect_dma source(%dma_start3A_182 : memref<524288xf32, #tpu.memory_space<hbm>>) target(%dma_start3A_178 : memref<128xf32, #tpu.memory_space<vmem>>) offsets(%dma_start3A_180 : memref<128xi32, #tpu.memory_space<vmem>>) semaphore(%arg11 : memref<!tpu.dma_semaphore, #tpu.memory_space<semaphore_mem>>)
    %dma_start3A_183 = arith.constant 3712 : i32
    %dma_start3A_184 = tpu.memref_slice %arg6[%dma_start3A_183] : memref<8192xf32, #tpu.memory_space<vmem>> -> memref<128xf32, #tpu.memory_space<vmem>>
    %dma_start3A_185 = arith.constant 3712 : i32
    %dma_start3A_186 = tpu.memref_slice %arg5[%dma_start3A_185] : memref<8192xi32, #tpu.memory_space<vmem>> -> memref<128xi32, #tpu.memory_space<vmem>>
    %dma_start3A_187 = arith.constant 0 : i32
    %dma_start3A_188 = tpu.memref_slice %arg2[%dma_start3A_187] : memref<524288xf32, #tpu.memory_space<hbm>> -> memref<524288xf32, #tpu.memory_space<hbm>>
    tpu.enqueue_indirect_dma source(%dma_start3A_188 : memref<524288xf32, #tpu.memory_space<hbm>>) target(%dma_start3A_184 : memref<128xf32, #tpu.memory_space<vmem>>) offsets(%dma_start3A_186 : memref<128xi32, #tpu.memory_space<vmem>>) semaphore(%arg11 : memref<!tpu.dma_semaphore, #tpu.memory_space<semaphore_mem>>)
    %dma_start3A_189 = arith.constant 3840 : i32
    %dma_start3A_190 = tpu.memref_slice %arg6[%dma_start3A_189] : memref<8192xf32, #tpu.memory_space<vmem>> -> memref<128xf32, #tpu.memory_space<vmem>>
    %dma_start3A_191 = arith.constant 3840 : i32
    %dma_start3A_192 = tpu.memref_slice %arg5[%dma_start3A_191] : memref<8192xi32, #tpu.memory_space<vmem>> -> memref<128xi32, #tpu.memory_space<vmem>>
    %dma_start3A_193 = arith.constant 0 : i32
    %dma_start3A_194 = tpu.memref_slice %arg2[%dma_start3A_193] : memref<524288xf32, #tpu.memory_space<hbm>> -> memref<524288xf32, #tpu.memory_space<hbm>>
    tpu.enqueue_indirect_dma source(%dma_start3A_194 : memref<524288xf32, #tpu.memory_space<hbm>>) target(%dma_start3A_190 : memref<128xf32, #tpu.memory_space<vmem>>) offsets(%dma_start3A_192 : memref<128xi32, #tpu.memory_space<vmem>>) semaphore(%arg11 : memref<!tpu.dma_semaphore, #tpu.memory_space<semaphore_mem>>)
    %dma_start3A_195 = arith.constant 3968 : i32
    %dma_start3A_196 = tpu.memref_slice %arg6[%dma_start3A_195] : memref<8192xf32, #tpu.memory_space<vmem>> -> memref<128xf32, #tpu.memory_space<vmem>>
    %dma_start3A_197 = arith.constant 3968 : i32
    %dma_start3A_198 = tpu.memref_slice %arg5[%dma_start3A_197] : memref<8192xi32, #tpu.memory_space<vmem>> -> memref<128xi32, #tpu.memory_space<vmem>>
    %dma_start3A_199 = arith.constant 0 : i32
    %dma_start3A_200 = tpu.memref_slice %arg2[%dma_start3A_199] : memref<524288xf32, #tpu.memory_space<hbm>> -> memref<524288xf32, #tpu.memory_space<hbm>>
    tpu.enqueue_indirect_dma source(%dma_start3A_200 : memref<524288xf32, #tpu.memory_space<hbm>>) target(%dma_start3A_196 : memref<128xf32, #tpu.memory_space<vmem>>) offsets(%dma_start3A_198 : memref<128xi32, #tpu.memory_space<vmem>>) semaphore(%arg11 : memref<!tpu.dma_semaphore, #tpu.memory_space<semaphore_mem>>)
    %dma_start3A_201 = arith.constant 4096 : i32
    %dma_start3A_202 = tpu.memref_slice %arg6[%dma_start3A_201] : memref<8192xf32, #tpu.memory_space<vmem>> -> memref<128xf32, #tpu.memory_space<vmem>>
    %dma_start3A_203 = arith.constant 4096 : i32
    %dma_start3A_204 = tpu.memref_slice %arg5[%dma_start3A_203] : memref<8192xi32, #tpu.memory_space<vmem>> -> memref<128xi32, #tpu.memory_space<vmem>>
    %dma_start3A_205 = arith.constant 0 : i32
    %dma_start3A_206 = tpu.memref_slice %arg2[%dma_start3A_205] : memref<524288xf32, #tpu.memory_space<hbm>> -> memref<524288xf32, #tpu.memory_space<hbm>>
    tpu.enqueue_indirect_dma source(%dma_start3A_206 : memref<524288xf32, #tpu.memory_space<hbm>>) target(%dma_start3A_202 : memref<128xf32, #tpu.memory_space<vmem>>) offsets(%dma_start3A_204 : memref<128xi32, #tpu.memory_space<vmem>>) semaphore(%arg11 : memref<!tpu.dma_semaphore, #tpu.memory_space<semaphore_mem>>)
    %dma_start3A_207 = arith.constant 4224 : i32
    %dma_start3A_208 = tpu.memref_slice %arg6[%dma_start3A_207] : memref<8192xf32, #tpu.memory_space<vmem>> -> memref<128xf32, #tpu.memory_space<vmem>>
    %dma_start3A_209 = arith.constant 4224 : i32
    %dma_start3A_210 = tpu.memref_slice %arg5[%dma_start3A_209] : memref<8192xi32, #tpu.memory_space<vmem>> -> memref<128xi32, #tpu.memory_space<vmem>>
    %dma_start3A_211 = arith.constant 0 : i32
    %dma_start3A_212 = tpu.memref_slice %arg2[%dma_start3A_211] : memref<524288xf32, #tpu.memory_space<hbm>> -> memref<524288xf32, #tpu.memory_space<hbm>>
    tpu.enqueue_indirect_dma source(%dma_start3A_212 : memref<524288xf32, #tpu.memory_space<hbm>>) target(%dma_start3A_208 : memref<128xf32, #tpu.memory_space<vmem>>) offsets(%dma_start3A_210 : memref<128xi32, #tpu.memory_space<vmem>>) semaphore(%arg11 : memref<!tpu.dma_semaphore, #tpu.memory_space<semaphore_mem>>)
    %dma_start3A_213 = arith.constant 4352 : i32
    %dma_start3A_214 = tpu.memref_slice %arg6[%dma_start3A_213] : memref<8192xf32, #tpu.memory_space<vmem>> -> memref<128xf32, #tpu.memory_space<vmem>>
    %dma_start3A_215 = arith.constant 4352 : i32
    %dma_start3A_216 = tpu.memref_slice %arg5[%dma_start3A_215] : memref<8192xi32, #tpu.memory_space<vmem>> -> memref<128xi32, #tpu.memory_space<vmem>>
    %dma_start3A_217 = arith.constant 0 : i32
    %dma_start3A_218 = tpu.memref_slice %arg2[%dma_start3A_217] : memref<524288xf32, #tpu.memory_space<hbm>> -> memref<524288xf32, #tpu.memory_space<hbm>>
    tpu.enqueue_indirect_dma source(%dma_start3A_218 : memref<524288xf32, #tpu.memory_space<hbm>>) target(%dma_start3A_214 : memref<128xf32, #tpu.memory_space<vmem>>) offsets(%dma_start3A_216 : memref<128xi32, #tpu.memory_space<vmem>>) semaphore(%arg11 : memref<!tpu.dma_semaphore, #tpu.memory_space<semaphore_mem>>)
    %dma_start3A_219 = arith.constant 4480 : i32
    %dma_start3A_220 = tpu.memref_slice %arg6[%dma_start3A_219] : memref<8192xf32, #tpu.memory_space<vmem>> -> memref<128xf32, #tpu.memory_space<vmem>>
    %dma_start3A_221 = arith.constant 4480 : i32
    %dma_start3A_222 = tpu.memref_slice %arg5[%dma_start3A_221] : memref<8192xi32, #tpu.memory_space<vmem>> -> memref<128xi32, #tpu.memory_space<vmem>>
    %dma_start3A_223 = arith.constant 0 : i32
    %dma_start3A_224 = tpu.memref_slice %arg2[%dma_start3A_223] : memref<524288xf32, #tpu.memory_space<hbm>> -> memref<524288xf32, #tpu.memory_space<hbm>>
    tpu.enqueue_indirect_dma source(%dma_start3A_224 : memref<524288xf32, #tpu.memory_space<hbm>>) target(%dma_start3A_220 : memref<128xf32, #tpu.memory_space<vmem>>) offsets(%dma_start3A_222 : memref<128xi32, #tpu.memory_space<vmem>>) semaphore(%arg11 : memref<!tpu.dma_semaphore, #tpu.memory_space<semaphore_mem>>)
    %dma_start3A_225 = arith.constant 4608 : i32
    %dma_start3A_226 = tpu.memref_slice %arg6[%dma_start3A_225] : memref<8192xf32, #tpu.memory_space<vmem>> -> memref<128xf32, #tpu.memory_space<vmem>>
    %dma_start3A_227 = arith.constant 4608 : i32
    %dma_start3A_228 = tpu.memref_slice %arg5[%dma_start3A_227] : memref<8192xi32, #tpu.memory_space<vmem>> -> memref<128xi32, #tpu.memory_space<vmem>>
    %dma_start3A_229 = arith.constant 0 : i32
    %dma_start3A_230 = tpu.memref_slice %arg2[%dma_start3A_229] : memref<524288xf32, #tpu.memory_space<hbm>> -> memref<524288xf32, #tpu.memory_space<hbm>>
    tpu.enqueue_indirect_dma source(%dma_start3A_230 : memref<524288xf32, #tpu.memory_space<hbm>>) target(%dma_start3A_226 : memref<128xf32, #tpu.memory_space<vmem>>) offsets(%dma_start3A_228 : memref<128xi32, #tpu.memory_space<vmem>>) semaphore(%arg11 : memref<!tpu.dma_semaphore, #tpu.memory_space<semaphore_mem>>)
    %dma_start3A_231 = arith.constant 4736 : i32
    %dma_start3A_232 = tpu.memref_slice %arg6[%dma_start3A_231] : memref<8192xf32, #tpu.memory_space<vmem>> -> memref<128xf32, #tpu.memory_space<vmem>>
    %dma_start3A_233 = arith.constant 4736 : i32
    %dma_start3A_234 = tpu.memref_slice %arg5[%dma_start3A_233] : memref<8192xi32, #tpu.memory_space<vmem>> -> memref<128xi32, #tpu.memory_space<vmem>>
    %dma_start3A_235 = arith.constant 0 : i32
    %dma_start3A_236 = tpu.memref_slice %arg2[%dma_start3A_235] : memref<524288xf32, #tpu.memory_space<hbm>> -> memref<524288xf32, #tpu.memory_space<hbm>>
    tpu.enqueue_indirect_dma source(%dma_start3A_236 : memref<524288xf32, #tpu.memory_space<hbm>>) target(%dma_start3A_232 : memref<128xf32, #tpu.memory_space<vmem>>) offsets(%dma_start3A_234 : memref<128xi32, #tpu.memory_space<vmem>>) semaphore(%arg11 : memref<!tpu.dma_semaphore, #tpu.memory_space<semaphore_mem>>)
    %dma_start3A_237 = arith.constant 4864 : i32
    %dma_start3A_238 = tpu.memref_slice %arg6[%dma_start3A_237] : memref<8192xf32, #tpu.memory_space<vmem>> -> memref<128xf32, #tpu.memory_space<vmem>>
    %dma_start3A_239 = arith.constant 4864 : i32
    %dma_start3A_240 = tpu.memref_slice %arg5[%dma_start3A_239] : memref<8192xi32, #tpu.memory_space<vmem>> -> memref<128xi32, #tpu.memory_space<vmem>>
    %dma_start3A_241 = arith.constant 0 : i32
    %dma_start3A_242 = tpu.memref_slice %arg2[%dma_start3A_241] : memref<524288xf32, #tpu.memory_space<hbm>> -> memref<524288xf32, #tpu.memory_space<hbm>>
    tpu.enqueue_indirect_dma source(%dma_start3A_242 : memref<524288xf32, #tpu.memory_space<hbm>>) target(%dma_start3A_238 : memref<128xf32, #tpu.memory_space<vmem>>) offsets(%dma_start3A_240 : memref<128xi32, #tpu.memory_space<vmem>>) semaphore(%arg11 : memref<!tpu.dma_semaphore, #tpu.memory_space<semaphore_mem>>)
    %dma_start3A_243 = arith.constant 4992 : i32
    %dma_start3A_244 = tpu.memref_slice %arg6[%dma_start3A_243] : memref<8192xf32, #tpu.memory_space<vmem>> -> memref<128xf32, #tpu.memory_space<vmem>>
    %dma_start3A_245 = arith.constant 4992 : i32
    %dma_start3A_246 = tpu.memref_slice %arg5[%dma_start3A_245] : memref<8192xi32, #tpu.memory_space<vmem>> -> memref<128xi32, #tpu.memory_space<vmem>>
    %dma_start3A_247 = arith.constant 0 : i32
    %dma_start3A_248 = tpu.memref_slice %arg2[%dma_start3A_247] : memref<524288xf32, #tpu.memory_space<hbm>> -> memref<524288xf32, #tpu.memory_space<hbm>>
    tpu.enqueue_indirect_dma source(%dma_start3A_248 : memref<524288xf32, #tpu.memory_space<hbm>>) target(%dma_start3A_244 : memref<128xf32, #tpu.memory_space<vmem>>) offsets(%dma_start3A_246 : memref<128xi32, #tpu.memory_space<vmem>>) semaphore(%arg11 : memref<!tpu.dma_semaphore, #tpu.memory_space<semaphore_mem>>)
    %dma_start3A_249 = arith.constant 5120 : i32
    %dma_start3A_250 = tpu.memref_slice %arg6[%dma_start3A_249] : memref<8192xf32, #tpu.memory_space<vmem>> -> memref<128xf32, #tpu.memory_space<vmem>>
    %dma_start3A_251 = arith.constant 5120 : i32
    %dma_start3A_252 = tpu.memref_slice %arg5[%dma_start3A_251] : memref<8192xi32, #tpu.memory_space<vmem>> -> memref<128xi32, #tpu.memory_space<vmem>>
    %dma_start3A_253 = arith.constant 0 : i32
    %dma_start3A_254 = tpu.memref_slice %arg2[%dma_start3A_253] : memref<524288xf32, #tpu.memory_space<hbm>> -> memref<524288xf32, #tpu.memory_space<hbm>>
    tpu.enqueue_indirect_dma source(%dma_start3A_254 : memref<524288xf32, #tpu.memory_space<hbm>>) target(%dma_start3A_250 : memref<128xf32, #tpu.memory_space<vmem>>) offsets(%dma_start3A_252 : memref<128xi32, #tpu.memory_space<vmem>>) semaphore(%arg11 : memref<!tpu.dma_semaphore, #tpu.memory_space<semaphore_mem>>)
    %dma_start3A_255 = arith.constant 5248 : i32
    %dma_start3A_256 = tpu.memref_slice %arg6[%dma_start3A_255] : memref<8192xf32, #tpu.memory_space<vmem>> -> memref<128xf32, #tpu.memory_space<vmem>>
    %dma_start3A_257 = arith.constant 5248 : i32
    %dma_start3A_258 = tpu.memref_slice %arg5[%dma_start3A_257] : memref<8192xi32, #tpu.memory_space<vmem>> -> memref<128xi32, #tpu.memory_space<vmem>>
    %dma_start3A_259 = arith.constant 0 : i32
    %dma_start3A_260 = tpu.memref_slice %arg2[%dma_start3A_259] : memref<524288xf32, #tpu.memory_space<hbm>> -> memref<524288xf32, #tpu.memory_space<hbm>>
    tpu.enqueue_indirect_dma source(%dma_start3A_260 : memref<524288xf32, #tpu.memory_space<hbm>>) target(%dma_start3A_256 : memref<128xf32, #tpu.memory_space<vmem>>) offsets(%dma_start3A_258 : memref<128xi32, #tpu.memory_space<vmem>>) semaphore(%arg11 : memref<!tpu.dma_semaphore, #tpu.memory_space<semaphore_mem>>)
    %dma_start3A_261 = arith.constant 5376 : i32
    %dma_start3A_262 = tpu.memref_slice %arg6[%dma_start3A_261] : memref<8192xf32, #tpu.memory_space<vmem>> -> memref<128xf32, #tpu.memory_space<vmem>>
    %dma_start3A_263 = arith.constant 5376 : i32
    %dma_start3A_264 = tpu.memref_slice %arg5[%dma_start3A_263] : memref<8192xi32, #tpu.memory_space<vmem>> -> memref<128xi32, #tpu.memory_space<vmem>>
    %dma_start3A_265 = arith.constant 0 : i32
    %dma_start3A_266 = tpu.memref_slice %arg2[%dma_start3A_265] : memref<524288xf32, #tpu.memory_space<hbm>> -> memref<524288xf32, #tpu.memory_space<hbm>>
    tpu.enqueue_indirect_dma source(%dma_start3A_266 : memref<524288xf32, #tpu.memory_space<hbm>>) target(%dma_start3A_262 : memref<128xf32, #tpu.memory_space<vmem>>) offsets(%dma_start3A_264 : memref<128xi32, #tpu.memory_space<vmem>>) semaphore(%arg11 : memref<!tpu.dma_semaphore, #tpu.memory_space<semaphore_mem>>)
    %dma_start3A_267 = arith.constant 5504 : i32
    %dma_start3A_268 = tpu.memref_slice %arg6[%dma_start3A_267] : memref<8192xf32, #tpu.memory_space<vmem>> -> memref<128xf32, #tpu.memory_space<vmem>>
    %dma_start3A_269 = arith.constant 5504 : i32
    %dma_start3A_270 = tpu.memref_slice %arg5[%dma_start3A_269] : memref<8192xi32, #tpu.memory_space<vmem>> -> memref<128xi32, #tpu.memory_space<vmem>>
    %dma_start3A_271 = arith.constant 0 : i32
    %dma_start3A_272 = tpu.memref_slice %arg2[%dma_start3A_271] : memref<524288xf32, #tpu.memory_space<hbm>> -> memref<524288xf32, #tpu.memory_space<hbm>>
    tpu.enqueue_indirect_dma source(%dma_start3A_272 : memref<524288xf32, #tpu.memory_space<hbm>>) target(%dma_start3A_268 : memref<128xf32, #tpu.memory_space<vmem>>) offsets(%dma_start3A_270 : memref<128xi32, #tpu.memory_space<vmem>>) semaphore(%arg11 : memref<!tpu.dma_semaphore, #tpu.memory_space<semaphore_mem>>)
    %dma_start3A_273 = arith.constant 5632 : i32
    %dma_start3A_274 = tpu.memref_slice %arg6[%dma_start3A_273] : memref<8192xf32, #tpu.memory_space<vmem>> -> memref<128xf32, #tpu.memory_space<vmem>>
    %dma_start3A_275 = arith.constant 5632 : i32
    %dma_start3A_276 = tpu.memref_slice %arg5[%dma_start3A_275] : memref<8192xi32, #tpu.memory_space<vmem>> -> memref<128xi32, #tpu.memory_space<vmem>>
    %dma_start3A_277 = arith.constant 0 : i32
    %dma_start3A_278 = tpu.memref_slice %arg2[%dma_start3A_277] : memref<524288xf32, #tpu.memory_space<hbm>> -> memref<524288xf32, #tpu.memory_space<hbm>>
    tpu.enqueue_indirect_dma source(%dma_start3A_278 : memref<524288xf32, #tpu.memory_space<hbm>>) target(%dma_start3A_274 : memref<128xf32, #tpu.memory_space<vmem>>) offsets(%dma_start3A_276 : memref<128xi32, #tpu.memory_space<vmem>>) semaphore(%arg11 : memref<!tpu.dma_semaphore, #tpu.memory_space<semaphore_mem>>)
    %dma_start3A_279 = arith.constant 5760 : i32
    %dma_start3A_280 = tpu.memref_slice %arg6[%dma_start3A_279] : memref<8192xf32, #tpu.memory_space<vmem>> -> memref<128xf32, #tpu.memory_space<vmem>>
    %dma_start3A_281 = arith.constant 5760 : i32
    %dma_start3A_282 = tpu.memref_slice %arg5[%dma_start3A_281] : memref<8192xi32, #tpu.memory_space<vmem>> -> memref<128xi32, #tpu.memory_space<vmem>>
    %dma_start3A_283 = arith.constant 0 : i32
    %dma_start3A_284 = tpu.memref_slice %arg2[%dma_start3A_283] : memref<524288xf32, #tpu.memory_space<hbm>> -> memref<524288xf32, #tpu.memory_space<hbm>>
    tpu.enqueue_indirect_dma source(%dma_start3A_284 : memref<524288xf32, #tpu.memory_space<hbm>>) target(%dma_start3A_280 : memref<128xf32, #tpu.memory_space<vmem>>) offsets(%dma_start3A_282 : memref<128xi32, #tpu.memory_space<vmem>>) semaphore(%arg11 : memref<!tpu.dma_semaphore, #tpu.memory_space<semaphore_mem>>)
    %dma_start3A_285 = arith.constant 5888 : i32
    %dma_start3A_286 = tpu.memref_slice %arg6[%dma_start3A_285] : memref<8192xf32, #tpu.memory_space<vmem>> -> memref<128xf32, #tpu.memory_space<vmem>>
    %dma_start3A_287 = arith.constant 5888 : i32
    %dma_start3A_288 = tpu.memref_slice %arg5[%dma_start3A_287] : memref<8192xi32, #tpu.memory_space<vmem>> -> memref<128xi32, #tpu.memory_space<vmem>>
    %dma_start3A_289 = arith.constant 0 : i32
    %dma_start3A_290 = tpu.memref_slice %arg2[%dma_start3A_289] : memref<524288xf32, #tpu.memory_space<hbm>> -> memref<524288xf32, #tpu.memory_space<hbm>>
    tpu.enqueue_indirect_dma source(%dma_start3A_290 : memref<524288xf32, #tpu.memory_space<hbm>>) target(%dma_start3A_286 : memref<128xf32, #tpu.memory_space<vmem>>) offsets(%dma_start3A_288 : memref<128xi32, #tpu.memory_space<vmem>>) semaphore(%arg11 : memref<!tpu.dma_semaphore, #tpu.memory_space<semaphore_mem>>)
    %dma_start3A_291 = arith.constant 6016 : i32
    %dma_start3A_292 = tpu.memref_slice %arg6[%dma_start3A_291] : memref<8192xf32, #tpu.memory_space<vmem>> -> memref<128xf32, #tpu.memory_space<vmem>>
    %dma_start3A_293 = arith.constant 6016 : i32
    %dma_start3A_294 = tpu.memref_slice %arg5[%dma_start3A_293] : memref<8192xi32, #tpu.memory_space<vmem>> -> memref<128xi32, #tpu.memory_space<vmem>>
    %dma_start3A_295 = arith.constant 0 : i32
    %dma_start3A_296 = tpu.memref_slice %arg2[%dma_start3A_295] : memref<524288xf32, #tpu.memory_space<hbm>> -> memref<524288xf32, #tpu.memory_space<hbm>>
    tpu.enqueue_indirect_dma source(%dma_start3A_296 : memref<524288xf32, #tpu.memory_space<hbm>>) target(%dma_start3A_292 : memref<128xf32, #tpu.memory_space<vmem>>) offsets(%dma_start3A_294 : memref<128xi32, #tpu.memory_space<vmem>>) semaphore(%arg11 : memref<!tpu.dma_semaphore, #tpu.memory_space<semaphore_mem>>)
    %dma_start3A_297 = arith.constant 6144 : i32
    %dma_start3A_298 = tpu.memref_slice %arg6[%dma_start3A_297] : memref<8192xf32, #tpu.memory_space<vmem>> -> memref<128xf32, #tpu.memory_space<vmem>>
    %dma_start3A_299 = arith.constant 6144 : i32
    %dma_start3A_300 = tpu.memref_slice %arg5[%dma_start3A_299] : memref<8192xi32, #tpu.memory_space<vmem>> -> memref<128xi32, #tpu.memory_space<vmem>>
    %dma_start3A_301 = arith.constant 0 : i32
    %dma_start3A_302 = tpu.memref_slice %arg2[%dma_start3A_301] : memref<524288xf32, #tpu.memory_space<hbm>> -> memref<524288xf32, #tpu.memory_space<hbm>>
    tpu.enqueue_indirect_dma source(%dma_start3A_302 : memref<524288xf32, #tpu.memory_space<hbm>>) target(%dma_start3A_298 : memref<128xf32, #tpu.memory_space<vmem>>) offsets(%dma_start3A_300 : memref<128xi32, #tpu.memory_space<vmem>>) semaphore(%arg11 : memref<!tpu.dma_semaphore, #tpu.memory_space<semaphore_mem>>)
    %dma_start3A_303 = arith.constant 6272 : i32
    %dma_start3A_304 = tpu.memref_slice %arg6[%dma_start3A_303] : memref<8192xf32, #tpu.memory_space<vmem>> -> memref<128xf32, #tpu.memory_space<vmem>>
    %dma_start3A_305 = arith.constant 6272 : i32
    %dma_start3A_306 = tpu.memref_slice %arg5[%dma_start3A_305] : memref<8192xi32, #tpu.memory_space<vmem>> -> memref<128xi32, #tpu.memory_space<vmem>>
    %dma_start3A_307 = arith.constant 0 : i32
    %dma_start3A_308 = tpu.memref_slice %arg2[%dma_start3A_307] : memref<524288xf32, #tpu.memory_space<hbm>> -> memref<524288xf32, #tpu.memory_space<hbm>>
    tpu.enqueue_indirect_dma source(%dma_start3A_308 : memref<524288xf32, #tpu.memory_space<hbm>>) target(%dma_start3A_304 : memref<128xf32, #tpu.memory_space<vmem>>) offsets(%dma_start3A_306 : memref<128xi32, #tpu.memory_space<vmem>>) semaphore(%arg11 : memref<!tpu.dma_semaphore, #tpu.memory_space<semaphore_mem>>)
    %dma_start3A_309 = arith.constant 6400 : i32
    %dma_start3A_310 = tpu.memref_slice %arg6[%dma_start3A_309] : memref<8192xf32, #tpu.memory_space<vmem>> -> memref<128xf32, #tpu.memory_space<vmem>>
    %dma_start3A_311 = arith.constant 6400 : i32
    %dma_start3A_312 = tpu.memref_slice %arg5[%dma_start3A_311] : memref<8192xi32, #tpu.memory_space<vmem>> -> memref<128xi32, #tpu.memory_space<vmem>>
    %dma_start3A_313 = arith.constant 0 : i32
    %dma_start3A_314 = tpu.memref_slice %arg2[%dma_start3A_313] : memref<524288xf32, #tpu.memory_space<hbm>> -> memref<524288xf32, #tpu.memory_space<hbm>>
    tpu.enqueue_indirect_dma source(%dma_start3A_314 : memref<524288xf32, #tpu.memory_space<hbm>>) target(%dma_start3A_310 : memref<128xf32, #tpu.memory_space<vmem>>) offsets(%dma_start3A_312 : memref<128xi32, #tpu.memory_space<vmem>>) semaphore(%arg11 : memref<!tpu.dma_semaphore, #tpu.memory_space<semaphore_mem>>)
    %dma_start3A_315 = arith.constant 6528 : i32
    %dma_start3A_316 = tpu.memref_slice %arg6[%dma_start3A_315] : memref<8192xf32, #tpu.memory_space<vmem>> -> memref<128xf32, #tpu.memory_space<vmem>>
    %dma_start3A_317 = arith.constant 6528 : i32
    %dma_start3A_318 = tpu.memref_slice %arg5[%dma_start3A_317] : memref<8192xi32, #tpu.memory_space<vmem>> -> memref<128xi32, #tpu.memory_space<vmem>>
    %dma_start3A_319 = arith.constant 0 : i32
    %dma_start3A_320 = tpu.memref_slice %arg2[%dma_start3A_319] : memref<524288xf32, #tpu.memory_space<hbm>> -> memref<524288xf32, #tpu.memory_space<hbm>>
    tpu.enqueue_indirect_dma source(%dma_start3A_320 : memref<524288xf32, #tpu.memory_space<hbm>>) target(%dma_start3A_316 : memref<128xf32, #tpu.memory_space<vmem>>) offsets(%dma_start3A_318 : memref<128xi32, #tpu.memory_space<vmem>>) semaphore(%arg11 : memref<!tpu.dma_semaphore, #tpu.memory_space<semaphore_mem>>)
    %dma_start3A_321 = arith.constant 6656 : i32
    %dma_start3A_322 = tpu.memref_slice %arg6[%dma_start3A_321] : memref<8192xf32, #tpu.memory_space<vmem>> -> memref<128xf32, #tpu.memory_space<vmem>>
    %dma_start3A_323 = arith.constant 6656 : i32
    %dma_start3A_324 = tpu.memref_slice %arg5[%dma_start3A_323] : memref<8192xi32, #tpu.memory_space<vmem>> -> memref<128xi32, #tpu.memory_space<vmem>>
    %dma_start3A_325 = arith.constant 0 : i32
    %dma_start3A_326 = tpu.memref_slice %arg2[%dma_start3A_325] : memref<524288xf32, #tpu.memory_space<hbm>> -> memref<524288xf32, #tpu.memory_space<hbm>>
    tpu.enqueue_indirect_dma source(%dma_start3A_326 : memref<524288xf32, #tpu.memory_space<hbm>>) target(%dma_start3A_322 : memref<128xf32, #tpu.memory_space<vmem>>) offsets(%dma_start3A_324 : memref<128xi32, #tpu.memory_space<vmem>>) semaphore(%arg11 : memref<!tpu.dma_semaphore, #tpu.memory_space<semaphore_mem>>)
    %dma_start3A_327 = arith.constant 6784 : i32
    %dma_start3A_328 = tpu.memref_slice %arg6[%dma_start3A_327] : memref<8192xf32, #tpu.memory_space<vmem>> -> memref<128xf32, #tpu.memory_space<vmem>>
    %dma_start3A_329 = arith.constant 6784 : i32
    %dma_start3A_330 = tpu.memref_slice %arg5[%dma_start3A_329] : memref<8192xi32, #tpu.memory_space<vmem>> -> memref<128xi32, #tpu.memory_space<vmem>>
    %dma_start3A_331 = arith.constant 0 : i32
    %dma_start3A_332 = tpu.memref_slice %arg2[%dma_start3A_331] : memref<524288xf32, #tpu.memory_space<hbm>> -> memref<524288xf32, #tpu.memory_space<hbm>>
    tpu.enqueue_indirect_dma source(%dma_start3A_332 : memref<524288xf32, #tpu.memory_space<hbm>>) target(%dma_start3A_328 : memref<128xf32, #tpu.memory_space<vmem>>) offsets(%dma_start3A_330 : memref<128xi32, #tpu.memory_space<vmem>>) semaphore(%arg11 : memref<!tpu.dma_semaphore, #tpu.memory_space<semaphore_mem>>)
    %dma_start3A_333 = arith.constant 6912 : i32
    %dma_start3A_334 = tpu.memref_slice %arg6[%dma_start3A_333] : memref<8192xf32, #tpu.memory_space<vmem>> -> memref<128xf32, #tpu.memory_space<vmem>>
    %dma_start3A_335 = arith.constant 6912 : i32
    %dma_start3A_336 = tpu.memref_slice %arg5[%dma_start3A_335] : memref<8192xi32, #tpu.memory_space<vmem>> -> memref<128xi32, #tpu.memory_space<vmem>>
    %dma_start3A_337 = arith.constant 0 : i32
    %dma_start3A_338 = tpu.memref_slice %arg2[%dma_start3A_337] : memref<524288xf32, #tpu.memory_space<hbm>> -> memref<524288xf32, #tpu.memory_space<hbm>>
    tpu.enqueue_indirect_dma source(%dma_start3A_338 : memref<524288xf32, #tpu.memory_space<hbm>>) target(%dma_start3A_334 : memref<128xf32, #tpu.memory_space<vmem>>) offsets(%dma_start3A_336 : memref<128xi32, #tpu.memory_space<vmem>>) semaphore(%arg11 : memref<!tpu.dma_semaphore, #tpu.memory_space<semaphore_mem>>)
    %dma_start3A_339 = arith.constant 7040 : i32
    %dma_start3A_340 = tpu.memref_slice %arg6[%dma_start3A_339] : memref<8192xf32, #tpu.memory_space<vmem>> -> memref<128xf32, #tpu.memory_space<vmem>>
    %dma_start3A_341 = arith.constant 7040 : i32
    %dma_start3A_342 = tpu.memref_slice %arg5[%dma_start3A_341] : memref<8192xi32, #tpu.memory_space<vmem>> -> memref<128xi32, #tpu.memory_space<vmem>>
    %dma_start3A_343 = arith.constant 0 : i32
    %dma_start3A_344 = tpu.memref_slice %arg2[%dma_start3A_343] : memref<524288xf32, #tpu.memory_space<hbm>> -> memref<524288xf32, #tpu.memory_space<hbm>>
    tpu.enqueue_indirect_dma source(%dma_start3A_344 : memref<524288xf32, #tpu.memory_space<hbm>>) target(%dma_start3A_340 : memref<128xf32, #tpu.memory_space<vmem>>) offsets(%dma_start3A_342 : memref<128xi32, #tpu.memory_space<vmem>>) semaphore(%arg11 : memref<!tpu.dma_semaphore, #tpu.memory_space<semaphore_mem>>)
    %dma_start3A_345 = arith.constant 7168 : i32
    %dma_start3A_346 = tpu.memref_slice %arg6[%dma_start3A_345] : memref<8192xf32, #tpu.memory_space<vmem>> -> memref<128xf32, #tpu.memory_space<vmem>>
    %dma_start3A_347 = arith.constant 7168 : i32
    %dma_start3A_348 = tpu.memref_slice %arg5[%dma_start3A_347] : memref<8192xi32, #tpu.memory_space<vmem>> -> memref<128xi32, #tpu.memory_space<vmem>>
    %dma_start3A_349 = arith.constant 0 : i32
    %dma_start3A_350 = tpu.memref_slice %arg2[%dma_start3A_349] : memref<524288xf32, #tpu.memory_space<hbm>> -> memref<524288xf32, #tpu.memory_space<hbm>>
    tpu.enqueue_indirect_dma source(%dma_start3A_350 : memref<524288xf32, #tpu.memory_space<hbm>>) target(%dma_start3A_346 : memref<128xf32, #tpu.memory_space<vmem>>) offsets(%dma_start3A_348 : memref<128xi32, #tpu.memory_space<vmem>>) semaphore(%arg11 : memref<!tpu.dma_semaphore, #tpu.memory_space<semaphore_mem>>)
    %dma_start3A_351 = arith.constant 7296 : i32
    %dma_start3A_352 = tpu.memref_slice %arg6[%dma_start3A_351] : memref<8192xf32, #tpu.memory_space<vmem>> -> memref<128xf32, #tpu.memory_space<vmem>>
    %dma_start3A_353 = arith.constant 7296 : i32
    %dma_start3A_354 = tpu.memref_slice %arg5[%dma_start3A_353] : memref<8192xi32, #tpu.memory_space<vmem>> -> memref<128xi32, #tpu.memory_space<vmem>>
    %dma_start3A_355 = arith.constant 0 : i32
    %dma_start3A_356 = tpu.memref_slice %arg2[%dma_start3A_355] : memref<524288xf32, #tpu.memory_space<hbm>> -> memref<524288xf32, #tpu.memory_space<hbm>>
    tpu.enqueue_indirect_dma source(%dma_start3A_356 : memref<524288xf32, #tpu.memory_space<hbm>>) target(%dma_start3A_352 : memref<128xf32, #tpu.memory_space<vmem>>) offsets(%dma_start3A_354 : memref<128xi32, #tpu.memory_space<vmem>>) semaphore(%arg11 : memref<!tpu.dma_semaphore, #tpu.memory_space<semaphore_mem>>)
    %dma_start3A_357 = arith.constant 7424 : i32
    %dma_start3A_358 = tpu.memref_slice %arg6[%dma_start3A_357] : memref<8192xf32, #tpu.memory_space<vmem>> -> memref<128xf32, #tpu.memory_space<vmem>>
    %dma_start3A_359 = arith.constant 7424 : i32
    %dma_start3A_360 = tpu.memref_slice %arg5[%dma_start3A_359] : memref<8192xi32, #tpu.memory_space<vmem>> -> memref<128xi32, #tpu.memory_space<vmem>>
    %dma_start3A_361 = arith.constant 0 : i32
    %dma_start3A_362 = tpu.memref_slice %arg2[%dma_start3A_361] : memref<524288xf32, #tpu.memory_space<hbm>> -> memref<524288xf32, #tpu.memory_space<hbm>>
    tpu.enqueue_indirect_dma source(%dma_start3A_362 : memref<524288xf32, #tpu.memory_space<hbm>>) target(%dma_start3A_358 : memref<128xf32, #tpu.memory_space<vmem>>) offsets(%dma_start3A_360 : memref<128xi32, #tpu.memory_space<vmem>>) semaphore(%arg11 : memref<!tpu.dma_semaphore, #tpu.memory_space<semaphore_mem>>)
    %dma_start3A_363 = arith.constant 7552 : i32
    %dma_start3A_364 = tpu.memref_slice %arg6[%dma_start3A_363] : memref<8192xf32, #tpu.memory_space<vmem>> -> memref<128xf32, #tpu.memory_space<vmem>>
    %dma_start3A_365 = arith.constant 7552 : i32
    %dma_start3A_366 = tpu.memref_slice %arg5[%dma_start3A_365] : memref<8192xi32, #tpu.memory_space<vmem>> -> memref<128xi32, #tpu.memory_space<vmem>>
    %dma_start3A_367 = arith.constant 0 : i32
    %dma_start3A_368 = tpu.memref_slice %arg2[%dma_start3A_367] : memref<524288xf32, #tpu.memory_space<hbm>> -> memref<524288xf32, #tpu.memory_space<hbm>>
    tpu.enqueue_indirect_dma source(%dma_start3A_368 : memref<524288xf32, #tpu.memory_space<hbm>>) target(%dma_start3A_364 : memref<128xf32, #tpu.memory_space<vmem>>) offsets(%dma_start3A_366 : memref<128xi32, #tpu.memory_space<vmem>>) semaphore(%arg11 : memref<!tpu.dma_semaphore, #tpu.memory_space<semaphore_mem>>)
    %dma_start3A_369 = arith.constant 7680 : i32
    %dma_start3A_370 = tpu.memref_slice %arg6[%dma_start3A_369] : memref<8192xf32, #tpu.memory_space<vmem>> -> memref<128xf32, #tpu.memory_space<vmem>>
    %dma_start3A_371 = arith.constant 7680 : i32
    %dma_start3A_372 = tpu.memref_slice %arg5[%dma_start3A_371] : memref<8192xi32, #tpu.memory_space<vmem>> -> memref<128xi32, #tpu.memory_space<vmem>>
    %dma_start3A_373 = arith.constant 0 : i32
    %dma_start3A_374 = tpu.memref_slice %arg2[%dma_start3A_373] : memref<524288xf32, #tpu.memory_space<hbm>> -> memref<524288xf32, #tpu.memory_space<hbm>>
    tpu.enqueue_indirect_dma source(%dma_start3A_374 : memref<524288xf32, #tpu.memory_space<hbm>>) target(%dma_start3A_370 : memref<128xf32, #tpu.memory_space<vmem>>) offsets(%dma_start3A_372 : memref<128xi32, #tpu.memory_space<vmem>>) semaphore(%arg11 : memref<!tpu.dma_semaphore, #tpu.memory_space<semaphore_mem>>)
    %dma_start3A_375 = arith.constant 7808 : i32
    %dma_start3A_376 = tpu.memref_slice %arg6[%dma_start3A_375] : memref<8192xf32, #tpu.memory_space<vmem>> -> memref<128xf32, #tpu.memory_space<vmem>>
    %dma_start3A_377 = arith.constant 7808 : i32
    %dma_start3A_378 = tpu.memref_slice %arg5[%dma_start3A_377] : memref<8192xi32, #tpu.memory_space<vmem>> -> memref<128xi32, #tpu.memory_space<vmem>>
    %dma_start3A_379 = arith.constant 0 : i32
    %dma_start3A_380 = tpu.memref_slice %arg2[%dma_start3A_379] : memref<524288xf32, #tpu.memory_space<hbm>> -> memref<524288xf32, #tpu.memory_space<hbm>>
    tpu.enqueue_indirect_dma source(%dma_start3A_380 : memref<524288xf32, #tpu.memory_space<hbm>>) target(%dma_start3A_376 : memref<128xf32, #tpu.memory_space<vmem>>) offsets(%dma_start3A_378 : memref<128xi32, #tpu.memory_space<vmem>>) semaphore(%arg11 : memref<!tpu.dma_semaphore, #tpu.memory_space<semaphore_mem>>)
    %dma_start3A_381 = arith.constant 7936 : i32
    %dma_start3A_382 = tpu.memref_slice %arg6[%dma_start3A_381] : memref<8192xf32, #tpu.memory_space<vmem>> -> memref<128xf32, #tpu.memory_space<vmem>>
    %dma_start3A_383 = arith.constant 7936 : i32
    %dma_start3A_384 = tpu.memref_slice %arg5[%dma_start3A_383] : memref<8192xi32, #tpu.memory_space<vmem>> -> memref<128xi32, #tpu.memory_space<vmem>>
    %dma_start3A_385 = arith.constant 0 : i32
    %dma_start3A_386 = tpu.memref_slice %arg2[%dma_start3A_385] : memref<524288xf32, #tpu.memory_space<hbm>> -> memref<524288xf32, #tpu.memory_space<hbm>>
    tpu.enqueue_indirect_dma source(%dma_start3A_386 : memref<524288xf32, #tpu.memory_space<hbm>>) target(%dma_start3A_382 : memref<128xf32, #tpu.memory_space<vmem>>) offsets(%dma_start3A_384 : memref<128xi32, #tpu.memory_space<vmem>>) semaphore(%arg11 : memref<!tpu.dma_semaphore, #tpu.memory_space<semaphore_mem>>)
    %dma_start3A_387 = arith.constant 8064 : i32
    %dma_start3A_388 = tpu.memref_slice %arg6[%dma_start3A_387] : memref<8192xf32, #tpu.memory_space<vmem>> -> memref<128xf32, #tpu.memory_space<vmem>>
    %dma_start3A_389 = arith.constant 8064 : i32
    %dma_start3A_390 = tpu.memref_slice %arg5[%dma_start3A_389] : memref<8192xi32, #tpu.memory_space<vmem>> -> memref<128xi32, #tpu.memory_space<vmem>>
    %dma_start3A_391 = arith.constant 0 : i32
    %dma_start3A_392 = tpu.memref_slice %arg2[%dma_start3A_391] : memref<524288xf32, #tpu.memory_space<hbm>> -> memref<524288xf32, #tpu.memory_space<hbm>>
    tpu.enqueue_indirect_dma source(%dma_start3A_392 : memref<524288xf32, #tpu.memory_space<hbm>>) target(%dma_start3A_388 : memref<128xf32, #tpu.memory_space<vmem>>) offsets(%dma_start3A_390 : memref<128xi32, #tpu.memory_space<vmem>>) semaphore(%arg11 : memref<!tpu.dma_semaphore, #tpu.memory_space<semaphore_mem>>)
    %iota3A = tpu.iota {dimensions = array<i32: 0>} : vector<16xi32>
    %broadcast_in_dim3A_393 = arith.constant 0 : i32
    %broadcast_in_dim3A_394 = vector.broadcast %broadcast_in_dim3A_393 : i32 to vector<16xi32>
    %scan3A_395 = arith.constant 0 : i32
    %scan3A_396 = arith.constant 512 : i32
    %scan3A_397 = arith.addi %scan3A_395, %scan3A_396 : i32
    %scan3A_398 = arith.constant 4 : i32
    %scan3A_399 = scf.for %scan3A_810 = %scan3A_395 to %scan3A_397 step %scan3A_398 iter_args(%scan3A_811 = %broadcast_in_dim3A_394) -> (vector<16xi32>)  : i32 {
      %mul3A_812 = arith.constant 16 : i32
      %mul3A_813 = arith.muli %scan3A_810, %mul3A_812 : i32
      %get3A = arith.index_cast %mul3A_813 : i32 to index
      %get3A_814 = tpu.vector_load %arg5[%get3A] {strides = array<i32>} : memref<8192xi32, #tpu.memory_space<vmem>>, vector<16xi32>,
      %le3A = vector.broadcast %mul3A_2 : i32 to vector<16xi32>
      %le3A_815 = arith.cmpi sle, %get3A_814, %le3A : vector<16xi32>
      %jit3A = arith.constant 1 : i32
      %jit3A_816 = arith.constant 0 : i32
      %broadcast_in_dim3A_817 = vector.broadcast %jit3A : i32 to vector<16xi32>
      %broadcast_in_dim3A_818 = vector.broadcast %jit3A_816 : i32 to vector<16xi32>
      %select_n3A = arith.select %le3A_815, %broadcast_in_dim3A_817, %broadcast_in_dim3A_818 : vector<16xi1>, vector<16xi32>
      %add3A_819 = arith.addi %scan3A_811, %select_n3A : vector<16xi32>
      %sub3A_820 = vector.broadcast %mul3A_2 : i32 to vector<16xi32>
      %sub3A_821 = arith.subi %get3A_814, %sub3A_820 : vector<16xi32>
      %mul3A_822 = arith.constant 16 : i32
      %mul3A_823 = arith.muli %scan3A_810, %mul3A_822 : i32
      %add3A_824 = vector.broadcast %mul3A_823 : i32 to vector<16xi32>
      %add3A_825 = arith.addi %iota3A, %add3A_824 : vector<16xi32>
      %ge3A = arith.constant 0 : i32
      %ge3A_826 = vector.broadcast %ge3A : i32 to vector<16xi32>
      %ge3A_827 = arith.cmpi sge, %sub3A_821, %ge3A_826 : vector<16xi32>
      %lt3A = arith.constant 16384 : i32
      %lt3A_828 = vector.broadcast %lt3A : i32 to vector<16xi32>
      %lt3A_829 = arith.cmpi slt, %sub3A_821, %lt3A_828 : vector<16xi32>
      %and3A = arith.andi %ge3A_827, %lt3A_829 : vector<16xi1>
      tpu.vector_store_idx %arg7[%sub3A_821], %add3A_825 masked %and3A : memref<16384xi32, #tpu.memory_space<vmem>>[vector<16xi32>], vector<16xi32>, vector<16xi1>
      %scan3A_830 = arith.constant 1 : i32
      %scan3A_831 = arith.addi %scan3A_810, %scan3A_830 : i32
      %mul3A_832 = arith.constant 16 : i32
      %mul3A_833 = arith.muli %scan3A_831, %mul3A_832 : i32
      %get3A_834 = arith.index_cast %mul3A_833 : i32 to index
      %get3A_835 = tpu.vector_load %arg5[%get3A_834] {strides = array<i32>} : memref<8192xi32, #tpu.memory_space<vmem>>, vector<16xi32>,
      %le3A_836 = vector.broadcast %mul3A_2 : i32 to vector<16xi32>
      %le3A_837 = arith.cmpi sle, %get3A_835, %le3A_836 : vector<16xi32>
      %jit3A_838 = arith.constant 1 : i32
      %jit3A_839 = arith.constant 0 : i32
      %broadcast_in_dim3A_840 = vector.broadcast %jit3A_838 : i32 to vector<16xi32>
      %broadcast_in_dim3A_841 = vector.broadcast %jit3A_839 : i32 to vector<16xi32>
      %select_n3A_842 = arith.select %le3A_837, %broadcast_in_dim3A_840, %broadcast_in_dim3A_841 : vector<16xi1>, vector<16xi32>
      %add3A_843 = arith.addi %add3A_819, %select_n3A_842 : vector<16xi32>
      %sub3A_844 = vector.broadcast %mul3A_2 : i32 to vector<16xi32>
      %sub3A_845 = arith.subi %get3A_835, %sub3A_844 : vector<16xi32>
      %mul3A_846 = arith.constant 16 : i32
      %mul3A_847 = arith.muli %scan3A_831, %mul3A_846 : i32
      %add3A_848 = vector.broadcast %mul3A_847 : i32 to vector<16xi32>
      %add3A_849 = arith.addi %iota3A, %add3A_848 : vector<16xi32>
      %ge3A_850 = arith.constant 0 : i32
      %ge3A_851 = vector.broadcast %ge3A_850 : i32 to vector<16xi32>
      %ge3A_852 = arith.cmpi sge, %sub3A_845, %ge3A_851 : vector<16xi32>
      %lt3A_853 = arith.constant 16384 : i32
      %lt3A_854 = vector.broadcast %lt3A_853 : i32 to vector<16xi32>
      %lt3A_855 = arith.cmpi slt, %sub3A_845, %lt3A_854 : vector<16xi32>
      %and3A_856 = arith.andi %ge3A_852, %lt3A_855 : vector<16xi1>
      tpu.vector_store_idx %arg7[%sub3A_845], %add3A_849 masked %and3A_856 : memref<16384xi32, #tpu.memory_space<vmem>>[vector<16xi32>], vector<16xi32>, vector<16xi1>
      %scan3A_857 = arith.constant 2 : i32
      %scan3A_858 = arith.addi %scan3A_810, %scan3A_857 : i32
      %mul3A_859 = arith.constant 16 : i32
      %mul3A_860 = arith.muli %scan3A_858, %mul3A_859 : i32
      %get3A_861 = arith.index_cast %mul3A_860 : i32 to index
      %get3A_862 = tpu.vector_load %arg5[%get3A_861] {strides = array<i32>} : memref<8192xi32, #tpu.memory_space<vmem>>, vector<16xi32>,
      %le3A_863 = vector.broadcast %mul3A_2 : i32 to vector<16xi32>
      %le3A_864 = arith.cmpi sle, %get3A_862, %le3A_863 : vector<16xi32>
      %jit3A_865 = arith.constant 1 : i32
      %jit3A_866 = arith.constant 0 : i32
      %broadcast_in_dim3A_867 = vector.broadcast %jit3A_865 : i32 to vector<16xi32>
      %broadcast_in_dim3A_868 = vector.broadcast %jit3A_866 : i32 to vector<16xi32>
      %select_n3A_869 = arith.select %le3A_864, %broadcast_in_dim3A_867, %broadcast_in_dim3A_868 : vector<16xi1>, vector<16xi32>
      %add3A_870 = arith.addi %add3A_843, %select_n3A_869 : vector<16xi32>
      %sub3A_871 = vector.broadcast %mul3A_2 : i32 to vector<16xi32>
      %sub3A_872 = arith.subi %get3A_862, %sub3A_871 : vector<16xi32>
      %mul3A_873 = arith.constant 16 : i32
      %mul3A_874 = arith.muli %scan3A_858, %mul3A_873 : i32
      %add3A_875 = vector.broadcast %mul3A_874 : i32 to vector<16xi32>
      %add3A_876 = arith.addi %iota3A, %add3A_875 : vector<16xi32>
      %ge3A_877 = arith.constant 0 : i32
      %ge3A_878 = vector.broadcast %ge3A_877 : i32 to vector<16xi32>
      %ge3A_879 = arith.cmpi sge, %sub3A_872, %ge3A_878 : vector<16xi32>
      %lt3A_880 = arith.constant 16384 : i32
      %lt3A_881 = vector.broadcast %lt3A_880 : i32 to vector<16xi32>
      %lt3A_882 = arith.cmpi slt, %sub3A_872, %lt3A_881 : vector<16xi32>
      %and3A_883 = arith.andi %ge3A_879, %lt3A_882 : vector<16xi1>
      tpu.vector_store_idx %arg7[%sub3A_872], %add3A_876 masked %and3A_883 : memref<16384xi32, #tpu.memory_space<vmem>>[vector<16xi32>], vector<16xi32>, vector<16xi1>
      %scan3A_884 = arith.constant 3 : i32
      %scan3A_885 = arith.addi %scan3A_810, %scan3A_884 : i32
      %mul3A_886 = arith.constant 16 : i32
      %mul3A_887 = arith.muli %scan3A_885, %mul3A_886 : i32
      %get3A_888 = arith.index_cast %mul3A_887 : i32 to index
      %get3A_889 = tpu.vector_load %arg5[%get3A_888] {strides = array<i32>} : memref<8192xi32, #tpu.memory_space<vmem>>, vector<16xi32>,
      %le3A_890 = vector.broadcast %mul3A_2 : i32 to vector<16xi32>
      %le3A_891 = arith.cmpi sle, %get3A_889, %le3A_890 : vector<16xi32>
      %jit3A_892 = arith.constant 1 : i32
      %jit3A_893 = arith.constant 0 : i32
      %broadcast_in_dim3A_894 = vector.broadcast %jit3A_892 : i32 to vector<16xi32>
      %broadcast_in_dim3A_895 = vector.broadcast %jit3A_893 : i32 to vector<16xi32>
      %select_n3A_896 = arith.select %le3A_891, %broadcast_in_dim3A_894, %broadcast_in_dim3A_895 : vector<16xi1>, vector<16xi32>
      %add3A_897 = arith.addi %add3A_870, %select_n3A_896 : vector<16xi32>
      %sub3A_898 = vector.broadcast %mul3A_2 : i32 to vector<16xi32>
      %sub3A_899 = arith.subi %get3A_889, %sub3A_898 : vector<16xi32>
      %mul3A_900 = arith.constant 16 : i32
      %mul3A_901 = arith.muli %scan3A_885, %mul3A_900 : i32
      %add3A_902 = vector.broadcast %mul3A_901 : i32 to vector<16xi32>
      %add3A_903 = arith.addi %iota3A, %add3A_902 : vector<16xi32>
      %ge3A_904 = arith.constant 0 : i32
      %ge3A_905 = vector.broadcast %ge3A_904 : i32 to vector<16xi32>
      %ge3A_906 = arith.cmpi sge, %sub3A_899, %ge3A_905 : vector<16xi32>
      %lt3A_907 = arith.constant 16384 : i32
      %lt3A_908 = vector.broadcast %lt3A_907 : i32 to vector<16xi32>
      %lt3A_909 = arith.cmpi slt, %sub3A_899, %lt3A_908 : vector<16xi32>
      %and3A_910 = arith.andi %ge3A_906, %lt3A_909 : vector<16xi1>
      tpu.vector_store_idx %arg7[%sub3A_899], %add3A_903 masked %and3A_910 : memref<16384xi32, #tpu.memory_space<vmem>>[vector<16xi32>], vector<16xi32>, vector<16xi1>
      scf.yield %add3A_897 : vector<16xi32>
    }
    %scan3A_400 = arith.constant 512 : i32
    %reduce_sum3A = arith.constant true
    %reduce_sum3A_401 = vector.broadcast %reduce_sum3A : i1 to vector<16xi1>
    %reduce_sum3A_402 = tpu.scan <sum>, %scan3A_399 masked %reduce_sum3A_401 : vector<16xi32>, vector<16xi1> -> vector<16xi32>
    %reduce_sum3A_403 = vector.extract %reduce_sum3A_402[15] : i32 from vector<16xi32>
    %sub3A = arith.constant 1 : i32
    %sub3A_404 = arith.subi %reduce_sum3A_403, %sub3A : i32
    %broadcast_in_dim3A_405 = vector.broadcast %sub3A_404 : i32 to vector<16xi32>
    %scan3A_406 = arith.constant 0 : i32
    %scan3A_407 = arith.constant 0 : i32
    %scan3A_408 = arith.constant 1024 : i32
    %scan3A_409 = arith.addi %scan3A_407, %scan3A_408 : i32
    %scan3A_410 = arith.constant 1 : i32
    %scan3A_411 = scf.for %scan3A_810 = %scan3A_407 to %scan3A_409 step %scan3A_410 iter_args(%scan3A_811 = %scan3A_406) -> (i32)  : i32 {
      %mul3A_812 = arith.constant 16 : i32
      %mul3A_813 = arith.muli %scan3A_810, %mul3A_812 : i32
      %get3A = arith.index_cast %mul3A_813 : i32 to index
      %get3A_814 = tpu.vector_load %arg7[%get3A] {strides = array<i32>} : memref<16384xi32, #tpu.memory_space<vmem>>, vector<16xi32>,
      %broadcast_in_dim3A_815 = arith.constant true
      %broadcast_in_dim3A_816 = vector.broadcast %broadcast_in_dim3A_815 : i1 to vector<16xi1>
      %masked_cummax3A = arith.constant -2147483648 : i32
      %masked_cummax3A_817 = vector.broadcast %masked_cummax3A : i32 to vector<16xi32>
      %masked_cummax3A_818 = arith.xori %get3A_814, %masked_cummax3A_817 : vector<16xi32>
      %masked_cummax3A_819 = tpu.scan <max>, %masked_cummax3A_818 masked %broadcast_in_dim3A_816 : vector<16xi32>, vector<16xi1> -> vector<16xi32>
      %masked_cummax3A_820 = arith.xori %masked_cummax3A_819, %masked_cummax3A_817 : vector<16xi32>
      %mul3A_821 = arith.constant 16 : i32
      %mul3A_822 = arith.muli %scan3A_810, %mul3A_821 : i32
      %swap3A_823 = arith.index_cast %mul3A_822 : i32 to index
      %swap3A_824 = tpu.vector_load %arg8[%swap3A_823] {strides = array<i32>} : memref<16384xi32, #tpu.memory_space<vmem>>, vector<16xi32>,
      tpu.vector_store %arg8[%swap3A_823], %masked_cummax3A_820 {strides = array<i32>} : memref<16384xi32, #tpu.memory_space<vmem>>, vector<16xi32>,
      %scan3A_825 = arith.constant 0 : i32
      scf.yield %scan3A_825 : i32
    }
    %scan3A_412 = arith.constant 1024 : i32
    %swap3A = arith.constant 0 : index
    %swap3A_413 = tpu.vector_load %arg9[%swap3A] {strides = array<i32>} : memref<1040xi32, #tpu.memory_space<vmem>>, vector<16xi32>,
    tpu.vector_store %arg9[%swap3A], %broadcast_in_dim3A_405 {strides = array<i32>} : memref<1040xi32, #tpu.memory_space<vmem>>, vector<16xi32>,
    %scan3A_414 = arith.constant 0 : i32
    %scan3A_415 = arith.constant 64 : i32
    %scan3A_416 = arith.addi %scan3A_414, %scan3A_415 : i32
    %scan3A_417 = arith.constant 1 : i32
    %scan3A_418 = scf.for %scan3A_810 = %scan3A_414 to %scan3A_416 step %scan3A_417 iter_args(%scan3A_811 = %broadcast_in_dim3A_405) -> (vector<16xi32>)  : i32 {
      %mul3A_812 = arith.constant 16 : i32
      %mul3A_813 = arith.muli %scan3A_810, %mul3A_812 : i32
      %add3A_814 = vector.broadcast %mul3A_813 : i32 to vector<16xi32>
      %add3A_815 = arith.addi %iota3A, %add3A_814 : vector<16xi32>
      %mul3A_816 = arith.constant 16 : i32
      %mul3A_817 = vector.broadcast %mul3A_816 : i32 to vector<16xi32>
      %mul3A_818 = arith.muli %add3A_815, %mul3A_817 : vector<16xi32>
      %add3A_819 = arith.constant 15 : i32
      %add3A_820 = vector.broadcast %add3A_819 : i32 to vector<16xi32>
      %add3A_821 = arith.addi %mul3A_818, %add3A_820 : vector<16xi32>
      %gather3A = tpu.vector_load_idx %arg8[%add3A_821] : memref<16384xi32, #tpu.memory_space<vmem>>[vector<16xi32>], vector<16xi32>,
      %broadcast_in_dim3A_822 = arith.constant true
      %broadcast_in_dim3A_823 = vector.broadcast %broadcast_in_dim3A_822 : i1 to vector<16xi1>
      %masked_cummax3A = arith.constant -2147483648 : i32
      %masked_cummax3A_824 = vector.broadcast %masked_cummax3A : i32 to vector<16xi32>
      %masked_cummax3A_825 = arith.xori %gather3A, %masked_cummax3A_824 : vector<16xi32>
      %masked_cummax3A_826 = tpu.scan <max>, %masked_cummax3A_825 masked %broadcast_in_dim3A_823 : vector<16xi32>, vector<16xi1> -> vector<16xi32>
      %masked_cummax3A_827 = arith.xori %masked_cummax3A_826, %masked_cummax3A_824 : vector<16xi32>
      %max3A = arith.maxsi %masked_cummax3A_827, %scan3A_811 : vector<16xi32>
      %mul3A_828 = arith.constant 16 : i32
      %mul3A_829 = arith.muli %scan3A_810, %mul3A_828 : i32
      %add3A_830 = arith.constant 16 : i32
      %add3A_831 = arith.addi %add3A_830, %mul3A_829 : i32
      %swap3A_832 = arith.index_cast %add3A_831 : i32 to index
      %swap3A_833 = tpu.vector_load %arg9[%swap3A_832] {strides = array<i32>} : memref<1040xi32, #tpu.memory_space<vmem>>, vector<16xi32>,
      tpu.vector_store %arg9[%swap3A_832], %max3A {strides = array<i32>} : memref<1040xi32, #tpu.memory_space<vmem>>, vector<16xi32>,
      %reduce_max3A = arith.constant true
      %reduce_max3A_834 = vector.broadcast %reduce_max3A : i1 to vector<16xi1>
      %reduce_max3A_835 = arith.constant -2147483648 : i32
      %reduce_max3A_836 = vector.broadcast %reduce_max3A_835 : i32 to vector<16xi32>
      %reduce_max3A_837 = arith.xori %max3A, %reduce_max3A_836 : vector<16xi32>
      %reduce_max3A_838 = tpu.scan <max>, %reduce_max3A_837 masked %reduce_max3A_834 : vector<16xi32>, vector<16xi1> -> vector<16xi32>
      %reduce_max3A_839 = arith.xori %reduce_max3A_838, %reduce_max3A_836 : vector<16xi32>
      %reduce_max3A_840 = vector.extract %reduce_max3A_839[15] : i32 from vector<16xi32>
      %broadcast_in_dim3A_841 = vector.broadcast %reduce_max3A_840 : i32 to vector<16xi32>
      scf.yield %broadcast_in_dim3A_841 : vector<16xi32>
    }
    %scan3A_419 = arith.constant 64 : i32
    %dma_wait3A = arith.constant 0 : i32
    %dma_wait3A_420 = tpu.memref_slice %arg6[%dma_wait3A] : memref<8192xf32, #tpu.memory_space<vmem>> -> memref<128xf32, #tpu.memory_space<vmem>>
    %dma_wait3A_421 = arith.constant 0 : i32
    %dma_wait3A_422 = tpu.memref_slice %arg5[%dma_wait3A_421] : memref<8192xi32, #tpu.memory_space<vmem>> -> memref<128xi32, #tpu.memory_space<vmem>>
    %dma_wait3A_423 = arith.constant 0 : i32
    %dma_wait3A_424 = tpu.memref_slice %arg2[%dma_wait3A_423] : memref<524288xf32, #tpu.memory_space<hbm>> -> memref<524288xf32, #tpu.memory_space<hbm>>
    tpu.wait_indirect_dma semaphore(%arg11 : memref<!tpu.dma_semaphore, #tpu.memory_space<semaphore_mem>>) src(%dma_wait3A_424 : memref<524288xf32, #tpu.memory_space<hbm>>) dst(%dma_wait3A_420 : memref<128xf32, #tpu.memory_space<vmem>>)
    %dma_wait3A_425 = arith.constant 128 : i32
    %dma_wait3A_426 = tpu.memref_slice %arg6[%dma_wait3A_425] : memref<8192xf32, #tpu.memory_space<vmem>> -> memref<128xf32, #tpu.memory_space<vmem>>
    %dma_wait3A_427 = arith.constant 128 : i32
    %dma_wait3A_428 = tpu.memref_slice %arg5[%dma_wait3A_427] : memref<8192xi32, #tpu.memory_space<vmem>> -> memref<128xi32, #tpu.memory_space<vmem>>
    %dma_wait3A_429 = arith.constant 0 : i32
    %dma_wait3A_430 = tpu.memref_slice %arg2[%dma_wait3A_429] : memref<524288xf32, #tpu.memory_space<hbm>> -> memref<524288xf32, #tpu.memory_space<hbm>>
    tpu.wait_indirect_dma semaphore(%arg11 : memref<!tpu.dma_semaphore, #tpu.memory_space<semaphore_mem>>) src(%dma_wait3A_430 : memref<524288xf32, #tpu.memory_space<hbm>>) dst(%dma_wait3A_426 : memref<128xf32, #tpu.memory_space<vmem>>)
    %dma_wait3A_431 = arith.constant 256 : i32
    %dma_wait3A_432 = tpu.memref_slice %arg6[%dma_wait3A_431] : memref<8192xf32, #tpu.memory_space<vmem>> -> memref<128xf32, #tpu.memory_space<vmem>>
    %dma_wait3A_433 = arith.constant 256 : i32
    %dma_wait3A_434 = tpu.memref_slice %arg5[%dma_wait3A_433] : memref<8192xi32, #tpu.memory_space<vmem>> -> memref<128xi32, #tpu.memory_space<vmem>>
    %dma_wait3A_435 = arith.constant 0 : i32
    %dma_wait3A_436 = tpu.memref_slice %arg2[%dma_wait3A_435] : memref<524288xf32, #tpu.memory_space<hbm>> -> memref<524288xf32, #tpu.memory_space<hbm>>
    tpu.wait_indirect_dma semaphore(%arg11 : memref<!tpu.dma_semaphore, #tpu.memory_space<semaphore_mem>>) src(%dma_wait3A_436 : memref<524288xf32, #tpu.memory_space<hbm>>) dst(%dma_wait3A_432 : memref<128xf32, #tpu.memory_space<vmem>>)
    %dma_wait3A_437 = arith.constant 384 : i32
    %dma_wait3A_438 = tpu.memref_slice %arg6[%dma_wait3A_437] : memref<8192xf32, #tpu.memory_space<vmem>> -> memref<128xf32, #tpu.memory_space<vmem>>
    %dma_wait3A_439 = arith.constant 384 : i32
    %dma_wait3A_440 = tpu.memref_slice %arg5[%dma_wait3A_439] : memref<8192xi32, #tpu.memory_space<vmem>> -> memref<128xi32, #tpu.memory_space<vmem>>
    %dma_wait3A_441 = arith.constant 0 : i32
    %dma_wait3A_442 = tpu.memref_slice %arg2[%dma_wait3A_441] : memref<524288xf32, #tpu.memory_space<hbm>> -> memref<524288xf32, #tpu.memory_space<hbm>>
    tpu.wait_indirect_dma semaphore(%arg11 : memref<!tpu.dma_semaphore, #tpu.memory_space<semaphore_mem>>) src(%dma_wait3A_442 : memref<524288xf32, #tpu.memory_space<hbm>>) dst(%dma_wait3A_438 : memref<128xf32, #tpu.memory_space<vmem>>)
    %dma_wait3A_443 = arith.constant 512 : i32
    %dma_wait3A_444 = tpu.memref_slice %arg6[%dma_wait3A_443] : memref<8192xf32, #tpu.memory_space<vmem>> -> memref<128xf32, #tpu.memory_space<vmem>>
    %dma_wait3A_445 = arith.constant 512 : i32
    %dma_wait3A_446 = tpu.memref_slice %arg5[%dma_wait3A_445] : memref<8192xi32, #tpu.memory_space<vmem>> -> memref<128xi32, #tpu.memory_space<vmem>>
    %dma_wait3A_447 = arith.constant 0 : i32
    %dma_wait3A_448 = tpu.memref_slice %arg2[%dma_wait3A_447] : memref<524288xf32, #tpu.memory_space<hbm>> -> memref<524288xf32, #tpu.memory_space<hbm>>
    tpu.wait_indirect_dma semaphore(%arg11 : memref<!tpu.dma_semaphore, #tpu.memory_space<semaphore_mem>>) src(%dma_wait3A_448 : memref<524288xf32, #tpu.memory_space<hbm>>) dst(%dma_wait3A_444 : memref<128xf32, #tpu.memory_space<vmem>>)
    %dma_wait3A_449 = arith.constant 640 : i32
    %dma_wait3A_450 = tpu.memref_slice %arg6[%dma_wait3A_449] : memref<8192xf32, #tpu.memory_space<vmem>> -> memref<128xf32, #tpu.memory_space<vmem>>
    %dma_wait3A_451 = arith.constant 640 : i32
    %dma_wait3A_452 = tpu.memref_slice %arg5[%dma_wait3A_451] : memref<8192xi32, #tpu.memory_space<vmem>> -> memref<128xi32, #tpu.memory_space<vmem>>
    %dma_wait3A_453 = arith.constant 0 : i32
    %dma_wait3A_454 = tpu.memref_slice %arg2[%dma_wait3A_453] : memref<524288xf32, #tpu.memory_space<hbm>> -> memref<524288xf32, #tpu.memory_space<hbm>>
    tpu.wait_indirect_dma semaphore(%arg11 : memref<!tpu.dma_semaphore, #tpu.memory_space<semaphore_mem>>) src(%dma_wait3A_454 : memref<524288xf32, #tpu.memory_space<hbm>>) dst(%dma_wait3A_450 : memref<128xf32, #tpu.memory_space<vmem>>)
    %dma_wait3A_455 = arith.constant 768 : i32
    %dma_wait3A_456 = tpu.memref_slice %arg6[%dma_wait3A_455] : memref<8192xf32, #tpu.memory_space<vmem>> -> memref<128xf32, #tpu.memory_space<vmem>>
    %dma_wait3A_457 = arith.constant 768 : i32
    %dma_wait3A_458 = tpu.memref_slice %arg5[%dma_wait3A_457] : memref<8192xi32, #tpu.memory_space<vmem>> -> memref<128xi32, #tpu.memory_space<vmem>>
    %dma_wait3A_459 = arith.constant 0 : i32
    %dma_wait3A_460 = tpu.memref_slice %arg2[%dma_wait3A_459] : memref<524288xf32, #tpu.memory_space<hbm>> -> memref<524288xf32, #tpu.memory_space<hbm>>
    tpu.wait_indirect_dma semaphore(%arg11 : memref<!tpu.dma_semaphore, #tpu.memory_space<semaphore_mem>>) src(%dma_wait3A_460 : memref<524288xf32, #tpu.memory_space<hbm>>) dst(%dma_wait3A_456 : memref<128xf32, #tpu.memory_space<vmem>>)
    %dma_wait3A_461 = arith.constant 896 : i32
    %dma_wait3A_462 = tpu.memref_slice %arg6[%dma_wait3A_461] : memref<8192xf32, #tpu.memory_space<vmem>> -> memref<128xf32, #tpu.memory_space<vmem>>
    %dma_wait3A_463 = arith.constant 896 : i32
    %dma_wait3A_464 = tpu.memref_slice %arg5[%dma_wait3A_463] : memref<8192xi32, #tpu.memory_space<vmem>> -> memref<128xi32, #tpu.memory_space<vmem>>
    %dma_wait3A_465 = arith.constant 0 : i32
    %dma_wait3A_466 = tpu.memref_slice %arg2[%dma_wait3A_465] : memref<524288xf32, #tpu.memory_space<hbm>> -> memref<524288xf32, #tpu.memory_space<hbm>>
    tpu.wait_indirect_dma semaphore(%arg11 : memref<!tpu.dma_semaphore, #tpu.memory_space<semaphore_mem>>) src(%dma_wait3A_466 : memref<524288xf32, #tpu.memory_space<hbm>>) dst(%dma_wait3A_462 : memref<128xf32, #tpu.memory_space<vmem>>)
    %dma_wait3A_467 = arith.constant 1024 : i32
    %dma_wait3A_468 = tpu.memref_slice %arg6[%dma_wait3A_467] : memref<8192xf32, #tpu.memory_space<vmem>> -> memref<128xf32, #tpu.memory_space<vmem>>
    %dma_wait3A_469 = arith.constant 1024 : i32
    %dma_wait3A_470 = tpu.memref_slice %arg5[%dma_wait3A_469] : memref<8192xi32, #tpu.memory_space<vmem>> -> memref<128xi32, #tpu.memory_space<vmem>>
    %dma_wait3A_471 = arith.constant 0 : i32
    %dma_wait3A_472 = tpu.memref_slice %arg2[%dma_wait3A_471] : memref<524288xf32, #tpu.memory_space<hbm>> -> memref<524288xf32, #tpu.memory_space<hbm>>
    tpu.wait_indirect_dma semaphore(%arg11 : memref<!tpu.dma_semaphore, #tpu.memory_space<semaphore_mem>>) src(%dma_wait3A_472 : memref<524288xf32, #tpu.memory_space<hbm>>) dst(%dma_wait3A_468 : memref<128xf32, #tpu.memory_space<vmem>>)
    %dma_wait3A_473 = arith.constant 1152 : i32
    %dma_wait3A_474 = tpu.memref_slice %arg6[%dma_wait3A_473] : memref<8192xf32, #tpu.memory_space<vmem>> -> memref<128xf32, #tpu.memory_space<vmem>>
    %dma_wait3A_475 = arith.constant 1152 : i32
    %dma_wait3A_476 = tpu.memref_slice %arg5[%dma_wait3A_475] : memref<8192xi32, #tpu.memory_space<vmem>> -> memref<128xi32, #tpu.memory_space<vmem>>
    %dma_wait3A_477 = arith.constant 0 : i32
    %dma_wait3A_478 = tpu.memref_slice %arg2[%dma_wait3A_477] : memref<524288xf32, #tpu.memory_space<hbm>> -> memref<524288xf32, #tpu.memory_space<hbm>>
    tpu.wait_indirect_dma semaphore(%arg11 : memref<!tpu.dma_semaphore, #tpu.memory_space<semaphore_mem>>) src(%dma_wait3A_478 : memref<524288xf32, #tpu.memory_space<hbm>>) dst(%dma_wait3A_474 : memref<128xf32, #tpu.memory_space<vmem>>)
    %dma_wait3A_479 = arith.constant 1280 : i32
    %dma_wait3A_480 = tpu.memref_slice %arg6[%dma_wait3A_479] : memref<8192xf32, #tpu.memory_space<vmem>> -> memref<128xf32, #tpu.memory_space<vmem>>
    %dma_wait3A_481 = arith.constant 1280 : i32
    %dma_wait3A_482 = tpu.memref_slice %arg5[%dma_wait3A_481] : memref<8192xi32, #tpu.memory_space<vmem>> -> memref<128xi32, #tpu.memory_space<vmem>>
    %dma_wait3A_483 = arith.constant 0 : i32
    %dma_wait3A_484 = tpu.memref_slice %arg2[%dma_wait3A_483] : memref<524288xf32, #tpu.memory_space<hbm>> -> memref<524288xf32, #tpu.memory_space<hbm>>
    tpu.wait_indirect_dma semaphore(%arg11 : memref<!tpu.dma_semaphore, #tpu.memory_space<semaphore_mem>>) src(%dma_wait3A_484 : memref<524288xf32, #tpu.memory_space<hbm>>) dst(%dma_wait3A_480 : memref<128xf32, #tpu.memory_space<vmem>>)
    %dma_wait3A_485 = arith.constant 1408 : i32
    %dma_wait3A_486 = tpu.memref_slice %arg6[%dma_wait3A_485] : memref<8192xf32, #tpu.memory_space<vmem>> -> memref<128xf32, #tpu.memory_space<vmem>>
    %dma_wait3A_487 = arith.constant 1408 : i32
    %dma_wait3A_488 = tpu.memref_slice %arg5[%dma_wait3A_487] : memref<8192xi32, #tpu.memory_space<vmem>> -> memref<128xi32, #tpu.memory_space<vmem>>
    %dma_wait3A_489 = arith.constant 0 : i32
    %dma_wait3A_490 = tpu.memref_slice %arg2[%dma_wait3A_489] : memref<524288xf32, #tpu.memory_space<hbm>> -> memref<524288xf32, #tpu.memory_space<hbm>>
    tpu.wait_indirect_dma semaphore(%arg11 : memref<!tpu.dma_semaphore, #tpu.memory_space<semaphore_mem>>) src(%dma_wait3A_490 : memref<524288xf32, #tpu.memory_space<hbm>>) dst(%dma_wait3A_486 : memref<128xf32, #tpu.memory_space<vmem>>)
    %dma_wait3A_491 = arith.constant 1536 : i32
    %dma_wait3A_492 = tpu.memref_slice %arg6[%dma_wait3A_491] : memref<8192xf32, #tpu.memory_space<vmem>> -> memref<128xf32, #tpu.memory_space<vmem>>
    %dma_wait3A_493 = arith.constant 1536 : i32
    %dma_wait3A_494 = tpu.memref_slice %arg5[%dma_wait3A_493] : memref<8192xi32, #tpu.memory_space<vmem>> -> memref<128xi32, #tpu.memory_space<vmem>>
    %dma_wait3A_495 = arith.constant 0 : i32
    %dma_wait3A_496 = tpu.memref_slice %arg2[%dma_wait3A_495] : memref<524288xf32, #tpu.memory_space<hbm>> -> memref<524288xf32, #tpu.memory_space<hbm>>
    tpu.wait_indirect_dma semaphore(%arg11 : memref<!tpu.dma_semaphore, #tpu.memory_space<semaphore_mem>>) src(%dma_wait3A_496 : memref<524288xf32, #tpu.memory_space<hbm>>) dst(%dma_wait3A_492 : memref<128xf32, #tpu.memory_space<vmem>>)
    %dma_wait3A_497 = arith.constant 1664 : i32
    %dma_wait3A_498 = tpu.memref_slice %arg6[%dma_wait3A_497] : memref<8192xf32, #tpu.memory_space<vmem>> -> memref<128xf32, #tpu.memory_space<vmem>>
    %dma_wait3A_499 = arith.constant 1664 : i32
    %dma_wait3A_500 = tpu.memref_slice %arg5[%dma_wait3A_499] : memref<8192xi32, #tpu.memory_space<vmem>> -> memref<128xi32, #tpu.memory_space<vmem>>
    %dma_wait3A_501 = arith.constant 0 : i32
    %dma_wait3A_502 = tpu.memref_slice %arg2[%dma_wait3A_501] : memref<524288xf32, #tpu.memory_space<hbm>> -> memref<524288xf32, #tpu.memory_space<hbm>>
    tpu.wait_indirect_dma semaphore(%arg11 : memref<!tpu.dma_semaphore, #tpu.memory_space<semaphore_mem>>) src(%dma_wait3A_502 : memref<524288xf32, #tpu.memory_space<hbm>>) dst(%dma_wait3A_498 : memref<128xf32, #tpu.memory_space<vmem>>)
    %dma_wait3A_503 = arith.constant 1792 : i32
    %dma_wait3A_504 = tpu.memref_slice %arg6[%dma_wait3A_503] : memref<8192xf32, #tpu.memory_space<vmem>> -> memref<128xf32, #tpu.memory_space<vmem>>
    %dma_wait3A_505 = arith.constant 1792 : i32
    %dma_wait3A_506 = tpu.memref_slice %arg5[%dma_wait3A_505] : memref<8192xi32, #tpu.memory_space<vmem>> -> memref<128xi32, #tpu.memory_space<vmem>>
    %dma_wait3A_507 = arith.constant 0 : i32
    %dma_wait3A_508 = tpu.memref_slice %arg2[%dma_wait3A_507] : memref<524288xf32, #tpu.memory_space<hbm>> -> memref<524288xf32, #tpu.memory_space<hbm>>
    tpu.wait_indirect_dma semaphore(%arg11 : memref<!tpu.dma_semaphore, #tpu.memory_space<semaphore_mem>>) src(%dma_wait3A_508 : memref<524288xf32, #tpu.memory_space<hbm>>) dst(%dma_wait3A_504 : memref<128xf32, #tpu.memory_space<vmem>>)
    %dma_wait3A_509 = arith.constant 1920 : i32
    %dma_wait3A_510 = tpu.memref_slice %arg6[%dma_wait3A_509] : memref<8192xf32, #tpu.memory_space<vmem>> -> memref<128xf32, #tpu.memory_space<vmem>>
    %dma_wait3A_511 = arith.constant 1920 : i32
    %dma_wait3A_512 = tpu.memref_slice %arg5[%dma_wait3A_511] : memref<8192xi32, #tpu.memory_space<vmem>> -> memref<128xi32, #tpu.memory_space<vmem>>
    %dma_wait3A_513 = arith.constant 0 : i32
    %dma_wait3A_514 = tpu.memref_slice %arg2[%dma_wait3A_513] : memref<524288xf32, #tpu.memory_space<hbm>> -> memref<524288xf32, #tpu.memory_space<hbm>>
    tpu.wait_indirect_dma semaphore(%arg11 : memref<!tpu.dma_semaphore, #tpu.memory_space<semaphore_mem>>) src(%dma_wait3A_514 : memref<524288xf32, #tpu.memory_space<hbm>>) dst(%dma_wait3A_510 : memref<128xf32, #tpu.memory_space<vmem>>)
    %dma_wait3A_515 = arith.constant 2048 : i32
    %dma_wait3A_516 = tpu.memref_slice %arg6[%dma_wait3A_515] : memref<8192xf32, #tpu.memory_space<vmem>> -> memref<128xf32, #tpu.memory_space<vmem>>
    %dma_wait3A_517 = arith.constant 2048 : i32
    %dma_wait3A_518 = tpu.memref_slice %arg5[%dma_wait3A_517] : memref<8192xi32, #tpu.memory_space<vmem>> -> memref<128xi32, #tpu.memory_space<vmem>>
    %dma_wait3A_519 = arith.constant 0 : i32
    %dma_wait3A_520 = tpu.memref_slice %arg2[%dma_wait3A_519] : memref<524288xf32, #tpu.memory_space<hbm>> -> memref<524288xf32, #tpu.memory_space<hbm>>
    tpu.wait_indirect_dma semaphore(%arg11 : memref<!tpu.dma_semaphore, #tpu.memory_space<semaphore_mem>>) src(%dma_wait3A_520 : memref<524288xf32, #tpu.memory_space<hbm>>) dst(%dma_wait3A_516 : memref<128xf32, #tpu.memory_space<vmem>>)
    %dma_wait3A_521 = arith.constant 2176 : i32
    %dma_wait3A_522 = tpu.memref_slice %arg6[%dma_wait3A_521] : memref<8192xf32, #tpu.memory_space<vmem>> -> memref<128xf32, #tpu.memory_space<vmem>>
    %dma_wait3A_523 = arith.constant 2176 : i32
    %dma_wait3A_524 = tpu.memref_slice %arg5[%dma_wait3A_523] : memref<8192xi32, #tpu.memory_space<vmem>> -> memref<128xi32, #tpu.memory_space<vmem>>
    %dma_wait3A_525 = arith.constant 0 : i32
    %dma_wait3A_526 = tpu.memref_slice %arg2[%dma_wait3A_525] : memref<524288xf32, #tpu.memory_space<hbm>> -> memref<524288xf32, #tpu.memory_space<hbm>>
    tpu.wait_indirect_dma semaphore(%arg11 : memref<!tpu.dma_semaphore, #tpu.memory_space<semaphore_mem>>) src(%dma_wait3A_526 : memref<524288xf32, #tpu.memory_space<hbm>>) dst(%dma_wait3A_522 : memref<128xf32, #tpu.memory_space<vmem>>)
    %dma_wait3A_527 = arith.constant 2304 : i32
    %dma_wait3A_528 = tpu.memref_slice %arg6[%dma_wait3A_527] : memref<8192xf32, #tpu.memory_space<vmem>> -> memref<128xf32, #tpu.memory_space<vmem>>
    %dma_wait3A_529 = arith.constant 2304 : i32
    %dma_wait3A_530 = tpu.memref_slice %arg5[%dma_wait3A_529] : memref<8192xi32, #tpu.memory_space<vmem>> -> memref<128xi32, #tpu.memory_space<vmem>>
    %dma_wait3A_531 = arith.constant 0 : i32
    %dma_wait3A_532 = tpu.memref_slice %arg2[%dma_wait3A_531] : memref<524288xf32, #tpu.memory_space<hbm>> -> memref<524288xf32, #tpu.memory_space<hbm>>
    tpu.wait_indirect_dma semaphore(%arg11 : memref<!tpu.dma_semaphore, #tpu.memory_space<semaphore_mem>>) src(%dma_wait3A_532 : memref<524288xf32, #tpu.memory_space<hbm>>) dst(%dma_wait3A_528 : memref<128xf32, #tpu.memory_space<vmem>>)
    %dma_wait3A_533 = arith.constant 2432 : i32
    %dma_wait3A_534 = tpu.memref_slice %arg6[%dma_wait3A_533] : memref<8192xf32, #tpu.memory_space<vmem>> -> memref<128xf32, #tpu.memory_space<vmem>>
    %dma_wait3A_535 = arith.constant 2432 : i32
    %dma_wait3A_536 = tpu.memref_slice %arg5[%dma_wait3A_535] : memref<8192xi32, #tpu.memory_space<vmem>> -> memref<128xi32, #tpu.memory_space<vmem>>
    %dma_wait3A_537 = arith.constant 0 : i32
    %dma_wait3A_538 = tpu.memref_slice %arg2[%dma_wait3A_537] : memref<524288xf32, #tpu.memory_space<hbm>> -> memref<524288xf32, #tpu.memory_space<hbm>>
    tpu.wait_indirect_dma semaphore(%arg11 : memref<!tpu.dma_semaphore, #tpu.memory_space<semaphore_mem>>) src(%dma_wait3A_538 : memref<524288xf32, #tpu.memory_space<hbm>>) dst(%dma_wait3A_534 : memref<128xf32, #tpu.memory_space<vmem>>)
    %dma_wait3A_539 = arith.constant 2560 : i32
    %dma_wait3A_540 = tpu.memref_slice %arg6[%dma_wait3A_539] : memref<8192xf32, #tpu.memory_space<vmem>> -> memref<128xf32, #tpu.memory_space<vmem>>
    %dma_wait3A_541 = arith.constant 2560 : i32
    %dma_wait3A_542 = tpu.memref_slice %arg5[%dma_wait3A_541] : memref<8192xi32, #tpu.memory_space<vmem>> -> memref<128xi32, #tpu.memory_space<vmem>>
    %dma_wait3A_543 = arith.constant 0 : i32
    %dma_wait3A_544 = tpu.memref_slice %arg2[%dma_wait3A_543] : memref<524288xf32, #tpu.memory_space<hbm>> -> memref<524288xf32, #tpu.memory_space<hbm>>
    tpu.wait_indirect_dma semaphore(%arg11 : memref<!tpu.dma_semaphore, #tpu.memory_space<semaphore_mem>>) src(%dma_wait3A_544 : memref<524288xf32, #tpu.memory_space<hbm>>) dst(%dma_wait3A_540 : memref<128xf32, #tpu.memory_space<vmem>>)
    %dma_wait3A_545 = arith.constant 2688 : i32
    %dma_wait3A_546 = tpu.memref_slice %arg6[%dma_wait3A_545] : memref<8192xf32, #tpu.memory_space<vmem>> -> memref<128xf32, #tpu.memory_space<vmem>>
    %dma_wait3A_547 = arith.constant 2688 : i32
    %dma_wait3A_548 = tpu.memref_slice %arg5[%dma_wait3A_547] : memref<8192xi32, #tpu.memory_space<vmem>> -> memref<128xi32, #tpu.memory_space<vmem>>
    %dma_wait3A_549 = arith.constant 0 : i32
    %dma_wait3A_550 = tpu.memref_slice %arg2[%dma_wait3A_549] : memref<524288xf32, #tpu.memory_space<hbm>> -> memref<524288xf32, #tpu.memory_space<hbm>>
    tpu.wait_indirect_dma semaphore(%arg11 : memref<!tpu.dma_semaphore, #tpu.memory_space<semaphore_mem>>) src(%dma_wait3A_550 : memref<524288xf32, #tpu.memory_space<hbm>>) dst(%dma_wait3A_546 : memref<128xf32, #tpu.memory_space<vmem>>)
    %dma_wait3A_551 = arith.constant 2816 : i32
    %dma_wait3A_552 = tpu.memref_slice %arg6[%dma_wait3A_551] : memref<8192xf32, #tpu.memory_space<vmem>> -> memref<128xf32, #tpu.memory_space<vmem>>
    %dma_wait3A_553 = arith.constant 2816 : i32
    %dma_wait3A_554 = tpu.memref_slice %arg5[%dma_wait3A_553] : memref<8192xi32, #tpu.memory_space<vmem>> -> memref<128xi32, #tpu.memory_space<vmem>>
    %dma_wait3A_555 = arith.constant 0 : i32
    %dma_wait3A_556 = tpu.memref_slice %arg2[%dma_wait3A_555] : memref<524288xf32, #tpu.memory_space<hbm>> -> memref<524288xf32, #tpu.memory_space<hbm>>
    tpu.wait_indirect_dma semaphore(%arg11 : memref<!tpu.dma_semaphore, #tpu.memory_space<semaphore_mem>>) src(%dma_wait3A_556 : memref<524288xf32, #tpu.memory_space<hbm>>) dst(%dma_wait3A_552 : memref<128xf32, #tpu.memory_space<vmem>>)
    %dma_wait3A_557 = arith.constant 2944 : i32
    %dma_wait3A_558 = tpu.memref_slice %arg6[%dma_wait3A_557] : memref<8192xf32, #tpu.memory_space<vmem>> -> memref<128xf32, #tpu.memory_space<vmem>>
    %dma_wait3A_559 = arith.constant 2944 : i32
    %dma_wait3A_560 = tpu.memref_slice %arg5[%dma_wait3A_559] : memref<8192xi32, #tpu.memory_space<vmem>> -> memref<128xi32, #tpu.memory_space<vmem>>
    %dma_wait3A_561 = arith.constant 0 : i32
    %dma_wait3A_562 = tpu.memref_slice %arg2[%dma_wait3A_561] : memref<524288xf32, #tpu.memory_space<hbm>> -> memref<524288xf32, #tpu.memory_space<hbm>>
    tpu.wait_indirect_dma semaphore(%arg11 : memref<!tpu.dma_semaphore, #tpu.memory_space<semaphore_mem>>) src(%dma_wait3A_562 : memref<524288xf32, #tpu.memory_space<hbm>>) dst(%dma_wait3A_558 : memref<128xf32, #tpu.memory_space<vmem>>)
    %dma_wait3A_563 = arith.constant 3072 : i32
    %dma_wait3A_564 = tpu.memref_slice %arg6[%dma_wait3A_563] : memref<8192xf32, #tpu.memory_space<vmem>> -> memref<128xf32, #tpu.memory_space<vmem>>
    %dma_wait3A_565 = arith.constant 3072 : i32
    %dma_wait3A_566 = tpu.memref_slice %arg5[%dma_wait3A_565] : memref<8192xi32, #tpu.memory_space<vmem>> -> memref<128xi32, #tpu.memory_space<vmem>>
    %dma_wait3A_567 = arith.constant 0 : i32
    %dma_wait3A_568 = tpu.memref_slice %arg2[%dma_wait3A_567] : memref<524288xf32, #tpu.memory_space<hbm>> -> memref<524288xf32, #tpu.memory_space<hbm>>
    tpu.wait_indirect_dma semaphore(%arg11 : memref<!tpu.dma_semaphore, #tpu.memory_space<semaphore_mem>>) src(%dma_wait3A_568 : memref<524288xf32, #tpu.memory_space<hbm>>) dst(%dma_wait3A_564 : memref<128xf32, #tpu.memory_space<vmem>>)
    %dma_wait3A_569 = arith.constant 3200 : i32
    %dma_wait3A_570 = tpu.memref_slice %arg6[%dma_wait3A_569] : memref<8192xf32, #tpu.memory_space<vmem>> -> memref<128xf32, #tpu.memory_space<vmem>>
    %dma_wait3A_571 = arith.constant 3200 : i32
    %dma_wait3A_572 = tpu.memref_slice %arg5[%dma_wait3A_571] : memref<8192xi32, #tpu.memory_space<vmem>> -> memref<128xi32, #tpu.memory_space<vmem>>
    %dma_wait3A_573 = arith.constant 0 : i32
    %dma_wait3A_574 = tpu.memref_slice %arg2[%dma_wait3A_573] : memref<524288xf32, #tpu.memory_space<hbm>> -> memref<524288xf32, #tpu.memory_space<hbm>>
    tpu.wait_indirect_dma semaphore(%arg11 : memref<!tpu.dma_semaphore, #tpu.memory_space<semaphore_mem>>) src(%dma_wait3A_574 : memref<524288xf32, #tpu.memory_space<hbm>>) dst(%dma_wait3A_570 : memref<128xf32, #tpu.memory_space<vmem>>)
    %dma_wait3A_575 = arith.constant 3328 : i32
    %dma_wait3A_576 = tpu.memref_slice %arg6[%dma_wait3A_575] : memref<8192xf32, #tpu.memory_space<vmem>> -> memref<128xf32, #tpu.memory_space<vmem>>
    %dma_wait3A_577 = arith.constant 3328 : i32
    %dma_wait3A_578 = tpu.memref_slice %arg5[%dma_wait3A_577] : memref<8192xi32, #tpu.memory_space<vmem>> -> memref<128xi32, #tpu.memory_space<vmem>>
    %dma_wait3A_579 = arith.constant 0 : i32
    %dma_wait3A_580 = tpu.memref_slice %arg2[%dma_wait3A_579] : memref<524288xf32, #tpu.memory_space<hbm>> -> memref<524288xf32, #tpu.memory_space<hbm>>
    tpu.wait_indirect_dma semaphore(%arg11 : memref<!tpu.dma_semaphore, #tpu.memory_space<semaphore_mem>>) src(%dma_wait3A_580 : memref<524288xf32, #tpu.memory_space<hbm>>) dst(%dma_wait3A_576 : memref<128xf32, #tpu.memory_space<vmem>>)
    %dma_wait3A_581 = arith.constant 3456 : i32
    %dma_wait3A_582 = tpu.memref_slice %arg6[%dma_wait3A_581] : memref<8192xf32, #tpu.memory_space<vmem>> -> memref<128xf32, #tpu.memory_space<vmem>>
    %dma_wait3A_583 = arith.constant 3456 : i32
    %dma_wait3A_584 = tpu.memref_slice %arg5[%dma_wait3A_583] : memref<8192xi32, #tpu.memory_space<vmem>> -> memref<128xi32, #tpu.memory_space<vmem>>
    %dma_wait3A_585 = arith.constant 0 : i32
    %dma_wait3A_586 = tpu.memref_slice %arg2[%dma_wait3A_585] : memref<524288xf32, #tpu.memory_space<hbm>> -> memref<524288xf32, #tpu.memory_space<hbm>>
    tpu.wait_indirect_dma semaphore(%arg11 : memref<!tpu.dma_semaphore, #tpu.memory_space<semaphore_mem>>) src(%dma_wait3A_586 : memref<524288xf32, #tpu.memory_space<hbm>>) dst(%dma_wait3A_582 : memref<128xf32, #tpu.memory_space<vmem>>)
    %dma_wait3A_587 = arith.constant 3584 : i32
    %dma_wait3A_588 = tpu.memref_slice %arg6[%dma_wait3A_587] : memref<8192xf32, #tpu.memory_space<vmem>> -> memref<128xf32, #tpu.memory_space<vmem>>
    %dma_wait3A_589 = arith.constant 3584 : i32
    %dma_wait3A_590 = tpu.memref_slice %arg5[%dma_wait3A_589] : memref<8192xi32, #tpu.memory_space<vmem>> -> memref<128xi32, #tpu.memory_space<vmem>>
    %dma_wait3A_591 = arith.constant 0 : i32
    %dma_wait3A_592 = tpu.memref_slice %arg2[%dma_wait3A_591] : memref<524288xf32, #tpu.memory_space<hbm>> -> memref<524288xf32, #tpu.memory_space<hbm>>
    tpu.wait_indirect_dma semaphore(%arg11 : memref<!tpu.dma_semaphore, #tpu.memory_space<semaphore_mem>>) src(%dma_wait3A_592 : memref<524288xf32, #tpu.memory_space<hbm>>) dst(%dma_wait3A_588 : memref<128xf32, #tpu.memory_space<vmem>>)
    %dma_wait3A_593 = arith.constant 3712 : i32
    %dma_wait3A_594 = tpu.memref_slice %arg6[%dma_wait3A_593] : memref<8192xf32, #tpu.memory_space<vmem>> -> memref<128xf32, #tpu.memory_space<vmem>>
    %dma_wait3A_595 = arith.constant 3712 : i32
    %dma_wait3A_596 = tpu.memref_slice %arg5[%dma_wait3A_595] : memref<8192xi32, #tpu.memory_space<vmem>> -> memref<128xi32, #tpu.memory_space<vmem>>
    %dma_wait3A_597 = arith.constant 0 : i32
    %dma_wait3A_598 = tpu.memref_slice %arg2[%dma_wait3A_597] : memref<524288xf32, #tpu.memory_space<hbm>> -> memref<524288xf32, #tpu.memory_space<hbm>>
    tpu.wait_indirect_dma semaphore(%arg11 : memref<!tpu.dma_semaphore, #tpu.memory_space<semaphore_mem>>) src(%dma_wait3A_598 : memref<524288xf32, #tpu.memory_space<hbm>>) dst(%dma_wait3A_594 : memref<128xf32, #tpu.memory_space<vmem>>)
    %dma_wait3A_599 = arith.constant 3840 : i32
    %dma_wait3A_600 = tpu.memref_slice %arg6[%dma_wait3A_599] : memref<8192xf32, #tpu.memory_space<vmem>> -> memref<128xf32, #tpu.memory_space<vmem>>
    %dma_wait3A_601 = arith.constant 3840 : i32
    %dma_wait3A_602 = tpu.memref_slice %arg5[%dma_wait3A_601] : memref<8192xi32, #tpu.memory_space<vmem>> -> memref<128xi32, #tpu.memory_space<vmem>>
    %dma_wait3A_603 = arith.constant 0 : i32
    %dma_wait3A_604 = tpu.memref_slice %arg2[%dma_wait3A_603] : memref<524288xf32, #tpu.memory_space<hbm>> -> memref<524288xf32, #tpu.memory_space<hbm>>
    tpu.wait_indirect_dma semaphore(%arg11 : memref<!tpu.dma_semaphore, #tpu.memory_space<semaphore_mem>>) src(%dma_wait3A_604 : memref<524288xf32, #tpu.memory_space<hbm>>) dst(%dma_wait3A_600 : memref<128xf32, #tpu.memory_space<vmem>>)
    %dma_wait3A_605 = arith.constant 3968 : i32
    %dma_wait3A_606 = tpu.memref_slice %arg6[%dma_wait3A_605] : memref<8192xf32, #tpu.memory_space<vmem>> -> memref<128xf32, #tpu.memory_space<vmem>>
    %dma_wait3A_607 = arith.constant 3968 : i32
    %dma_wait3A_608 = tpu.memref_slice %arg5[%dma_wait3A_607] : memref<8192xi32, #tpu.memory_space<vmem>> -> memref<128xi32, #tpu.memory_space<vmem>>
    %dma_wait3A_609 = arith.constant 0 : i32
    %dma_wait3A_610 = tpu.memref_slice %arg2[%dma_wait3A_609] : memref<524288xf32, #tpu.memory_space<hbm>> -> memref<524288xf32, #tpu.memory_space<hbm>>
    tpu.wait_indirect_dma semaphore(%arg11 : memref<!tpu.dma_semaphore, #tpu.memory_space<semaphore_mem>>) src(%dma_wait3A_610 : memref<524288xf32, #tpu.memory_space<hbm>>) dst(%dma_wait3A_606 : memref<128xf32, #tpu.memory_space<vmem>>)
    %dma_wait3A_611 = arith.constant 4096 : i32
    %dma_wait3A_612 = tpu.memref_slice %arg6[%dma_wait3A_611] : memref<8192xf32, #tpu.memory_space<vmem>> -> memref<128xf32, #tpu.memory_space<vmem>>
    %dma_wait3A_613 = arith.constant 4096 : i32
    %dma_wait3A_614 = tpu.memref_slice %arg5[%dma_wait3A_613] : memref<8192xi32, #tpu.memory_space<vmem>> -> memref<128xi32, #tpu.memory_space<vmem>>
    %dma_wait3A_615 = arith.constant 0 : i32
    %dma_wait3A_616 = tpu.memref_slice %arg2[%dma_wait3A_615] : memref<524288xf32, #tpu.memory_space<hbm>> -> memref<524288xf32, #tpu.memory_space<hbm>>
    tpu.wait_indirect_dma semaphore(%arg11 : memref<!tpu.dma_semaphore, #tpu.memory_space<semaphore_mem>>) src(%dma_wait3A_616 : memref<524288xf32, #tpu.memory_space<hbm>>) dst(%dma_wait3A_612 : memref<128xf32, #tpu.memory_space<vmem>>)
    %dma_wait3A_617 = arith.constant 4224 : i32
    %dma_wait3A_618 = tpu.memref_slice %arg6[%dma_wait3A_617] : memref<8192xf32, #tpu.memory_space<vmem>> -> memref<128xf32, #tpu.memory_space<vmem>>
    %dma_wait3A_619 = arith.constant 4224 : i32
    %dma_wait3A_620 = tpu.memref_slice %arg5[%dma_wait3A_619] : memref<8192xi32, #tpu.memory_space<vmem>> -> memref<128xi32, #tpu.memory_space<vmem>>
    %dma_wait3A_621 = arith.constant 0 : i32
    %dma_wait3A_622 = tpu.memref_slice %arg2[%dma_wait3A_621] : memref<524288xf32, #tpu.memory_space<hbm>> -> memref<524288xf32, #tpu.memory_space<hbm>>
    tpu.wait_indirect_dma semaphore(%arg11 : memref<!tpu.dma_semaphore, #tpu.memory_space<semaphore_mem>>) src(%dma_wait3A_622 : memref<524288xf32, #tpu.memory_space<hbm>>) dst(%dma_wait3A_618 : memref<128xf32, #tpu.memory_space<vmem>>)
    %dma_wait3A_623 = arith.constant 4352 : i32
    %dma_wait3A_624 = tpu.memref_slice %arg6[%dma_wait3A_623] : memref<8192xf32, #tpu.memory_space<vmem>> -> memref<128xf32, #tpu.memory_space<vmem>>
    %dma_wait3A_625 = arith.constant 4352 : i32
    %dma_wait3A_626 = tpu.memref_slice %arg5[%dma_wait3A_625] : memref<8192xi32, #tpu.memory_space<vmem>> -> memref<128xi32, #tpu.memory_space<vmem>>
    %dma_wait3A_627 = arith.constant 0 : i32
    %dma_wait3A_628 = tpu.memref_slice %arg2[%dma_wait3A_627] : memref<524288xf32, #tpu.memory_space<hbm>> -> memref<524288xf32, #tpu.memory_space<hbm>>
    tpu.wait_indirect_dma semaphore(%arg11 : memref<!tpu.dma_semaphore, #tpu.memory_space<semaphore_mem>>) src(%dma_wait3A_628 : memref<524288xf32, #tpu.memory_space<hbm>>) dst(%dma_wait3A_624 : memref<128xf32, #tpu.memory_space<vmem>>)
    %dma_wait3A_629 = arith.constant 4480 : i32
    %dma_wait3A_630 = tpu.memref_slice %arg6[%dma_wait3A_629] : memref<8192xf32, #tpu.memory_space<vmem>> -> memref<128xf32, #tpu.memory_space<vmem>>
    %dma_wait3A_631 = arith.constant 4480 : i32
    %dma_wait3A_632 = tpu.memref_slice %arg5[%dma_wait3A_631] : memref<8192xi32, #tpu.memory_space<vmem>> -> memref<128xi32, #tpu.memory_space<vmem>>
    %dma_wait3A_633 = arith.constant 0 : i32
    %dma_wait3A_634 = tpu.memref_slice %arg2[%dma_wait3A_633] : memref<524288xf32, #tpu.memory_space<hbm>> -> memref<524288xf32, #tpu.memory_space<hbm>>
    tpu.wait_indirect_dma semaphore(%arg11 : memref<!tpu.dma_semaphore, #tpu.memory_space<semaphore_mem>>) src(%dma_wait3A_634 : memref<524288xf32, #tpu.memory_space<hbm>>) dst(%dma_wait3A_630 : memref<128xf32, #tpu.memory_space<vmem>>)
    %dma_wait3A_635 = arith.constant 4608 : i32
    %dma_wait3A_636 = tpu.memref_slice %arg6[%dma_wait3A_635] : memref<8192xf32, #tpu.memory_space<vmem>> -> memref<128xf32, #tpu.memory_space<vmem>>
    %dma_wait3A_637 = arith.constant 4608 : i32
    %dma_wait3A_638 = tpu.memref_slice %arg5[%dma_wait3A_637] : memref<8192xi32, #tpu.memory_space<vmem>> -> memref<128xi32, #tpu.memory_space<vmem>>
    %dma_wait3A_639 = arith.constant 0 : i32
    %dma_wait3A_640 = tpu.memref_slice %arg2[%dma_wait3A_639] : memref<524288xf32, #tpu.memory_space<hbm>> -> memref<524288xf32, #tpu.memory_space<hbm>>
    tpu.wait_indirect_dma semaphore(%arg11 : memref<!tpu.dma_semaphore, #tpu.memory_space<semaphore_mem>>) src(%dma_wait3A_640 : memref<524288xf32, #tpu.memory_space<hbm>>) dst(%dma_wait3A_636 : memref<128xf32, #tpu.memory_space<vmem>>)
    %dma_wait3A_641 = arith.constant 4736 : i32
    %dma_wait3A_642 = tpu.memref_slice %arg6[%dma_wait3A_641] : memref<8192xf32, #tpu.memory_space<vmem>> -> memref<128xf32, #tpu.memory_space<vmem>>
    %dma_wait3A_643 = arith.constant 4736 : i32
    %dma_wait3A_644 = tpu.memref_slice %arg5[%dma_wait3A_643] : memref<8192xi32, #tpu.memory_space<vmem>> -> memref<128xi32, #tpu.memory_space<vmem>>
    %dma_wait3A_645 = arith.constant 0 : i32
    %dma_wait3A_646 = tpu.memref_slice %arg2[%dma_wait3A_645] : memref<524288xf32, #tpu.memory_space<hbm>> -> memref<524288xf32, #tpu.memory_space<hbm>>
    tpu.wait_indirect_dma semaphore(%arg11 : memref<!tpu.dma_semaphore, #tpu.memory_space<semaphore_mem>>) src(%dma_wait3A_646 : memref<524288xf32, #tpu.memory_space<hbm>>) dst(%dma_wait3A_642 : memref<128xf32, #tpu.memory_space<vmem>>)
    %dma_wait3A_647 = arith.constant 4864 : i32
    %dma_wait3A_648 = tpu.memref_slice %arg6[%dma_wait3A_647] : memref<8192xf32, #tpu.memory_space<vmem>> -> memref<128xf32, #tpu.memory_space<vmem>>
    %dma_wait3A_649 = arith.constant 4864 : i32
    %dma_wait3A_650 = tpu.memref_slice %arg5[%dma_wait3A_649] : memref<8192xi32, #tpu.memory_space<vmem>> -> memref<128xi32, #tpu.memory_space<vmem>>
    %dma_wait3A_651 = arith.constant 0 : i32
    %dma_wait3A_652 = tpu.memref_slice %arg2[%dma_wait3A_651] : memref<524288xf32, #tpu.memory_space<hbm>> -> memref<524288xf32, #tpu.memory_space<hbm>>
    tpu.wait_indirect_dma semaphore(%arg11 : memref<!tpu.dma_semaphore, #tpu.memory_space<semaphore_mem>>) src(%dma_wait3A_652 : memref<524288xf32, #tpu.memory_space<hbm>>) dst(%dma_wait3A_648 : memref<128xf32, #tpu.memory_space<vmem>>)
    %dma_wait3A_653 = arith.constant 4992 : i32
    %dma_wait3A_654 = tpu.memref_slice %arg6[%dma_wait3A_653] : memref<8192xf32, #tpu.memory_space<vmem>> -> memref<128xf32, #tpu.memory_space<vmem>>
    %dma_wait3A_655 = arith.constant 4992 : i32
    %dma_wait3A_656 = tpu.memref_slice %arg5[%dma_wait3A_655] : memref<8192xi32, #tpu.memory_space<vmem>> -> memref<128xi32, #tpu.memory_space<vmem>>
    %dma_wait3A_657 = arith.constant 0 : i32
    %dma_wait3A_658 = tpu.memref_slice %arg2[%dma_wait3A_657] : memref<524288xf32, #tpu.memory_space<hbm>> -> memref<524288xf32, #tpu.memory_space<hbm>>
    tpu.wait_indirect_dma semaphore(%arg11 : memref<!tpu.dma_semaphore, #tpu.memory_space<semaphore_mem>>) src(%dma_wait3A_658 : memref<524288xf32, #tpu.memory_space<hbm>>) dst(%dma_wait3A_654 : memref<128xf32, #tpu.memory_space<vmem>>)
    %dma_wait3A_659 = arith.constant 5120 : i32
    %dma_wait3A_660 = tpu.memref_slice %arg6[%dma_wait3A_659] : memref<8192xf32, #tpu.memory_space<vmem>> -> memref<128xf32, #tpu.memory_space<vmem>>
    %dma_wait3A_661 = arith.constant 5120 : i32
    %dma_wait3A_662 = tpu.memref_slice %arg5[%dma_wait3A_661] : memref<8192xi32, #tpu.memory_space<vmem>> -> memref<128xi32, #tpu.memory_space<vmem>>
    %dma_wait3A_663 = arith.constant 0 : i32
    %dma_wait3A_664 = tpu.memref_slice %arg2[%dma_wait3A_663] : memref<524288xf32, #tpu.memory_space<hbm>> -> memref<524288xf32, #tpu.memory_space<hbm>>
    tpu.wait_indirect_dma semaphore(%arg11 : memref<!tpu.dma_semaphore, #tpu.memory_space<semaphore_mem>>) src(%dma_wait3A_664 : memref<524288xf32, #tpu.memory_space<hbm>>) dst(%dma_wait3A_660 : memref<128xf32, #tpu.memory_space<vmem>>)
    %dma_wait3A_665 = arith.constant 5248 : i32
    %dma_wait3A_666 = tpu.memref_slice %arg6[%dma_wait3A_665] : memref<8192xf32, #tpu.memory_space<vmem>> -> memref<128xf32, #tpu.memory_space<vmem>>
    %dma_wait3A_667 = arith.constant 5248 : i32
    %dma_wait3A_668 = tpu.memref_slice %arg5[%dma_wait3A_667] : memref<8192xi32, #tpu.memory_space<vmem>> -> memref<128xi32, #tpu.memory_space<vmem>>
    %dma_wait3A_669 = arith.constant 0 : i32
    %dma_wait3A_670 = tpu.memref_slice %arg2[%dma_wait3A_669] : memref<524288xf32, #tpu.memory_space<hbm>> -> memref<524288xf32, #tpu.memory_space<hbm>>
    tpu.wait_indirect_dma semaphore(%arg11 : memref<!tpu.dma_semaphore, #tpu.memory_space<semaphore_mem>>) src(%dma_wait3A_670 : memref<524288xf32, #tpu.memory_space<hbm>>) dst(%dma_wait3A_666 : memref<128xf32, #tpu.memory_space<vmem>>)
    %dma_wait3A_671 = arith.constant 5376 : i32
    %dma_wait3A_672 = tpu.memref_slice %arg6[%dma_wait3A_671] : memref<8192xf32, #tpu.memory_space<vmem>> -> memref<128xf32, #tpu.memory_space<vmem>>
    %dma_wait3A_673 = arith.constant 5376 : i32
    %dma_wait3A_674 = tpu.memref_slice %arg5[%dma_wait3A_673] : memref<8192xi32, #tpu.memory_space<vmem>> -> memref<128xi32, #tpu.memory_space<vmem>>
    %dma_wait3A_675 = arith.constant 0 : i32
    %dma_wait3A_676 = tpu.memref_slice %arg2[%dma_wait3A_675] : memref<524288xf32, #tpu.memory_space<hbm>> -> memref<524288xf32, #tpu.memory_space<hbm>>
    tpu.wait_indirect_dma semaphore(%arg11 : memref<!tpu.dma_semaphore, #tpu.memory_space<semaphore_mem>>) src(%dma_wait3A_676 : memref<524288xf32, #tpu.memory_space<hbm>>) dst(%dma_wait3A_672 : memref<128xf32, #tpu.memory_space<vmem>>)
    %dma_wait3A_677 = arith.constant 5504 : i32
    %dma_wait3A_678 = tpu.memref_slice %arg6[%dma_wait3A_677] : memref<8192xf32, #tpu.memory_space<vmem>> -> memref<128xf32, #tpu.memory_space<vmem>>
    %dma_wait3A_679 = arith.constant 5504 : i32
    %dma_wait3A_680 = tpu.memref_slice %arg5[%dma_wait3A_679] : memref<8192xi32, #tpu.memory_space<vmem>> -> memref<128xi32, #tpu.memory_space<vmem>>
    %dma_wait3A_681 = arith.constant 0 : i32
    %dma_wait3A_682 = tpu.memref_slice %arg2[%dma_wait3A_681] : memref<524288xf32, #tpu.memory_space<hbm>> -> memref<524288xf32, #tpu.memory_space<hbm>>
    tpu.wait_indirect_dma semaphore(%arg11 : memref<!tpu.dma_semaphore, #tpu.memory_space<semaphore_mem>>) src(%dma_wait3A_682 : memref<524288xf32, #tpu.memory_space<hbm>>) dst(%dma_wait3A_678 : memref<128xf32, #tpu.memory_space<vmem>>)
    %dma_wait3A_683 = arith.constant 5632 : i32
    %dma_wait3A_684 = tpu.memref_slice %arg6[%dma_wait3A_683] : memref<8192xf32, #tpu.memory_space<vmem>> -> memref<128xf32, #tpu.memory_space<vmem>>
    %dma_wait3A_685 = arith.constant 5632 : i32
    %dma_wait3A_686 = tpu.memref_slice %arg5[%dma_wait3A_685] : memref<8192xi32, #tpu.memory_space<vmem>> -> memref<128xi32, #tpu.memory_space<vmem>>
    %dma_wait3A_687 = arith.constant 0 : i32
    %dma_wait3A_688 = tpu.memref_slice %arg2[%dma_wait3A_687] : memref<524288xf32, #tpu.memory_space<hbm>> -> memref<524288xf32, #tpu.memory_space<hbm>>
    tpu.wait_indirect_dma semaphore(%arg11 : memref<!tpu.dma_semaphore, #tpu.memory_space<semaphore_mem>>) src(%dma_wait3A_688 : memref<524288xf32, #tpu.memory_space<hbm>>) dst(%dma_wait3A_684 : memref<128xf32, #tpu.memory_space<vmem>>)
    %dma_wait3A_689 = arith.constant 5760 : i32
    %dma_wait3A_690 = tpu.memref_slice %arg6[%dma_wait3A_689] : memref<8192xf32, #tpu.memory_space<vmem>> -> memref<128xf32, #tpu.memory_space<vmem>>
    %dma_wait3A_691 = arith.constant 5760 : i32
    %dma_wait3A_692 = tpu.memref_slice %arg5[%dma_wait3A_691] : memref<8192xi32, #tpu.memory_space<vmem>> -> memref<128xi32, #tpu.memory_space<vmem>>
    %dma_wait3A_693 = arith.constant 0 : i32
    %dma_wait3A_694 = tpu.memref_slice %arg2[%dma_wait3A_693] : memref<524288xf32, #tpu.memory_space<hbm>> -> memref<524288xf32, #tpu.memory_space<hbm>>
    tpu.wait_indirect_dma semaphore(%arg11 : memref<!tpu.dma_semaphore, #tpu.memory_space<semaphore_mem>>) src(%dma_wait3A_694 : memref<524288xf32, #tpu.memory_space<hbm>>) dst(%dma_wait3A_690 : memref<128xf32, #tpu.memory_space<vmem>>)
    %dma_wait3A_695 = arith.constant 5888 : i32
    %dma_wait3A_696 = tpu.memref_slice %arg6[%dma_wait3A_695] : memref<8192xf32, #tpu.memory_space<vmem>> -> memref<128xf32, #tpu.memory_space<vmem>>
    %dma_wait3A_697 = arith.constant 5888 : i32
    %dma_wait3A_698 = tpu.memref_slice %arg5[%dma_wait3A_697] : memref<8192xi32, #tpu.memory_space<vmem>> -> memref<128xi32, #tpu.memory_space<vmem>>
    %dma_wait3A_699 = arith.constant 0 : i32
    %dma_wait3A_700 = tpu.memref_slice %arg2[%dma_wait3A_699] : memref<524288xf32, #tpu.memory_space<hbm>> -> memref<524288xf32, #tpu.memory_space<hbm>>
    tpu.wait_indirect_dma semaphore(%arg11 : memref<!tpu.dma_semaphore, #tpu.memory_space<semaphore_mem>>) src(%dma_wait3A_700 : memref<524288xf32, #tpu.memory_space<hbm>>) dst(%dma_wait3A_696 : memref<128xf32, #tpu.memory_space<vmem>>)
    %dma_wait3A_701 = arith.constant 6016 : i32
    %dma_wait3A_702 = tpu.memref_slice %arg6[%dma_wait3A_701] : memref<8192xf32, #tpu.memory_space<vmem>> -> memref<128xf32, #tpu.memory_space<vmem>>
    %dma_wait3A_703 = arith.constant 6016 : i32
    %dma_wait3A_704 = tpu.memref_slice %arg5[%dma_wait3A_703] : memref<8192xi32, #tpu.memory_space<vmem>> -> memref<128xi32, #tpu.memory_space<vmem>>
    %dma_wait3A_705 = arith.constant 0 : i32
    %dma_wait3A_706 = tpu.memref_slice %arg2[%dma_wait3A_705] : memref<524288xf32, #tpu.memory_space<hbm>> -> memref<524288xf32, #tpu.memory_space<hbm>>
    tpu.wait_indirect_dma semaphore(%arg11 : memref<!tpu.dma_semaphore, #tpu.memory_space<semaphore_mem>>) src(%dma_wait3A_706 : memref<524288xf32, #tpu.memory_space<hbm>>) dst(%dma_wait3A_702 : memref<128xf32, #tpu.memory_space<vmem>>)
    %dma_wait3A_707 = arith.constant 6144 : i32
    %dma_wait3A_708 = tpu.memref_slice %arg6[%dma_wait3A_707] : memref<8192xf32, #tpu.memory_space<vmem>> -> memref<128xf32, #tpu.memory_space<vmem>>
    %dma_wait3A_709 = arith.constant 6144 : i32
    %dma_wait3A_710 = tpu.memref_slice %arg5[%dma_wait3A_709] : memref<8192xi32, #tpu.memory_space<vmem>> -> memref<128xi32, #tpu.memory_space<vmem>>
    %dma_wait3A_711 = arith.constant 0 : i32
    %dma_wait3A_712 = tpu.memref_slice %arg2[%dma_wait3A_711] : memref<524288xf32, #tpu.memory_space<hbm>> -> memref<524288xf32, #tpu.memory_space<hbm>>
    tpu.wait_indirect_dma semaphore(%arg11 : memref<!tpu.dma_semaphore, #tpu.memory_space<semaphore_mem>>) src(%dma_wait3A_712 : memref<524288xf32, #tpu.memory_space<hbm>>) dst(%dma_wait3A_708 : memref<128xf32, #tpu.memory_space<vmem>>)
    %dma_wait3A_713 = arith.constant 6272 : i32
    %dma_wait3A_714 = tpu.memref_slice %arg6[%dma_wait3A_713] : memref<8192xf32, #tpu.memory_space<vmem>> -> memref<128xf32, #tpu.memory_space<vmem>>
    %dma_wait3A_715 = arith.constant 6272 : i32
    %dma_wait3A_716 = tpu.memref_slice %arg5[%dma_wait3A_715] : memref<8192xi32, #tpu.memory_space<vmem>> -> memref<128xi32, #tpu.memory_space<vmem>>
    %dma_wait3A_717 = arith.constant 0 : i32
    %dma_wait3A_718 = tpu.memref_slice %arg2[%dma_wait3A_717] : memref<524288xf32, #tpu.memory_space<hbm>> -> memref<524288xf32, #tpu.memory_space<hbm>>
    tpu.wait_indirect_dma semaphore(%arg11 : memref<!tpu.dma_semaphore, #tpu.memory_space<semaphore_mem>>) src(%dma_wait3A_718 : memref<524288xf32, #tpu.memory_space<hbm>>) dst(%dma_wait3A_714 : memref<128xf32, #tpu.memory_space<vmem>>)
    %dma_wait3A_719 = arith.constant 6400 : i32
    %dma_wait3A_720 = tpu.memref_slice %arg6[%dma_wait3A_719] : memref<8192xf32, #tpu.memory_space<vmem>> -> memref<128xf32, #tpu.memory_space<vmem>>
    %dma_wait3A_721 = arith.constant 6400 : i32
    %dma_wait3A_722 = tpu.memref_slice %arg5[%dma_wait3A_721] : memref<8192xi32, #tpu.memory_space<vmem>> -> memref<128xi32, #tpu.memory_space<vmem>>
    %dma_wait3A_723 = arith.constant 0 : i32
    %dma_wait3A_724 = tpu.memref_slice %arg2[%dma_wait3A_723] : memref<524288xf32, #tpu.memory_space<hbm>> -> memref<524288xf32, #tpu.memory_space<hbm>>
    tpu.wait_indirect_dma semaphore(%arg11 : memref<!tpu.dma_semaphore, #tpu.memory_space<semaphore_mem>>) src(%dma_wait3A_724 : memref<524288xf32, #tpu.memory_space<hbm>>) dst(%dma_wait3A_720 : memref<128xf32, #tpu.memory_space<vmem>>)
    %dma_wait3A_725 = arith.constant 6528 : i32
    %dma_wait3A_726 = tpu.memref_slice %arg6[%dma_wait3A_725] : memref<8192xf32, #tpu.memory_space<vmem>> -> memref<128xf32, #tpu.memory_space<vmem>>
    %dma_wait3A_727 = arith.constant 6528 : i32
    %dma_wait3A_728 = tpu.memref_slice %arg5[%dma_wait3A_727] : memref<8192xi32, #tpu.memory_space<vmem>> -> memref<128xi32, #tpu.memory_space<vmem>>
    %dma_wait3A_729 = arith.constant 0 : i32
    %dma_wait3A_730 = tpu.memref_slice %arg2[%dma_wait3A_729] : memref<524288xf32, #tpu.memory_space<hbm>> -> memref<524288xf32, #tpu.memory_space<hbm>>
    tpu.wait_indirect_dma semaphore(%arg11 : memref<!tpu.dma_semaphore, #tpu.memory_space<semaphore_mem>>) src(%dma_wait3A_730 : memref<524288xf32, #tpu.memory_space<hbm>>) dst(%dma_wait3A_726 : memref<128xf32, #tpu.memory_space<vmem>>)
    %dma_wait3A_731 = arith.constant 6656 : i32
    %dma_wait3A_732 = tpu.memref_slice %arg6[%dma_wait3A_731] : memref<8192xf32, #tpu.memory_space<vmem>> -> memref<128xf32, #tpu.memory_space<vmem>>
    %dma_wait3A_733 = arith.constant 6656 : i32
    %dma_wait3A_734 = tpu.memref_slice %arg5[%dma_wait3A_733] : memref<8192xi32, #tpu.memory_space<vmem>> -> memref<128xi32, #tpu.memory_space<vmem>>
    %dma_wait3A_735 = arith.constant 0 : i32
    %dma_wait3A_736 = tpu.memref_slice %arg2[%dma_wait3A_735] : memref<524288xf32, #tpu.memory_space<hbm>> -> memref<524288xf32, #tpu.memory_space<hbm>>
    tpu.wait_indirect_dma semaphore(%arg11 : memref<!tpu.dma_semaphore, #tpu.memory_space<semaphore_mem>>) src(%dma_wait3A_736 : memref<524288xf32, #tpu.memory_space<hbm>>) dst(%dma_wait3A_732 : memref<128xf32, #tpu.memory_space<vmem>>)
    %dma_wait3A_737 = arith.constant 6784 : i32
    %dma_wait3A_738 = tpu.memref_slice %arg6[%dma_wait3A_737] : memref<8192xf32, #tpu.memory_space<vmem>> -> memref<128xf32, #tpu.memory_space<vmem>>
    %dma_wait3A_739 = arith.constant 6784 : i32
    %dma_wait3A_740 = tpu.memref_slice %arg5[%dma_wait3A_739] : memref<8192xi32, #tpu.memory_space<vmem>> -> memref<128xi32, #tpu.memory_space<vmem>>
    %dma_wait3A_741 = arith.constant 0 : i32
    %dma_wait3A_742 = tpu.memref_slice %arg2[%dma_wait3A_741] : memref<524288xf32, #tpu.memory_space<hbm>> -> memref<524288xf32, #tpu.memory_space<hbm>>
    tpu.wait_indirect_dma semaphore(%arg11 : memref<!tpu.dma_semaphore, #tpu.memory_space<semaphore_mem>>) src(%dma_wait3A_742 : memref<524288xf32, #tpu.memory_space<hbm>>) dst(%dma_wait3A_738 : memref<128xf32, #tpu.memory_space<vmem>>)
    %dma_wait3A_743 = arith.constant 6912 : i32
    %dma_wait3A_744 = tpu.memref_slice %arg6[%dma_wait3A_743] : memref<8192xf32, #tpu.memory_space<vmem>> -> memref<128xf32, #tpu.memory_space<vmem>>
    %dma_wait3A_745 = arith.constant 6912 : i32
    %dma_wait3A_746 = tpu.memref_slice %arg5[%dma_wait3A_745] : memref<8192xi32, #tpu.memory_space<vmem>> -> memref<128xi32, #tpu.memory_space<vmem>>
    %dma_wait3A_747 = arith.constant 0 : i32
    %dma_wait3A_748 = tpu.memref_slice %arg2[%dma_wait3A_747] : memref<524288xf32, #tpu.memory_space<hbm>> -> memref<524288xf32, #tpu.memory_space<hbm>>
    tpu.wait_indirect_dma semaphore(%arg11 : memref<!tpu.dma_semaphore, #tpu.memory_space<semaphore_mem>>) src(%dma_wait3A_748 : memref<524288xf32, #tpu.memory_space<hbm>>) dst(%dma_wait3A_744 : memref<128xf32, #tpu.memory_space<vmem>>)
    %dma_wait3A_749 = arith.constant 7040 : i32
    %dma_wait3A_750 = tpu.memref_slice %arg6[%dma_wait3A_749] : memref<8192xf32, #tpu.memory_space<vmem>> -> memref<128xf32, #tpu.memory_space<vmem>>
    %dma_wait3A_751 = arith.constant 7040 : i32
    %dma_wait3A_752 = tpu.memref_slice %arg5[%dma_wait3A_751] : memref<8192xi32, #tpu.memory_space<vmem>> -> memref<128xi32, #tpu.memory_space<vmem>>
    %dma_wait3A_753 = arith.constant 0 : i32
    %dma_wait3A_754 = tpu.memref_slice %arg2[%dma_wait3A_753] : memref<524288xf32, #tpu.memory_space<hbm>> -> memref<524288xf32, #tpu.memory_space<hbm>>
    tpu.wait_indirect_dma semaphore(%arg11 : memref<!tpu.dma_semaphore, #tpu.memory_space<semaphore_mem>>) src(%dma_wait3A_754 : memref<524288xf32, #tpu.memory_space<hbm>>) dst(%dma_wait3A_750 : memref<128xf32, #tpu.memory_space<vmem>>)
    %dma_wait3A_755 = arith.constant 7168 : i32
    %dma_wait3A_756 = tpu.memref_slice %arg6[%dma_wait3A_755] : memref<8192xf32, #tpu.memory_space<vmem>> -> memref<128xf32, #tpu.memory_space<vmem>>
    %dma_wait3A_757 = arith.constant 7168 : i32
    %dma_wait3A_758 = tpu.memref_slice %arg5[%dma_wait3A_757] : memref<8192xi32, #tpu.memory_space<vmem>> -> memref<128xi32, #tpu.memory_space<vmem>>
    %dma_wait3A_759 = arith.constant 0 : i32
    %dma_wait3A_760 = tpu.memref_slice %arg2[%dma_wait3A_759] : memref<524288xf32, #tpu.memory_space<hbm>> -> memref<524288xf32, #tpu.memory_space<hbm>>
    tpu.wait_indirect_dma semaphore(%arg11 : memref<!tpu.dma_semaphore, #tpu.memory_space<semaphore_mem>>) src(%dma_wait3A_760 : memref<524288xf32, #tpu.memory_space<hbm>>) dst(%dma_wait3A_756 : memref<128xf32, #tpu.memory_space<vmem>>)
    %dma_wait3A_761 = arith.constant 7296 : i32
    %dma_wait3A_762 = tpu.memref_slice %arg6[%dma_wait3A_761] : memref<8192xf32, #tpu.memory_space<vmem>> -> memref<128xf32, #tpu.memory_space<vmem>>
    %dma_wait3A_763 = arith.constant 7296 : i32
    %dma_wait3A_764 = tpu.memref_slice %arg5[%dma_wait3A_763] : memref<8192xi32, #tpu.memory_space<vmem>> -> memref<128xi32, #tpu.memory_space<vmem>>
    %dma_wait3A_765 = arith.constant 0 : i32
    %dma_wait3A_766 = tpu.memref_slice %arg2[%dma_wait3A_765] : memref<524288xf32, #tpu.memory_space<hbm>> -> memref<524288xf32, #tpu.memory_space<hbm>>
    tpu.wait_indirect_dma semaphore(%arg11 : memref<!tpu.dma_semaphore, #tpu.memory_space<semaphore_mem>>) src(%dma_wait3A_766 : memref<524288xf32, #tpu.memory_space<hbm>>) dst(%dma_wait3A_762 : memref<128xf32, #tpu.memory_space<vmem>>)
    %dma_wait3A_767 = arith.constant 7424 : i32
    %dma_wait3A_768 = tpu.memref_slice %arg6[%dma_wait3A_767] : memref<8192xf32, #tpu.memory_space<vmem>> -> memref<128xf32, #tpu.memory_space<vmem>>
    %dma_wait3A_769 = arith.constant 7424 : i32
    %dma_wait3A_770 = tpu.memref_slice %arg5[%dma_wait3A_769] : memref<8192xi32, #tpu.memory_space<vmem>> -> memref<128xi32, #tpu.memory_space<vmem>>
    %dma_wait3A_771 = arith.constant 0 : i32
    %dma_wait3A_772 = tpu.memref_slice %arg2[%dma_wait3A_771] : memref<524288xf32, #tpu.memory_space<hbm>> -> memref<524288xf32, #tpu.memory_space<hbm>>
    tpu.wait_indirect_dma semaphore(%arg11 : memref<!tpu.dma_semaphore, #tpu.memory_space<semaphore_mem>>) src(%dma_wait3A_772 : memref<524288xf32, #tpu.memory_space<hbm>>) dst(%dma_wait3A_768 : memref<128xf32, #tpu.memory_space<vmem>>)
    %dma_wait3A_773 = arith.constant 7552 : i32
    %dma_wait3A_774 = tpu.memref_slice %arg6[%dma_wait3A_773] : memref<8192xf32, #tpu.memory_space<vmem>> -> memref<128xf32, #tpu.memory_space<vmem>>
    %dma_wait3A_775 = arith.constant 7552 : i32
    %dma_wait3A_776 = tpu.memref_slice %arg5[%dma_wait3A_775] : memref<8192xi32, #tpu.memory_space<vmem>> -> memref<128xi32, #tpu.memory_space<vmem>>
    %dma_wait3A_777 = arith.constant 0 : i32
    %dma_wait3A_778 = tpu.memref_slice %arg2[%dma_wait3A_777] : memref<524288xf32, #tpu.memory_space<hbm>> -> memref<524288xf32, #tpu.memory_space<hbm>>
    tpu.wait_indirect_dma semaphore(%arg11 : memref<!tpu.dma_semaphore, #tpu.memory_space<semaphore_mem>>) src(%dma_wait3A_778 : memref<524288xf32, #tpu.memory_space<hbm>>) dst(%dma_wait3A_774 : memref<128xf32, #tpu.memory_space<vmem>>)
    %dma_wait3A_779 = arith.constant 7680 : i32
    %dma_wait3A_780 = tpu.memref_slice %arg6[%dma_wait3A_779] : memref<8192xf32, #tpu.memory_space<vmem>> -> memref<128xf32, #tpu.memory_space<vmem>>
    %dma_wait3A_781 = arith.constant 7680 : i32
    %dma_wait3A_782 = tpu.memref_slice %arg5[%dma_wait3A_781] : memref<8192xi32, #tpu.memory_space<vmem>> -> memref<128xi32, #tpu.memory_space<vmem>>
    %dma_wait3A_783 = arith.constant 0 : i32
    %dma_wait3A_784 = tpu.memref_slice %arg2[%dma_wait3A_783] : memref<524288xf32, #tpu.memory_space<hbm>> -> memref<524288xf32, #tpu.memory_space<hbm>>
    tpu.wait_indirect_dma semaphore(%arg11 : memref<!tpu.dma_semaphore, #tpu.memory_space<semaphore_mem>>) src(%dma_wait3A_784 : memref<524288xf32, #tpu.memory_space<hbm>>) dst(%dma_wait3A_780 : memref<128xf32, #tpu.memory_space<vmem>>)
    %dma_wait3A_785 = arith.constant 7808 : i32
    %dma_wait3A_786 = tpu.memref_slice %arg6[%dma_wait3A_785] : memref<8192xf32, #tpu.memory_space<vmem>> -> memref<128xf32, #tpu.memory_space<vmem>>
    %dma_wait3A_787 = arith.constant 7808 : i32
    %dma_wait3A_788 = tpu.memref_slice %arg5[%dma_wait3A_787] : memref<8192xi32, #tpu.memory_space<vmem>> -> memref<128xi32, #tpu.memory_space<vmem>>
    %dma_wait3A_789 = arith.constant 0 : i32
    %dma_wait3A_790 = tpu.memref_slice %arg2[%dma_wait3A_789] : memref<524288xf32, #tpu.memory_space<hbm>> -> memref<524288xf32, #tpu.memory_space<hbm>>
    tpu.wait_indirect_dma semaphore(%arg11 : memref<!tpu.dma_semaphore, #tpu.memory_space<semaphore_mem>>) src(%dma_wait3A_790 : memref<524288xf32, #tpu.memory_space<hbm>>) dst(%dma_wait3A_786 : memref<128xf32, #tpu.memory_space<vmem>>)
    %dma_wait3A_791 = arith.constant 7936 : i32
    %dma_wait3A_792 = tpu.memref_slice %arg6[%dma_wait3A_791] : memref<8192xf32, #tpu.memory_space<vmem>> -> memref<128xf32, #tpu.memory_space<vmem>>
    %dma_wait3A_793 = arith.constant 7936 : i32
    %dma_wait3A_794 = tpu.memref_slice %arg5[%dma_wait3A_793] : memref<8192xi32, #tpu.memory_space<vmem>> -> memref<128xi32, #tpu.memory_space<vmem>>
    %dma_wait3A_795 = arith.constant 0 : i32
    %dma_wait3A_796 = tpu.memref_slice %arg2[%dma_wait3A_795] : memref<524288xf32, #tpu.memory_space<hbm>> -> memref<524288xf32, #tpu.memory_space<hbm>>
    tpu.wait_indirect_dma semaphore(%arg11 : memref<!tpu.dma_semaphore, #tpu.memory_space<semaphore_mem>>) src(%dma_wait3A_796 : memref<524288xf32, #tpu.memory_space<hbm>>) dst(%dma_wait3A_792 : memref<128xf32, #tpu.memory_space<vmem>>)
    %dma_wait3A_797 = arith.constant 8064 : i32
    %dma_wait3A_798 = tpu.memref_slice %arg6[%dma_wait3A_797] : memref<8192xf32, #tpu.memory_space<vmem>> -> memref<128xf32, #tpu.memory_space<vmem>>
    %dma_wait3A_799 = arith.constant 8064 : i32
    %dma_wait3A_800 = tpu.memref_slice %arg5[%dma_wait3A_799] : memref<8192xi32, #tpu.memory_space<vmem>> -> memref<128xi32, #tpu.memory_space<vmem>>
    %dma_wait3A_801 = arith.constant 0 : i32
    %dma_wait3A_802 = tpu.memref_slice %arg2[%dma_wait3A_801] : memref<524288xf32, #tpu.memory_space<hbm>> -> memref<524288xf32, #tpu.memory_space<hbm>>
    tpu.wait_indirect_dma semaphore(%arg11 : memref<!tpu.dma_semaphore, #tpu.memory_space<semaphore_mem>>) src(%dma_wait3A_802 : memref<524288xf32, #tpu.memory_space<hbm>>) dst(%dma_wait3A_798 : memref<128xf32, #tpu.memory_space<vmem>>)
    %scan3A_803 = arith.constant 0 : i32
    %scan3A_804 = arith.constant 0 : i32
    %scan3A_805 = arith.constant 1024 : i32
    %scan3A_806 = arith.addi %scan3A_804, %scan3A_805 : i32
    %scan3A_807 = arith.constant 1 : i32
    %scan3A_808 = scf.for %scan3A_810 = %scan3A_804 to %scan3A_806 step %scan3A_807 iter_args(%scan3A_811 = %scan3A_803) -> (i32)  : i32 {
      %mul3A_812 = arith.constant 16 : i32
      %mul3A_813 = arith.muli %scan3A_810, %mul3A_812 : i32
      %get3A = arith.index_cast %mul3A_813 : i32 to index
      %get3A_814 = tpu.vector_load %arg8[%get3A] {strides = array<i32>} : memref<16384xi32, #tpu.memory_space<vmem>>, vector<16xi32>,
      %add3A_815 = arith.constant 16 : i32
      %add3A_816 = arith.addi %scan3A_810, %add3A_815 : i32
      %sub3A_817 = arith.constant 1 : i32
      %sub3A_818 = arith.subi %add3A_816, %sub3A_817 : i32
      %broadcast_in_dim3A_819 = vector.broadcast %sub3A_818 : i32 to vector<16xi32>
      %gather3A = tpu.vector_load_idx %arg9[%broadcast_in_dim3A_819] : memref<1040xi32, #tpu.memory_space<vmem>>[vector<16xi32>], vector<16xi32>,
      %max3A = arith.maxsi %get3A_814, %gather3A : vector<16xi32>
      %gather3A_820 = tpu.vector_load_idx %arg6[%max3A] : memref<8192xf32, #tpu.memory_space<vmem>>[vector<16xi32>], vector<16xf32>,
      %mul3A_821 = arith.constant 16 : i32
      %mul3A_822 = arith.muli %scan3A_810, %mul3A_821 : i32
      %swap3A_823 = arith.index_cast %mul3A_822 : i32 to index
      %swap3A_824 = tpu.vector_load %arg10[%swap3A_823] {strides = array<i32>} : memref<16384xf32, #tpu.memory_space<vmem>>, vector<16xf32>,
      tpu.vector_store %arg10[%swap3A_823], %gather3A_820 {strides = array<i32>} : memref<16384xf32, #tpu.memory_space<vmem>>, vector<16xf32>,
      %scan3A_825 = arith.constant 0 : i32
      scf.yield %scan3A_825 : i32
    }
    %scan3A_809 = arith.constant 1024 : i32
    "tpu.region"() ({
      %run_scoped3A = tpu.sem_alloc : memref<!tpu.dma_semaphore, #tpu.memory_space<semaphore_mem>>
      %dma_start3A_810 = tpu.memref_slice %arg4[%mul3A_2] : memref<524288xf32, #tpu.memory_space<hbm>> -> memref<16384xf32, #tpu.memory_space<hbm>>
      %dma_start3A_811 = tpu.memref_slice %arg4[%mul3A_2] : memref<524288xf32, #tpu.memory_space<hbm>> -> memref<16384xf32, #tpu.memory_space<hbm>>
      tpu.enqueue_dma source(%arg10 : memref<16384xf32, #tpu.memory_space<vmem>>) target(%dma_start3A_811 : memref<16384xf32, #tpu.memory_space<hbm>>) target_semaphore(%run_scoped3A : memref<!tpu.dma_semaphore, #tpu.memory_space<semaphore_mem>>)
      %dma_wait3A_812 = tpu.memref_slice %arg4[%mul3A_2] : memref<524288xf32, #tpu.memory_space<hbm>> -> memref<16384xf32, #tpu.memory_space<hbm>>
      %dma_wait3A_813 = tpu.memref_slice %arg4[%mul3A_2] : memref<524288xf32, #tpu.memory_space<hbm>> -> memref<16384xf32, #tpu.memory_space<hbm>>
      tpu.wait_dma2 semaphore(%run_scoped3A : memref<!tpu.dma_semaphore, #tpu.memory_space<semaphore_mem>>) src(%arg10 : memref<16384xf32, #tpu.memory_space<vmem>>) dst(%dma_wait3A_813 : memref<16384xf32, #tpu.memory_space<hbm>>)
      tpu.yield
    }) : () -> ()
    return
  }
}

module attributes {stable_mosaic.version = 14 : i64} {
  func.func @_finish_kernel(%arg0: i32, %arg1: memref<512x128xf32, #tpu.memory_space<vmem>>, %arg2: memref<512x128xf32, #tpu.memory_space<vmem>>, %arg3: memref<512x128xf32, #tpu.memory_space<vmem>>, %arg4: memref<512x128xf32, #tpu.memory_space<vmem>>, %arg5: memref<512x128xf32, #tpu.memory_space<vmem>>) attributes {dimension_semantics = [#tpu.dimension_semantics<arbitrary>], iteration_bounds = array<i64: 8>, scalar_prefetch = 0 : i64, scratch_operands = 0 : i64, tpu.core_type = #tpu.core_type<tc>, window_params = [{transform_indices = @transform_0, window_bounds = array<i64: 512, 128>}, {transform_indices = @transform_1, window_bounds = array<i64: 512, 128>}, {transform_indices = @transform_2, window_bounds = array<i64: 512, 128>}, {transform_indices = @transform_3, window_bounds = array<i64: 512, 128>}, {transform_indices = @transform_4, window_bounds = array<i64: 512, 128>}]} {
    %get3A = arith.constant 0 : index
    %get3A_0 = arith.constant 0 : index
    %get3A_1 = vector.load %arg1[%get3A, %get3A_0] : memref<512x128xf32, #tpu.memory_space<vmem>>, vector<512x128xf32>
    %get3A_2 = arith.constant 0 : index
    %get3A_3 = arith.constant 0 : index
    %get3A_4 = vector.load %arg2[%get3A_2, %get3A_3] : memref<512x128xf32, #tpu.memory_space<vmem>>, vector<512x128xf32>
    %sub3A = arith.subf %get3A_1, %get3A_4 : vector<512x128xf32>
    %exp3A = math.exp %sub3A : vector<512x128xf32>
    %swap3A = arith.constant 0 : index
    %swap3A_5 = arith.constant 0 : index
    %swap3A_6 = vector.load %arg4[%swap3A, %swap3A_5] : memref<512x128xf32, #tpu.memory_space<vmem>>, vector<512x128xf32>
    tpu.vector_store %arg4[%swap3A, %swap3A_5], %exp3A {strides = array<i32>} : memref<512x128xf32, #tpu.memory_space<vmem>>, vector<512x128xf32>,
    %get3A_7 = arith.constant 0 : index
    %get3A_8 = arith.constant 0 : index
    %get3A_9 = vector.load %arg3[%get3A_7, %get3A_8] : memref<512x128xf32, #tpu.memory_space<vmem>>, vector<512x128xf32>
    %mul3A = arith.mulf %get3A_9, %exp3A : vector<512x128xf32>
    %swap3A_10 = arith.constant 0 : index
    %swap3A_11 = arith.constant 0 : index
    %swap3A_12 = vector.load %arg5[%swap3A_10, %swap3A_11] : memref<512x128xf32, #tpu.memory_space<vmem>>, vector<512x128xf32>
    tpu.vector_store %arg5[%swap3A_10, %swap3A_11], %mul3A {strides = array<i32>} : memref<512x128xf32, #tpu.memory_space<vmem>>, vector<512x128xf32>,
    return
  }
  func.func @transform_0(%arg0: i32) -> (i32, i32) {
    %c0_i32 = arith.constant 0 : i32
    %c0_i32_0 = arith.constant 0 : i32
    return %arg0, %c0_i32 : i32, i32
  }
  func.func @transform_1(%arg0: i32) -> (i32, i32) {
    %c0_i32 = arith.constant 0 : i32
    %c0_i32_0 = arith.constant 0 : i32
    return %arg0, %c0_i32 : i32, i32
  }
  func.func @transform_2(%arg0: i32) -> (i32, i32) {
    %c0_i32 = arith.constant 0 : i32
    %c0_i32_0 = arith.constant 0 : i32
    return %arg0, %c0_i32 : i32, i32
  }
  func.func @transform_3(%arg0: i32) -> (i32, i32) {
    %c0_i32 = arith.constant 0 : i32
    %c0_i32_0 = arith.constant 0 : i32
    return %arg0, %c0_i32 : i32, i32
  }
  func.func @transform_4(%arg0: i32) -> (i32, i32) {
    %c0_i32 = arith.constant 0 : i32
    %c0_i32_0 = arith.constant 0 : i32
    return %arg0, %c0_i32 : i32, i32
  }
}

module attributes {stable_mosaic.version = 14 : i64} {
  func.func @_alpha_scan_kernel(%arg0: memref<4096x128xf32, #tpu.memory_space<vmem>>, %arg1: memref<4096x128xf32, #tpu.memory_space<vmem>>, %arg2: memref<3x4096x128xf32, #tpu.memory_space<vmem>>, %arg3: memref<3x4096x128xf32, #tpu.memory_space<vmem>>, %arg4: memref<1xf32, #tpu.memory_space<smem>>, %arg5: memref<1xf32, #tpu.memory_space<smem>>, %arg6: memref<1xf32, #tpu.memory_space<smem>>, %arg7: memref<4096x128xf32, #tpu.memory_space<vmem>>, %arg8: memref<4096x128xf32, #tpu.memory_space<vmem>>, %arg9: memref<128x4096xf32, #tpu.memory_space<vmem>>, %arg10: memref<128x32xf32, #tpu.memory_space<vmem>>, %arg11: memref<32x1xf32, #tpu.memory_space<vmem>>) attributes {dimension_semantics = [], scalar_prefetch = 0 : i64, scratch_operands = 3 : i64, tpu.core_type = #tpu.core_type<tc>} {
    %get3A = arith.constant 0 : index
    %get3A_0 = memref.load %arg4[%get3A] : memref<1xf32, #tpu.memory_space<smem>>
    %get3A_1 = arith.constant 0 : index
    %get3A_2 = memref.load %arg5[%get3A_1] : memref<1xf32, #tpu.memory_space<smem>>
    %get3A_3 = arith.constant 0 : index
    %get3A_4 = memref.load %arg6[%get3A_3] : memref<1xf32, #tpu.memory_space<smem>>
    %get3A_5 = arith.constant 0 : index
    %get3A_6 = arith.constant 0 : index
    %get3A_7 = arith.constant 0 : index
    %get3A_8 = vector.load %arg2[%get3A_5, %get3A_6, %get3A_7] : memref<3x4096x128xf32, #tpu.memory_space<vmem>>, vector<1x4096x128xf32>
    %get3A_9 = vector.shape_cast %get3A_8 : vector<1x4096x128xf32> to vector<4096x128xf32>
    %get3A_10 = arith.constant 1 : index
    %get3A_11 = arith.constant 0 : index
    %get3A_12 = arith.constant 0 : index
    %get3A_13 = vector.load %arg2[%get3A_10, %get3A_11, %get3A_12] : memref<3x4096x128xf32, #tpu.memory_space<vmem>>, vector<1x4096x128xf32>
    %get3A_14 = vector.shape_cast %get3A_13 : vector<1x4096x128xf32> to vector<4096x128xf32>
    %get3A_15 = arith.constant 2 : index
    %get3A_16 = arith.constant 0 : index
    %get3A_17 = arith.constant 0 : index
    %get3A_18 = vector.load %arg2[%get3A_15, %get3A_16, %get3A_17] : memref<3x4096x128xf32, #tpu.memory_space<vmem>>, vector<1x4096x128xf32>
    %get3A_19 = vector.shape_cast %get3A_18 : vector<1x4096x128xf32> to vector<4096x128xf32>
    %get3A_20 = arith.constant 0 : index
    %get3A_21 = arith.constant 0 : index
    %get3A_22 = arith.constant 0 : index
    %get3A_23 = vector.load %arg3[%get3A_20, %get3A_21, %get3A_22] : memref<3x4096x128xf32, #tpu.memory_space<vmem>>, vector<1x4096x128xf32>
    %get3A_24 = vector.shape_cast %get3A_23 : vector<1x4096x128xf32> to vector<4096x128xf32>
    %get3A_25 = arith.constant 1 : index
    %get3A_26 = arith.constant 0 : index
    %get3A_27 = arith.constant 0 : index
    %get3A_28 = vector.load %arg3[%get3A_25, %get3A_26, %get3A_27] : memref<3x4096x128xf32, #tpu.memory_space<vmem>>, vector<1x4096x128xf32>
    %get3A_29 = vector.shape_cast %get3A_28 : vector<1x4096x128xf32> to vector<4096x128xf32>
    %get3A_30 = arith.constant 2 : index
    %get3A_31 = arith.constant 0 : index
    %get3A_32 = arith.constant 0 : index
    %get3A_33 = vector.load %arg3[%get3A_30, %get3A_31, %get3A_32] : memref<3x4096x128xf32, #tpu.memory_space<vmem>>, vector<1x4096x128xf32>
    %get3A_34 = vector.shape_cast %get3A_33 : vector<1x4096x128xf32> to vector<4096x128xf32>
    %mul3A = arith.mulf %get3A_9, %get3A_24 : vector<4096x128xf32>
    %mul3A_35 = arith.mulf %get3A_19, %get3A_34 : vector<4096x128xf32>
    %add3A = arith.addf %mul3A, %mul3A_35 : vector<4096x128xf32>
    %mul3A_36 = arith.mulf %get3A_14, %get3A_29 : vector<4096x128xf32>
    %add3A_37 = arith.addf %add3A, %mul3A_36 : vector<4096x128xf32>
    %neg3A = arith.constant 0.000000e+00 : f32
    %neg3A_38 = vector.broadcast %neg3A : f32 to vector<4096x128xf32>
    %neg3A_39 = arith.subf %neg3A_38, %add3A_37 : vector<4096x128xf32>
    %mul3A_40 = arith.constant 5.000000e-01 : f32
    %mul3A_41 = vector.broadcast %mul3A_40 : f32 to vector<4096x128xf32>
    %mul3A_42 = arith.mulf %neg3A_39, %mul3A_41 : vector<4096x128xf32>
    %add3A_43 = arith.constant 5.000000e-01 : f32
    %add3A_44 = vector.broadcast %add3A_43 : f32 to vector<4096x128xf32>
    %add3A_45 = arith.addf %mul3A_42, %add3A_44 : vector<4096x128xf32>
    %max3A = arith.constant 0.000000e+00 : f32
    %max3A_46 = vector.broadcast %max3A : f32 to vector<4096x128xf32>
    %max3A_47 = arith.maximumf %add3A_45, %max3A_46 : vector<4096x128xf32>
    %sub3A = arith.constant 1.000000e+00 : f32
    %sub3A_48 = arith.subf %sub3A, %get3A_0 : f32
    %mul3A_49 = vector.broadcast %sub3A_48 : f32 to vector<4096x128xf32>
    %mul3A_50 = arith.mulf %max3A_47, %mul3A_49 : vector<4096x128xf32>
    %neg3A_51 = arith.constant 0.000000e+00 : f32
    %neg3A_52 = vector.broadcast %neg3A_51 : f32 to vector<4096x128xf32>
    %neg3A_53 = arith.subf %neg3A_52, %add3A_37 : vector<4096x128xf32>
    %max3A_54 = arith.constant 0.000000e+00 : f32
    %max3A_55 = vector.broadcast %max3A_54 : f32 to vector<4096x128xf32>
    %max3A_56 = arith.maximumf %neg3A_53, %max3A_55 : vector<4096x128xf32>
    %mul3A_57 = vector.broadcast %get3A_0 : f32 to vector<4096x128xf32>
    %mul3A_58 = arith.mulf %max3A_56, %mul3A_57 : vector<4096x128xf32>
    %add3A_59 = arith.addf %mul3A_50, %mul3A_58 : vector<4096x128xf32>
    %neg3A_60 = arith.constant 0.000000e+00 : f32
    %neg3A_61 = vector.broadcast %neg3A_60 : f32 to vector<4096x128xf32>
    %neg3A_62 = arith.subf %neg3A_61, %add3A_59 : vector<4096x128xf32>
    %get3A_63 = arith.constant 0 : index
    %get3A_64 = arith.constant 0 : index
    %get3A_65 = vector.load %arg0[%get3A_63, %get3A_64] : memref<4096x128xf32, #tpu.memory_space<vmem>>, vector<4096x128xf32>
    %get3A_66 = arith.constant 0 : index
    %get3A_67 = arith.constant 0 : index
    %get3A_68 = vector.load %arg1[%get3A_66, %get3A_67] : memref<4096x128xf32, #tpu.memory_space<vmem>>, vector<4096x128xf32>
    %mul3A_69 = arith.mulf %neg3A_62, %get3A_65 : vector<4096x128xf32>
    %mul3A_70 = arith.constant 5.000000e-01 : f32
    %mul3A_71 = vector.broadcast %mul3A_70 : f32 to vector<4096x128xf32>
    %mul3A_72 = arith.mulf %mul3A_69, %mul3A_71 : vector<4096x128xf32>
    %add3A_73 = arith.addf %get3A_68, %mul3A_72 : vector<4096x128xf32>
    %mul3A_74 = arith.mulf %neg3A_62, %get3A_65 : vector<4096x128xf32>
    %mul3A_75 = arith.constant 5.000000e-01 : f32
    %mul3A_76 = vector.broadcast %mul3A_75 : f32 to vector<4096x128xf32>
    %mul3A_77 = arith.mulf %mul3A_74, %mul3A_76 : vector<4096x128xf32>
    %sub3A_78 = arith.subf %get3A_68, %mul3A_77 : vector<4096x128xf32>
    %mul3A_79 = vector.broadcast %get3A_2 : f32 to vector<4096x128xf32>
    %mul3A_80 = arith.mulf %sub3A_78, %mul3A_79 : vector<4096x128xf32>
    %logistic3A = arith.negf %mul3A_80 : vector<4096x128xf32>
    %logistic3A_81 = math.exp %logistic3A : vector<4096x128xf32>
    %logistic3A_82 = arith.constant 1.000000e+00 : f32
    %logistic3A_83 = vector.broadcast %logistic3A_82 : f32 to vector<4096x128xf32>
    %logistic3A_84 = arith.addf %logistic3A_83, %logistic3A_81 : vector<4096x128xf32>
    %logistic3A_85 = arith.divf %logistic3A_83, %logistic3A_84 : vector<4096x128xf32>
    %mul3A_86 = vector.broadcast %get3A_2 : f32 to vector<4096x128xf32>
    %mul3A_87 = arith.mulf %add3A_73, %mul3A_86 : vector<4096x128xf32>
    %logistic3A_88 = arith.negf %mul3A_87 : vector<4096x128xf32>
    %logistic3A_89 = math.exp %logistic3A_88 : vector<4096x128xf32>
    %logistic3A_90 = arith.constant 1.000000e+00 : f32
    %logistic3A_91 = vector.broadcast %logistic3A_90 : f32 to vector<4096x128xf32>
    %logistic3A_92 = arith.addf %logistic3A_91, %logistic3A_89 : vector<4096x128xf32>
    %logistic3A_93 = arith.divf %logistic3A_91, %logistic3A_92 : vector<4096x128xf32>
    %sub3A_94 = arith.subf %logistic3A_85, %logistic3A_93 : vector<4096x128xf32>
    %add3A_95 = vector.broadcast %get3A_4 : f32 to vector<4096x128xf32>
    %add3A_96 = arith.addf %sub3A_94, %add3A_95 : vector<4096x128xf32>
    %add3A_97 = vector.broadcast %get3A_4 : f32 to vector<4096x128xf32>
    %add3A_98 = arith.addf %logistic3A_85, %add3A_97 : vector<4096x128xf32>
    %div3A = arith.divf %add3A_96, %add3A_98 : vector<4096x128xf32>
    %jit3A = arith.constant 0.000000e+00 : f32
    %jit3A_99 = arith.constant 1.000000e+00 : f32
    %max3A_100 = vector.broadcast %jit3A : f32 to vector<4096x128xf32>
    %max3A_101 = arith.maximumf %max3A_100, %div3A : vector<4096x128xf32>
    %min3A = vector.broadcast %jit3A_99 : f32 to vector<4096x128xf32>
    %min3A_102 = arith.minimumf %min3A, %max3A_101 : vector<4096x128xf32>
    %swap3A = arith.constant 0 : index
    %swap3A_103 = arith.constant 0 : index
    %swap3A_104 = vector.load %arg7[%swap3A, %swap3A_103] : memref<4096x128xf32, #tpu.memory_space<vmem>>, vector<4096x128xf32>
    tpu.vector_store %arg7[%swap3A, %swap3A_103], %min3A_102 {strides = array<i32>} : memref<4096x128xf32, #tpu.memory_space<vmem>>, vector<4096x128xf32>,
    %sub3A_105 = arith.constant 1.00000095 : f32
    %sub3A_106 = vector.broadcast %sub3A_105 : f32 to vector<4096x128xf32>
    %sub3A_107 = arith.subf %sub3A_106, %min3A_102 : vector<4096x128xf32>
    %log3A = math.log %sub3A_107 : vector<4096x128xf32>
    %transpose3A = tpu.transpose %log3A, [1, 0] : vector<4096x128xf32> -> vector<128x4096xf32>
    %swap3A_108 = arith.constant 0 : index
    %swap3A_109 = arith.constant 0 : index
    %swap3A_110 = vector.load %arg9[%swap3A_108, %swap3A_109] : memref<128x4096xf32, #tpu.memory_space<vmem>>, vector<128x4096xf32>
    tpu.vector_store %arg9[%swap3A_108, %swap3A_109], %transpose3A {strides = array<i32>} : memref<128x4096xf32, #tpu.memory_space<vmem>>, vector<128x4096xf32>,
    %scan3A = arith.constant 1 : i32
    %scan3A_111 = arith.constant 124 : i32
    %scan3A_112 = arith.addi %scan3A, %scan3A_111 : i32
    %scan3A_113 = arith.constant 4 : i32
    scf.for %scan3A_291 = %scan3A to %scan3A_112 step %scan3A_113  : i32 {
      %get3A_292 = arith.index_cast %scan3A_291 : i32 to index
      %get3A_293 = arith.constant 0 : index
      %get3A_294 = vector.load %arg9[%get3A_292, %get3A_293] : memref<128x4096xf32, #tpu.memory_space<vmem>>, vector<1x4096xf32>
      %sub3A_295 = arith.constant 1 : i32
      %sub3A_296 = arith.subi %scan3A_291, %sub3A_295 : i32
      %get3A_297 = arith.index_cast %sub3A_296 : i32 to index
      %get3A_298 = arith.constant 0 : index
      %get3A_299 = vector.load %arg9[%get3A_297, %get3A_298] : memref<128x4096xf32, #tpu.memory_space<vmem>>, vector<1x4096xf32>
      %add3A_300 = arith.addf %get3A_294, %get3A_299 : vector<1x4096xf32>
      %swap3A_301 = arith.index_cast %scan3A_291 : i32 to index
      %swap3A_302 = arith.constant 0 : index
      %swap3A_303 = vector.load %arg9[%swap3A_301, %swap3A_302] : memref<128x4096xf32, #tpu.memory_space<vmem>>, vector<1x4096xf32>
      tpu.vector_store %arg9[%swap3A_301, %swap3A_302], %add3A_300 {strides = array<i32>} : memref<128x4096xf32, #tpu.memory_space<vmem>>, vector<1x4096xf32>,
      %scan3A_304 = arith.constant 1 : i32
      %scan3A_305 = arith.addi %scan3A_291, %scan3A_304 : i32
      %get3A_306 = arith.index_cast %scan3A_305 : i32 to index
      %get3A_307 = arith.constant 0 : index
      %get3A_308 = vector.load %arg9[%get3A_306, %get3A_307] : memref<128x4096xf32, #tpu.memory_space<vmem>>, vector<1x4096xf32>
      %sub3A_309 = arith.constant 1 : i32
      %sub3A_310 = arith.subi %scan3A_305, %sub3A_309 : i32
      %get3A_311 = arith.index_cast %sub3A_310 : i32 to index
      %get3A_312 = arith.constant 0 : index
      %get3A_313 = vector.load %arg9[%get3A_311, %get3A_312] : memref<128x4096xf32, #tpu.memory_space<vmem>>, vector<1x4096xf32>
      %add3A_314 = arith.addf %get3A_308, %get3A_313 : vector<1x4096xf32>
      %swap3A_315 = arith.index_cast %scan3A_305 : i32 to index
      %swap3A_316 = arith.constant 0 : index
      %swap3A_317 = vector.load %arg9[%swap3A_315, %swap3A_316] : memref<128x4096xf32, #tpu.memory_space<vmem>>, vector<1x4096xf32>
      tpu.vector_store %arg9[%swap3A_315, %swap3A_316], %add3A_314 {strides = array<i32>} : memref<128x4096xf32, #tpu.memory_space<vmem>>, vector<1x4096xf32>,
      %scan3A_318 = arith.constant 2 : i32
      %scan3A_319 = arith.addi %scan3A_291, %scan3A_318 : i32
      %get3A_320 = arith.index_cast %scan3A_319 : i32 to index
      %get3A_321 = arith.constant 0 : index
      %get3A_322 = vector.load %arg9[%get3A_320, %get3A_321] : memref<128x4096xf32, #tpu.memory_space<vmem>>, vector<1x4096xf32>
      %sub3A_323 = arith.constant 1 : i32
      %sub3A_324 = arith.subi %scan3A_319, %sub3A_323 : i32
      %get3A_325 = arith.index_cast %sub3A_324 : i32 to index
      %get3A_326 = arith.constant 0 : index
      %get3A_327 = vector.load %arg9[%get3A_325, %get3A_326] : memref<128x4096xf32, #tpu.memory_space<vmem>>, vector<1x4096xf32>
      %add3A_328 = arith.addf %get3A_322, %get3A_327 : vector<1x4096xf32>
      %swap3A_329 = arith.index_cast %scan3A_319 : i32 to index
      %swap3A_330 = arith.constant 0 : index
      %swap3A_331 = vector.load %arg9[%swap3A_329, %swap3A_330] : memref<128x4096xf32, #tpu.memory_space<vmem>>, vector<1x4096xf32>
      tpu.vector_store %arg9[%swap3A_329, %swap3A_330], %add3A_328 {strides = array<i32>} : memref<128x4096xf32, #tpu.memory_space<vmem>>, vector<1x4096xf32>,
      %scan3A_332 = arith.constant 3 : i32
      %scan3A_333 = arith.addi %scan3A_291, %scan3A_332 : i32
      %get3A_334 = arith.index_cast %scan3A_333 : i32 to index
      %get3A_335 = arith.constant 0 : index
      %get3A_336 = vector.load %arg9[%get3A_334, %get3A_335] : memref<128x4096xf32, #tpu.memory_space<vmem>>, vector<1x4096xf32>
      %sub3A_337 = arith.constant 1 : i32
      %sub3A_338 = arith.subi %scan3A_333, %sub3A_337 : i32
      %get3A_339 = arith.index_cast %sub3A_338 : i32 to index
      %get3A_340 = arith.constant 0 : index
      %get3A_341 = vector.load %arg9[%get3A_339, %get3A_340] : memref<128x4096xf32, #tpu.memory_space<vmem>>, vector<1x4096xf32>
      %add3A_342 = arith.addf %get3A_336, %get3A_341 : vector<1x4096xf32>
      %swap3A_343 = arith.index_cast %scan3A_333 : i32 to index
      %swap3A_344 = arith.constant 0 : index
      %swap3A_345 = vector.load %arg9[%swap3A_343, %swap3A_344] : memref<128x4096xf32, #tpu.memory_space<vmem>>, vector<1x4096xf32>
      tpu.vector_store %arg9[%swap3A_343, %swap3A_344], %add3A_342 {strides = array<i32>} : memref<128x4096xf32, #tpu.memory_space<vmem>>, vector<1x4096xf32>,
    }
    %scan3A_114 = arith.constant 124 : i32
    %scan3A_115 = arith.addi %scan3A, %scan3A_114 : i32
    %get3A_116 = arith.index_cast %scan3A_115 : i32 to index
    %get3A_117 = arith.constant 0 : index
    %get3A_118 = vector.load %arg9[%get3A_116, %get3A_117] : memref<128x4096xf32, #tpu.memory_space<vmem>>, vector<1x4096xf32>
    %sub3A_119 = arith.constant 1 : i32
    %sub3A_120 = arith.subi %scan3A_115, %sub3A_119 : i32
    %get3A_121 = arith.index_cast %sub3A_120 : i32 to index
    %get3A_122 = arith.constant 0 : index
    %get3A_123 = vector.load %arg9[%get3A_121, %get3A_122] : memref<128x4096xf32, #tpu.memory_space<vmem>>, vector<1x4096xf32>
    %add3A_124 = arith.addf %get3A_118, %get3A_123 : vector<1x4096xf32>
    %swap3A_125 = arith.index_cast %scan3A_115 : i32 to index
    %swap3A_126 = arith.constant 0 : index
    %swap3A_127 = vector.load %arg9[%swap3A_125, %swap3A_126] : memref<128x4096xf32, #tpu.memory_space<vmem>>, vector<1x4096xf32>
    tpu.vector_store %arg9[%swap3A_125, %swap3A_126], %add3A_124 {strides = array<i32>} : memref<128x4096xf32, #tpu.memory_space<vmem>>, vector<1x4096xf32>,
    %scan3A_128 = arith.constant 125 : i32
    %scan3A_129 = arith.addi %scan3A, %scan3A_128 : i32
    %get3A_130 = arith.index_cast %scan3A_129 : i32 to index
    %get3A_131 = arith.constant 0 : index
    %get3A_132 = vector.load %arg9[%get3A_130, %get3A_131] : memref<128x4096xf32, #tpu.memory_space<vmem>>, vector<1x4096xf32>
    %sub3A_133 = arith.constant 1 : i32
    %sub3A_134 = arith.subi %scan3A_129, %sub3A_133 : i32
    %get3A_135 = arith.index_cast %sub3A_134 : i32 to index
    %get3A_136 = arith.constant 0 : index
    %get3A_137 = vector.load %arg9[%get3A_135, %get3A_136] : memref<128x4096xf32, #tpu.memory_space<vmem>>, vector<1x4096xf32>
    %add3A_138 = arith.addf %get3A_132, %get3A_137 : vector<1x4096xf32>
    %swap3A_139 = arith.index_cast %scan3A_129 : i32 to index
    %swap3A_140 = arith.constant 0 : index
    %swap3A_141 = vector.load %arg9[%swap3A_139, %swap3A_140] : memref<128x4096xf32, #tpu.memory_space<vmem>>, vector<1x4096xf32>
    tpu.vector_store %arg9[%swap3A_139, %swap3A_140], %add3A_138 {strides = array<i32>} : memref<128x4096xf32, #tpu.memory_space<vmem>>, vector<1x4096xf32>,
    %scan3A_142 = arith.constant 126 : i32
    %scan3A_143 = arith.addi %scan3A, %scan3A_142 : i32
    %get3A_144 = arith.index_cast %scan3A_143 : i32 to index
    %get3A_145 = arith.constant 0 : index
    %get3A_146 = vector.load %arg9[%get3A_144, %get3A_145] : memref<128x4096xf32, #tpu.memory_space<vmem>>, vector<1x4096xf32>
    %sub3A_147 = arith.constant 1 : i32
    %sub3A_148 = arith.subi %scan3A_143, %sub3A_147 : i32
    %get3A_149 = arith.index_cast %sub3A_148 : i32 to index
    %get3A_150 = arith.constant 0 : index
    %get3A_151 = vector.load %arg9[%get3A_149, %get3A_150] : memref<128x4096xf32, #tpu.memory_space<vmem>>, vector<1x4096xf32>
    %add3A_152 = arith.addf %get3A_146, %get3A_151 : vector<1x4096xf32>
    %swap3A_153 = arith.index_cast %scan3A_143 : i32 to index
    %swap3A_154 = arith.constant 0 : index
    %swap3A_155 = vector.load %arg9[%swap3A_153, %swap3A_154] : memref<128x4096xf32, #tpu.memory_space<vmem>>, vector<1x4096xf32>
    tpu.vector_store %arg9[%swap3A_153, %swap3A_154], %add3A_152 {strides = array<i32>} : memref<128x4096xf32, #tpu.memory_space<vmem>>, vector<1x4096xf32>,
    %scan3A_156 = arith.constant 127 : i32
    %get3A_157 = arith.constant 127 : index
    %get3A_158 = arith.constant 0 : index
    %get3A_159 = vector.load %arg9[%get3A_157, %get3A_158] : memref<128x4096xf32, #tpu.memory_space<vmem>>, vector<1x4096xf32>
    %reshape3A = vector.shape_cast %get3A_159 : vector<1x4096xf32> to vector<32x128xf32>
    %transpose3A_160 = tpu.transpose %reshape3A, [1, 0] : vector<32x128xf32> -> vector<128x32xf32>
    %swap3A_161 = arith.constant 0 : index
    %swap3A_162 = arith.constant 0 : index
    %swap3A_163 = vector.load %arg10[%swap3A_161, %swap3A_162] : memref<128x32xf32, #tpu.memory_space<vmem>>, vector<128x32xf32>
    tpu.vector_store %arg10[%swap3A_161, %swap3A_162], %transpose3A_160 {strides = array<i32>} : memref<128x32xf32, #tpu.memory_space<vmem>>, vector<128x32xf32>,
    %scan3A_164 = arith.constant 1 : i32
    %scan3A_165 = arith.constant 124 : i32
    %scan3A_166 = arith.addi %scan3A_164, %scan3A_165 : i32
    %scan3A_167 = arith.constant 4 : i32
    scf.for %scan3A_291 = %scan3A_164 to %scan3A_166 step %scan3A_167  : i32 {
      %get3A_292 = arith.index_cast %scan3A_291 : i32 to index
      %get3A_293 = arith.constant 0 : index
      %get3A_294 = vector.load %arg10[%get3A_292, %get3A_293] : memref<128x32xf32, #tpu.memory_space<vmem>>, vector<1x32xf32>
      %sub3A_295 = arith.constant 1 : i32
      %sub3A_296 = arith.subi %scan3A_291, %sub3A_295 : i32
      %get3A_297 = arith.index_cast %sub3A_296 : i32 to index
      %get3A_298 = arith.constant 0 : index
      %get3A_299 = vector.load %arg10[%get3A_297, %get3A_298] : memref<128x32xf32, #tpu.memory_space<vmem>>, vector<1x32xf32>
      %add3A_300 = arith.addf %get3A_294, %get3A_299 : vector<1x32xf32>
      %swap3A_301 = arith.index_cast %scan3A_291 : i32 to index
      %swap3A_302 = arith.constant 0 : index
      %swap3A_303 = vector.load %arg10[%swap3A_301, %swap3A_302] : memref<128x32xf32, #tpu.memory_space<vmem>>, vector<1x32xf32>
      tpu.vector_store %arg10[%swap3A_301, %swap3A_302], %add3A_300 {strides = array<i32>} : memref<128x32xf32, #tpu.memory_space<vmem>>, vector<1x32xf32>,
      %scan3A_304 = arith.constant 1 : i32
      %scan3A_305 = arith.addi %scan3A_291, %scan3A_304 : i32
      %get3A_306 = arith.index_cast %scan3A_305 : i32 to index
      %get3A_307 = arith.constant 0 : index
      %get3A_308 = vector.load %arg10[%get3A_306, %get3A_307] : memref<128x32xf32, #tpu.memory_space<vmem>>, vector<1x32xf32>
      %sub3A_309 = arith.constant 1 : i32
      %sub3A_310 = arith.subi %scan3A_305, %sub3A_309 : i32
      %get3A_311 = arith.index_cast %sub3A_310 : i32 to index
      %get3A_312 = arith.constant 0 : index
      %get3A_313 = vector.load %arg10[%get3A_311, %get3A_312] : memref<128x32xf32, #tpu.memory_space<vmem>>, vector<1x32xf32>
      %add3A_314 = arith.addf %get3A_308, %get3A_313 : vector<1x32xf32>
      %swap3A_315 = arith.index_cast %scan3A_305 : i32 to index
      %swap3A_316 = arith.constant 0 : index
      %swap3A_317 = vector.load %arg10[%swap3A_315, %swap3A_316] : memref<128x32xf32, #tpu.memory_space<vmem>>, vector<1x32xf32>
      tpu.vector_store %arg10[%swap3A_315, %swap3A_316], %add3A_314 {strides = array<i32>} : memref<128x32xf32, #tpu.memory_space<vmem>>, vector<1x32xf32>,
      %scan3A_318 = arith.constant 2 : i32
      %scan3A_319 = arith.addi %scan3A_291, %scan3A_318 : i32
      %get3A_320 = arith.index_cast %scan3A_319 : i32 to index
      %get3A_321 = arith.constant 0 : index
      %get3A_322 = vector.load %arg10[%get3A_320, %get3A_321] : memref<128x32xf32, #tpu.memory_space<vmem>>, vector<1x32xf32>
      %sub3A_323 = arith.constant 1 : i32
      %sub3A_324 = arith.subi %scan3A_319, %sub3A_323 : i32
      %get3A_325 = arith.index_cast %sub3A_324 : i32 to index
      %get3A_326 = arith.constant 0 : index
      %get3A_327 = vector.load %arg10[%get3A_325, %get3A_326] : memref<128x32xf32, #tpu.memory_space<vmem>>, vector<1x32xf32>
      %add3A_328 = arith.addf %get3A_322, %get3A_327 : vector<1x32xf32>
      %swap3A_329 = arith.index_cast %scan3A_319 : i32 to index
      %swap3A_330 = arith.constant 0 : index
      %swap3A_331 = vector.load %arg10[%swap3A_329, %swap3A_330] : memref<128x32xf32, #tpu.memory_space<vmem>>, vector<1x32xf32>
      tpu.vector_store %arg10[%swap3A_329, %swap3A_330], %add3A_328 {strides = array<i32>} : memref<128x32xf32, #tpu.memory_space<vmem>>, vector<1x32xf32>,
      %scan3A_332 = arith.constant 3 : i32
      %scan3A_333 = arith.addi %scan3A_291, %scan3A_332 : i32
      %get3A_334 = arith.index_cast %scan3A_333 : i32 to index
      %get3A_335 = arith.constant 0 : index
      %get3A_336 = vector.load %arg10[%get3A_334, %get3A_335] : memref<128x32xf32, #tpu.memory_space<vmem>>, vector<1x32xf32>
      %sub3A_337 = arith.constant 1 : i32
      %sub3A_338 = arith.subi %scan3A_333, %sub3A_337 : i32
      %get3A_339 = arith.index_cast %sub3A_338 : i32 to index
      %get3A_340 = arith.constant 0 : index
      %get3A_341 = vector.load %arg10[%get3A_339, %get3A_340] : memref<128x32xf32, #tpu.memory_space<vmem>>, vector<1x32xf32>
      %add3A_342 = arith.addf %get3A_336, %get3A_341 : vector<1x32xf32>
      %swap3A_343 = arith.index_cast %scan3A_333 : i32 to index
      %swap3A_344 = arith.constant 0 : index
      %swap3A_345 = vector.load %arg10[%swap3A_343, %swap3A_344] : memref<128x32xf32, #tpu.memory_space<vmem>>, vector<1x32xf32>
      tpu.vector_store %arg10[%swap3A_343, %swap3A_344], %add3A_342 {strides = array<i32>} : memref<128x32xf32, #tpu.memory_space<vmem>>, vector<1x32xf32>,
    }
    %scan3A_168 = arith.constant 124 : i32
    %scan3A_169 = arith.addi %scan3A_164, %scan3A_168 : i32
    %get3A_170 = arith.index_cast %scan3A_169 : i32 to index
    %get3A_171 = arith.constant 0 : index
    %get3A_172 = vector.load %arg10[%get3A_170, %get3A_171] : memref<128x32xf32, #tpu.memory_space<vmem>>, vector<1x32xf32>
    %sub3A_173 = arith.constant 1 : i32
    %sub3A_174 = arith.subi %scan3A_169, %sub3A_173 : i32
    %get3A_175 = arith.index_cast %sub3A_174 : i32 to index
    %get3A_176 = arith.constant 0 : index
    %get3A_177 = vector.load %arg10[%get3A_175, %get3A_176] : memref<128x32xf32, #tpu.memory_space<vmem>>, vector<1x32xf32>
    %add3A_178 = arith.addf %get3A_172, %get3A_177 : vector<1x32xf32>
    %swap3A_179 = arith.index_cast %scan3A_169 : i32 to index
    %swap3A_180 = arith.constant 0 : index
    %swap3A_181 = vector.load %arg10[%swap3A_179, %swap3A_180] : memref<128x32xf32, #tpu.memory_space<vmem>>, vector<1x32xf32>
    tpu.vector_store %arg10[%swap3A_179, %swap3A_180], %add3A_178 {strides = array<i32>} : memref<128x32xf32, #tpu.memory_space<vmem>>, vector<1x32xf32>,
    %scan3A_182 = arith.constant 125 : i32
    %scan3A_183 = arith.addi %scan3A_164, %scan3A_182 : i32
    %get3A_184 = arith.index_cast %scan3A_183 : i32 to index
    %get3A_185 = arith.constant 0 : index
    %get3A_186 = vector.load %arg10[%get3A_184, %get3A_185] : memref<128x32xf32, #tpu.memory_space<vmem>>, vector<1x32xf32>
    %sub3A_187 = arith.constant 1 : i32
    %sub3A_188 = arith.subi %scan3A_183, %sub3A_187 : i32
    %get3A_189 = arith.index_cast %sub3A_188 : i32 to index
    %get3A_190 = arith.constant 0 : index
    %get3A_191 = vector.load %arg10[%get3A_189, %get3A_190] : memref<128x32xf32, #tpu.memory_space<vmem>>, vector<1x32xf32>
    %add3A_192 = arith.addf %get3A_186, %get3A_191 : vector<1x32xf32>
    %swap3A_193 = arith.index_cast %scan3A_183 : i32 to index
    %swap3A_194 = arith.constant 0 : index
    %swap3A_195 = vector.load %arg10[%swap3A_193, %swap3A_194] : memref<128x32xf32, #tpu.memory_space<vmem>>, vector<1x32xf32>
    tpu.vector_store %arg10[%swap3A_193, %swap3A_194], %add3A_192 {strides = array<i32>} : memref<128x32xf32, #tpu.memory_space<vmem>>, vector<1x32xf32>,
    %scan3A_196 = arith.constant 126 : i32
    %scan3A_197 = arith.addi %scan3A_164, %scan3A_196 : i32
    %get3A_198 = arith.index_cast %scan3A_197 : i32 to index
    %get3A_199 = arith.constant 0 : index
    %get3A_200 = vector.load %arg10[%get3A_198, %get3A_199] : memref<128x32xf32, #tpu.memory_space<vmem>>, vector<1x32xf32>
    %sub3A_201 = arith.constant 1 : i32
    %sub3A_202 = arith.subi %scan3A_197, %sub3A_201 : i32
    %get3A_203 = arith.index_cast %sub3A_202 : i32 to index
    %get3A_204 = arith.constant 0 : index
    %get3A_205 = vector.load %arg10[%get3A_203, %get3A_204] : memref<128x32xf32, #tpu.memory_space<vmem>>, vector<1x32xf32>
    %add3A_206 = arith.addf %get3A_200, %get3A_205 : vector<1x32xf32>
    %swap3A_207 = arith.index_cast %scan3A_197 : i32 to index
    %swap3A_208 = arith.constant 0 : index
    %swap3A_209 = vector.load %arg10[%swap3A_207, %swap3A_208] : memref<128x32xf32, #tpu.memory_space<vmem>>, vector<1x32xf32>
    tpu.vector_store %arg10[%swap3A_207, %swap3A_208], %add3A_206 {strides = array<i32>} : memref<128x32xf32, #tpu.memory_space<vmem>>, vector<1x32xf32>,
    %scan3A_210 = arith.constant 127 : i32
    %get3A_211 = arith.constant 127 : index
    %get3A_212 = arith.constant 0 : index
    %get3A_213 = vector.load %arg10[%get3A_211, %get3A_212] : memref<128x32xf32, #tpu.memory_space<vmem>>, vector<1x32xf32>
    %reshape3A_214 = vector.shape_cast %get3A_213 : vector<1x32xf32> to vector<32x1xf32>
    %swap3A_215 = arith.constant 0 : index
    %swap3A_216 = arith.constant 0 : index
    %swap3A_217 = vector.load %arg11[%swap3A_215, %swap3A_216] : memref<32x1xf32, #tpu.memory_space<vmem>>, vector<32x1xf32>
    tpu.vector_store %arg11[%swap3A_215, %swap3A_216], %reshape3A_214 {strides = array<i32>} : memref<32x1xf32, #tpu.memory_space<vmem>>, vector<32x1xf32>,
    %scan3A_218 = arith.constant 1 : i32
    %scan3A_219 = arith.constant 28 : i32
    %scan3A_220 = arith.addi %scan3A_218, %scan3A_219 : i32
    %scan3A_221 = arith.constant 4 : i32
    scf.for %scan3A_291 = %scan3A_218 to %scan3A_220 step %scan3A_221  : i32 {
      %get3A_292 = arith.index_cast %scan3A_291 : i32 to index
      %get3A_293 = arith.constant 0 : index
      %get3A_294 = vector.load %arg11[%get3A_292, %get3A_293] : memref<32x1xf32, #tpu.memory_space<vmem>>, vector<1x1xf32>
      %sub3A_295 = arith.constant 1 : i32
      %sub3A_296 = arith.subi %scan3A_291, %sub3A_295 : i32
      %get3A_297 = arith.index_cast %sub3A_296 : i32 to index
      %get3A_298 = arith.constant 0 : index
      %get3A_299 = vector.load %arg11[%get3A_297, %get3A_298] : memref<32x1xf32, #tpu.memory_space<vmem>>, vector<1x1xf32>
      %add3A_300 = arith.addf %get3A_294, %get3A_299 : vector<1x1xf32>
      %swap3A_301 = arith.index_cast %scan3A_291 : i32 to index
      %swap3A_302 = arith.constant 0 : index
      %swap3A_303 = vector.load %arg11[%swap3A_301, %swap3A_302] : memref<32x1xf32, #tpu.memory_space<vmem>>, vector<1x1xf32>
      tpu.vector_store %arg11[%swap3A_301, %swap3A_302], %add3A_300 {strides = array<i32>} : memref<32x1xf32, #tpu.memory_space<vmem>>, vector<1x1xf32>,
      %scan3A_304 = arith.constant 1 : i32
      %scan3A_305 = arith.addi %scan3A_291, %scan3A_304 : i32
      %get3A_306 = arith.index_cast %scan3A_305 : i32 to index
      %get3A_307 = arith.constant 0 : index
      %get3A_308 = vector.load %arg11[%get3A_306, %get3A_307] : memref<32x1xf32, #tpu.memory_space<vmem>>, vector<1x1xf32>
      %sub3A_309 = arith.constant 1 : i32
      %sub3A_310 = arith.subi %scan3A_305, %sub3A_309 : i32
      %get3A_311 = arith.index_cast %sub3A_310 : i32 to index
      %get3A_312 = arith.constant 0 : index
      %get3A_313 = vector.load %arg11[%get3A_311, %get3A_312] : memref<32x1xf32, #tpu.memory_space<vmem>>, vector<1x1xf32>
      %add3A_314 = arith.addf %get3A_308, %get3A_313 : vector<1x1xf32>
      %swap3A_315 = arith.index_cast %scan3A_305 : i32 to index
      %swap3A_316 = arith.constant 0 : index
      %swap3A_317 = vector.load %arg11[%swap3A_315, %swap3A_316] : memref<32x1xf32, #tpu.memory_space<vmem>>, vector<1x1xf32>
      tpu.vector_store %arg11[%swap3A_315, %swap3A_316], %add3A_314 {strides = array<i32>} : memref<32x1xf32, #tpu.memory_space<vmem>>, vector<1x1xf32>,
      %scan3A_318 = arith.constant 2 : i32
      %scan3A_319 = arith.addi %scan3A_291, %scan3A_318 : i32
      %get3A_320 = arith.index_cast %scan3A_319 : i32 to index
      %get3A_321 = arith.constant 0 : index
      %get3A_322 = vector.load %arg11[%get3A_320, %get3A_321] : memref<32x1xf32, #tpu.memory_space<vmem>>, vector<1x1xf32>
      %sub3A_323 = arith.constant 1 : i32
      %sub3A_324 = arith.subi %scan3A_319, %sub3A_323 : i32
      %get3A_325 = arith.index_cast %sub3A_324 : i32 to index
      %get3A_326 = arith.constant 0 : index
      %get3A_327 = vector.load %arg11[%get3A_325, %get3A_326] : memref<32x1xf32, #tpu.memory_space<vmem>>, vector<1x1xf32>
      %add3A_328 = arith.addf %get3A_322, %get3A_327 : vector<1x1xf32>
      %swap3A_329 = arith.index_cast %scan3A_319 : i32 to index
      %swap3A_330 = arith.constant 0 : index
      %swap3A_331 = vector.load %arg11[%swap3A_329, %swap3A_330] : memref<32x1xf32, #tpu.memory_space<vmem>>, vector<1x1xf32>
      tpu.vector_store %arg11[%swap3A_329, %swap3A_330], %add3A_328 {strides = array<i32>} : memref<32x1xf32, #tpu.memory_space<vmem>>, vector<1x1xf32>,
      %scan3A_332 = arith.constant 3 : i32
      %scan3A_333 = arith.addi %scan3A_291, %scan3A_332 : i32
      %get3A_334 = arith.index_cast %scan3A_333 : i32 to index
      %get3A_335 = arith.constant 0 : index
      %get3A_336 = vector.load %arg11[%get3A_334, %get3A_335] : memref<32x1xf32, #tpu.memory_space<vmem>>, vector<1x1xf32>
      %sub3A_337 = arith.constant 1 : i32
      %sub3A_338 = arith.subi %scan3A_333, %sub3A_337 : i32
      %get3A_339 = arith.index_cast %sub3A_338 : i32 to index
      %get3A_340 = arith.constant 0 : index
      %get3A_341 = vector.load %arg11[%get3A_339, %get3A_340] : memref<32x1xf32, #tpu.memory_space<vmem>>, vector<1x1xf32>
      %add3A_342 = arith.addf %get3A_336, %get3A_341 : vector<1x1xf32>
      %swap3A_343 = arith.index_cast %scan3A_333 : i32 to index
      %swap3A_344 = arith.constant 0 : index
      %swap3A_345 = vector.load %arg11[%swap3A_343, %swap3A_344] : memref<32x1xf32, #tpu.memory_space<vmem>>, vector<1x1xf32>
      tpu.vector_store %arg11[%swap3A_343, %swap3A_344], %add3A_342 {strides = array<i32>} : memref<32x1xf32, #tpu.memory_space<vmem>>, vector<1x1xf32>,
    }
    %scan3A_222 = arith.constant 28 : i32
    %scan3A_223 = arith.addi %scan3A_218, %scan3A_222 : i32
    %get3A_224 = arith.index_cast %scan3A_223 : i32 to index
    %get3A_225 = arith.constant 0 : index
    %get3A_226 = vector.load %arg11[%get3A_224, %get3A_225] : memref<32x1xf32, #tpu.memory_space<vmem>>, vector<1x1xf32>
    %sub3A_227 = arith.constant 1 : i32
    %sub3A_228 = arith.subi %scan3A_223, %sub3A_227 : i32
    %get3A_229 = arith.index_cast %sub3A_228 : i32 to index
    %get3A_230 = arith.constant 0 : index
    %get3A_231 = vector.load %arg11[%get3A_229, %get3A_230] : memref<32x1xf32, #tpu.memory_space<vmem>>, vector<1x1xf32>
    %add3A_232 = arith.addf %get3A_226, %get3A_231 : vector<1x1xf32>
    %swap3A_233 = arith.index_cast %scan3A_223 : i32 to index
    %swap3A_234 = arith.constant 0 : index
    %swap3A_235 = vector.load %arg11[%swap3A_233, %swap3A_234] : memref<32x1xf32, #tpu.memory_space<vmem>>, vector<1x1xf32>
    tpu.vector_store %arg11[%swap3A_233, %swap3A_234], %add3A_232 {strides = array<i32>} : memref<32x1xf32, #tpu.memory_space<vmem>>, vector<1x1xf32>,
    %scan3A_236 = arith.constant 29 : i32
    %scan3A_237 = arith.addi %scan3A_218, %scan3A_236 : i32
    %get3A_238 = arith.index_cast %scan3A_237 : i32 to index
    %get3A_239 = arith.constant 0 : index
    %get3A_240 = vector.load %arg11[%get3A_238, %get3A_239] : memref<32x1xf32, #tpu.memory_space<vmem>>, vector<1x1xf32>
    %sub3A_241 = arith.constant 1 : i32
    %sub3A_242 = arith.subi %scan3A_237, %sub3A_241 : i32
    %get3A_243 = arith.index_cast %sub3A_242 : i32 to index
    %get3A_244 = arith.constant 0 : index
    %get3A_245 = vector.load %arg11[%get3A_243, %get3A_244] : memref<32x1xf32, #tpu.memory_space<vmem>>, vector<1x1xf32>
    %add3A_246 = arith.addf %get3A_240, %get3A_245 : vector<1x1xf32>
    %swap3A_247 = arith.index_cast %scan3A_237 : i32 to index
    %swap3A_248 = arith.constant 0 : index
    %swap3A_249 = vector.load %arg11[%swap3A_247, %swap3A_248] : memref<32x1xf32, #tpu.memory_space<vmem>>, vector<1x1xf32>
    tpu.vector_store %arg11[%swap3A_247, %swap3A_248], %add3A_246 {strides = array<i32>} : memref<32x1xf32, #tpu.memory_space<vmem>>, vector<1x1xf32>,
    %scan3A_250 = arith.constant 30 : i32
    %scan3A_251 = arith.addi %scan3A_218, %scan3A_250 : i32
    %get3A_252 = arith.index_cast %scan3A_251 : i32 to index
    %get3A_253 = arith.constant 0 : index
    %get3A_254 = vector.load %arg11[%get3A_252, %get3A_253] : memref<32x1xf32, #tpu.memory_space<vmem>>, vector<1x1xf32>
    %sub3A_255 = arith.constant 1 : i32
    %sub3A_256 = arith.subi %scan3A_251, %sub3A_255 : i32
    %get3A_257 = arith.index_cast %sub3A_256 : i32 to index
    %get3A_258 = arith.constant 0 : index
    %get3A_259 = vector.load %arg11[%get3A_257, %get3A_258] : memref<32x1xf32, #tpu.memory_space<vmem>>, vector<1x1xf32>
    %add3A_260 = arith.addf %get3A_254, %get3A_259 : vector<1x1xf32>
    %swap3A_261 = arith.index_cast %scan3A_251 : i32 to index
    %swap3A_262 = arith.constant 0 : index
    %swap3A_263 = vector.load %arg11[%swap3A_261, %swap3A_262] : memref<32x1xf32, #tpu.memory_space<vmem>>, vector<1x1xf32>
    tpu.vector_store %arg11[%swap3A_261, %swap3A_262], %add3A_260 {strides = array<i32>} : memref<32x1xf32, #tpu.memory_space<vmem>>, vector<1x1xf32>,
    %scan3A_264 = arith.constant 31 : i32
    %get3A_265 = arith.constant 0 : index
    %get3A_266 = arith.constant 0 : index
    %get3A_267 = vector.load %arg11[%get3A_265, %get3A_266] : memref<32x1xf32, #tpu.memory_space<vmem>>, vector<32x1xf32>
    %broadcast_in_dim3A = arith.constant 0.000000e+00 : f32
    %broadcast_in_dim3A_268 = vector.broadcast %broadcast_in_dim3A : f32 to vector<1x1xf32>
    %slice3A = vector.extract_strided_slice %get3A_267 {offsets = [0, 0], sizes = [31, 1], strides = [1, 1]} : vector<32x1xf32> to vector<31x1xf32>
    %concatenate3A = tpu.concatenate %broadcast_in_dim3A_268, %slice3A in 0 : vector<1x1xf32>, vector<31x1xf32> -> vector<32x1xf32>
    %reshape3A_269 = vector.shape_cast %concatenate3A : vector<32x1xf32> to vector<1x32xf32>
    %get3A_270 = arith.constant 0 : index
    %get3A_271 = arith.constant 0 : index
    %get3A_272 = vector.load %arg10[%get3A_270, %get3A_271] : memref<128x32xf32, #tpu.memory_space<vmem>>, vector<128x32xf32>
    %add3A_273 = vector.broadcast %reshape3A_269 : vector<1x32xf32> to vector<128x32xf32>
    %add3A_274 = arith.addf %get3A_272, %add3A_273 : vector<128x32xf32>
    %transpose3A_275 = tpu.transpose %add3A_274, [1, 0] : vector<128x32xf32> -> vector<32x128xf32>
    %reshape3A_276 = vector.shape_cast %transpose3A_275 : vector<32x128xf32> to vector<1x4096xf32>
    %broadcast_in_dim3A_277 = arith.constant 0.000000e+00 : f32
    %broadcast_in_dim3A_278 = vector.broadcast %broadcast_in_dim3A_277 : f32 to vector<1x1xf32>
    %slice3A_279 = vector.extract_strided_slice %reshape3A_276 {offsets = [0, 0], sizes = [1, 4095], strides = [1, 1]} : vector<1x4096xf32> to vector<1x4095xf32>
    %concatenate3A_280 = tpu.concatenate %broadcast_in_dim3A_278, %slice3A_279 in 1 : vector<1x1xf32>, vector<1x4095xf32> -> vector<1x4096xf32>
    %get3A_281 = arith.constant 0 : index
    %get3A_282 = arith.constant 0 : index
    %get3A_283 = vector.load %arg9[%get3A_281, %get3A_282] : memref<128x4096xf32, #tpu.memory_space<vmem>>, vector<128x4096xf32>
    %add3A_284 = vector.broadcast %concatenate3A_280 : vector<1x4096xf32> to vector<128x4096xf32>
    %add3A_285 = arith.addf %get3A_283, %add3A_284 : vector<128x4096xf32>
    %sub3A_286 = arith.subf %add3A_285, %transpose3A : vector<128x4096xf32>
    %transpose3A_287 = tpu.transpose %sub3A_286, [1, 0] : vector<128x4096xf32> -> vector<4096x128xf32>
    %swap3A_288 = arith.constant 0 : index
    %swap3A_289 = arith.constant 0 : index
    %swap3A_290 = vector.load %arg8[%swap3A_288, %swap3A_289] : memref<4096x128xf32, #tpu.memory_space<vmem>>, vector<4096x128xf32>
    tpu.vector_store %arg8[%swap3A_288, %swap3A_289], %transpose3A_287 {strides = array<i32>} : memref<4096x128xf32, #tpu.memory_space<vmem>>, vector<4096x128xf32>,
    return
  }
}

</mosaic_0001>

<sc_bundles>
// kernel: kernel.5.cloned.1.call-start
scs
__scs_entry_jumppad:
0x0: {  	(pc) =	sbr.rel $0x88, $3  }
0x1: {  	(tag) =	ssettag $0x0;
	lr =	simm.s32 $0x1  }
0x2: {  	[smem:$0x3F9A] =	sst lr;
	_ =	strace $0xD0000000  }
0x3: {  	_ = 	snop  }
0x4: {  	_ = 	snop  }
0x5: {  	_ = 	snop  }
0x6: {  	_ = 	snop  }
0x7: {  	_ = 	snop  }
__scs_overlays_trampoline_lowered:
0x8: {  	[smem:$0x3FA9] =	sst s0  }
0x9: {  	[smem:$0x3FAA] =	sst s1  }
0xa: {  	[smem:$0x3FAB] =	sst s2  }
0xb: {  	[smem:$0x3FAC] =	sst s3  }
0xc: {  	[smem:$0x3FAD] =	sst s4  }
0xd: {  	[smem:$0x3FAE] =	sst s5  }
0xe: {  	[smem:$0x3FAF] =	sst s6  }
0xf: {  	[smem:$0x3FB0] =	sst s7  }
0x10: {  	[smem:$0x3FB1] =	sst s8  }
0x11: {  	[smem:$0x3FB2] =	sst s9;
	s0 =	simm.s32 @!p0 $0x0  }
0x12: {  	s1 =	sld [smem:$0x3F98];
	s0 =	simm.s32 @p0 $0x1  }
0x13: {  	[smem:$0x3FB3] =	sst s0;
	s0 =	simm.s32 @!p1 $0x0  }
0x14: {  	s2 =	sld [smem:$0x3F97];
	s0 =	simm.s32 @p1 $0x1  }
0x15: {  	[smem:$0x3FB4] =	sst s0;
	s0 =	simm.s32 @!p2 $0x0  }
0x16: {  	s3 =	sld [smem:$0x3FDB];
	s0 =	simm.s32 @p2 $0x1  }
0x17: {  	s4 =	simm.s32 $0x1BF5;
	[smem:$0x3FB6] =	sst s0  }
0x18: {  	s0 =	sld [smem:$0x3F99];
	_ =	swait.ge [sflag:s4], $0x0  }
0x19: {  	s7 =	sld [smem:$0x3F9A]  }
0x1a: {  	s8 =	sadd.s32 $0xFFFFE003, lr  }
0x1b: {  	s9 =	sadd.s32 $0xFFFFFEF7, lr;
	s5 =	simm.s32 $0xFFFFFFFF;
	p2 =	slt.u32 s8, $0xFFFFF086  }
0x1c: {  	p1 =	slt.u32 s9, $0xF7A;
	s5 =	simm.s32 @!p2 $0x0  }
0x1d: {  	s5 =	simm.s32 @p1 $0x1;
	p0 =	seq.s32 s7, s2  }
0x1e: {  	s7 =	smul.u32 @!p0 $0xF7A, s2;
	p2 =	seq.s32 @!p0 s5, $0x0  }
0x1f: {  	s9 =	smul.u32 $0xF7A, s1;
	s8 =	simm.s32 @!p0 $0x1BF5;
	p2 =	por !p2, p0  }
0x20: {  	[sflag:s8] =	ssyncset.s32 @!p0 $0xFFFFF086;
	s6 =	sadd.s32 @!p0 s3, s7;
	s7 =	simm.s32 @!p0 $0x108  }
0x21: {  	s3 =	sadd.s32 s3, s9;
	s6 =	sadd.s32 @!p0 $0x88, s6;
	s7 =	simm.s32 @p2 $0x1082  }
0x22: {  	[simem:s7], [sflag:s8] =	dma.local @!p0 [hbm:s6], $0xF7A  }
0x23: {  	s9 =	sor.u32 $0xD0000000, s2;
	s6 =	simm.s32 $0x108;
	_ =	swait.ge @!p0 [sflag:s8], $0x0  }
0x24: {  	s3 =	sadd.s32 $0x88, s3;
	s6 =	simm.s32 @!p1 $0x1082;
	[sflag:s4] =	ssyncset.s32 $0xFFFFF086  }
0x25: {  	[simem:s6], [sflag:s4] =	dma.local [hbm:s3], $0xF7A  }
0x26: {  	[smem:$0x3F9A] =	sst s1;
	(tag) =	ssettag s2;
	_ =	strace s9  }
0x27: {  	s1 =	sld [smem:$0x3FAA]  }
0x28: {  	s2 =	sld [smem:$0x3FAB]  }
0x29: {  	s4 =	sld [smem:$0x3FAD]  }
0x2a: {  	p0 =	seq.s32 s5, $0x0;
	s5 =	sld [smem:$0x3FAE]  }
0x2b: {  	s6 =	sld [smem:$0x3FAF]  }
0x2c: {  	s7 =	sld [smem:$0x3FB0]  }
0x2d: {  	s3 =	simm.s32 $0x108;
	s8 =	sld [smem:$0x3FB1]  }
0x2e: {  	s3 =	simm.s32 @!p0 $0x1082;
	s9 =	sld [smem:$0x3FB2]  }
0x2f: {  	lr =	sadd.s32 s0, s3;
	s0 =	sld [smem:$0x3FA9]  }
0x30: {  	s3 =	sld [smem:$0x3FAC]  }
0x31: {  	[smem:$0x3FB5] =	sst s10  }
0x32: {  	s10 =	sld [smem:$0x3FB3];
	_ =	sdelay $0x3  }
0x33: {  	p0 =	seq.s32 s10, $0x1;
	s10 =	sld [smem:$0x3FB5];
	_ =	sdelay $0x3  }
0x34: {  	[smem:$0x3FB5] =	sst s10  }
0x35: {  	s10 =	sld [smem:$0x3FB4];
	_ =	sdelay $0x3  }
0x36: {  	p1 =	seq.s32 s10, $0x1;
	s10 =	sld [smem:$0x3FB5];
	_ =	sdelay $0x3  }
0x37: {  	[smem:$0x3FB5] =	sst s10  }
0x38: {  	s10 =	sld [smem:$0x3FB6]  }
0x39: {  	_ = 	snop;
	(pc) =	sbr.ind lr, $3  }
0x3a: {  	_ = 	snop  }
0x3b: {  	_ = 	snop  }
0x3c: {  	p2 =	seq.s32 s10, $0x1;
	s10 =	sld [smem:$0x3FB5]  }
0x3d: {  	_ =	shalt  }
0x3e: {  	_ =	shalt  }
0x3f: {  	_ =	shalt  }
0x40: {  	_ =	shalt  }
0x41: {  	_ =	shalt  }
0x42: {  	_ =	shalt  }
0x43: {  	_ =	shalt  }
0x44: {  	_ =	shalt  }
0x45: {  	_ =	shalt  }
0x46: {  	_ =	shalt  }
0x47: {  	_ =	shalt  }
0x48: {  	_ =	shalt  }
0x49: {  	_ =	shalt  }
0x4a: {  	_ =	shalt  }
0x4b: {  	_ =	shalt  }
0x4c: {  	_ =	shalt  }
0x4d: {  	_ =	shalt  }
0x4e: {  	_ =	shalt  }
0x4f: {  	_ =	shalt  }
0x50: {  	_ =	shalt  }
0x51: {  	_ =	shalt  }
0x52: {  	_ =	shalt  }
0x53: {  	_ =	shalt  }
0x54: {  	_ =	shalt  }
0x55: {  	_ =	shalt  }
0x56: {  	_ =	shalt  }
0x57: {  	_ =	shalt  }
0x58: {  	_ =	shalt  }
0x59: {  	_ =	shalt  }
0x5a: {  	_ =	shalt  }
0x5b: {  	_ =	shalt  }
0x5c: {  	_ =	shalt  }
0x5d: {  	_ =	shalt  }
0x5e: {  	_ =	shalt  }
0x5f: {  	_ =	shalt  }
0x60: {  	_ =	shalt  }
0x61: {  	_ =	shalt  }
0x62: {  	_ =	shalt  }
0x63: {  	_ =	shalt  }
0x64: {  	_ =	shalt  }
0x65: {  	_ =	shalt  }
0x66: {  	_ =	shalt  }
0x67: {  	_ =	shalt  }
0x68: {  	_ =	shalt  }
0x69: {  	_ =	shalt  }
0x6a: {  	_ =	shalt  }
0x6b: {  	_ =	shalt  }
0x6c: {  	_ =	shalt  }
0x6d: {  	_ =	shalt  }
0x6e: {  	_ =	shalt  }
0x6f: {  	_ =	shalt  }
0x70: {  	_ =	shalt  }
0x71: {  	_ =	shalt  }
0x72: {  	_ =	shalt  }
0x73: {  	_ =	shalt  }
0x74: {  	_ =	shalt  }
0x75: {  	_ =	shalt  }
0x76: {  	_ =	shalt  }
0x77: {  	_ =	shalt  }
0x78: {  	_ =	shalt  }
0x79: {  	_ =	shalt  }
0x7a: {  	_ =	shalt  }
0x7b: {  	_ =	shalt  }
0x7c: {  	_ =	shalt  }
0x7d: {  	_ =	shalt  }
0x7e: {  	_ =	shalt  }
0x7f: {  	_ =	shalt  }
0x80: {  	_ =	shalt  }
0x81: {  	_ =	shalt  }
0x82: {  	_ =	shalt  }
0x83: {  	_ =	shalt  }
0x84: {  	_ =	shalt  }
0x85: {  	_ =	shalt  }
0x86: {  	_ =	shalt  }
0x87: {  	_ =	shalt  }
.Lfunc_end0:
.L_simem_size_0:
called_computation_lowered:
.L_overlay_start_0:
0x88: {  	s2 =	sld [smem:$0x3FD9]  }
0x89: {  	s3 =	sld [smem:$0x3FFE];
	_ =	sdelay $0x1  }
0x8a: {  	s1 =	srdreg.scid  }
0x8b: {  	s0 =	sand.u32 $0x1, s1  }
0x8c: {  	s14 =	sshll.u32 s0, $0xA;
	s2 =	sadd.s32 s3, s2  }
0x8d: {  	s2 =	sadd.s32 s2, s14  }
0x8e: {  	[smem:$0x3FC1] =	sst s2  }
0x8f: {  	_ = 	snop  }
0x90: {  	s2 =	sld [smem:$0x3FD0];
	_ =	sdelay $0x2  }
0x91: {  	s15 =	simm.s32 $0xA;
	s4 =	simm.s32 $0x10  }
0x92: {  	[smem:s4], [sflag:s15] =	dma.local [hbm:s2], $0x1  }
0x93: {  	_ =	swait.eq [sflag:s15], $0x1  }
0x94: {  	[sflag:s15] =	ssyncset.done $0x0  }
0x95: {  	s16 =	sld [smem:$0x10];
	[sflag:s15] =	ssyncadd.s32 $0xFFFFFFFF  }
0x96: {  	s17 =	sld [smem:$0x11];
	(tm) =	ssettm $0x1  }
0x97: {  	s18 =	sld [smem:$0x3FFB];
	_ =	sdelay $0x3  }
0x98: {  	_ =	strace s18  }
0x99: {  	s4 =	sld [smem:$0x3FFC];
	_ =	sdelay $0x3  }
0x9a: {  	_ =	strace s4  }
0x9b: {  	s4 =	sld [smem:$0x3FFD];
	_ =	sdelay $0x3  }
0x9c: {  	_ =	strace s4  }
0x9d: {  	_ =	strace $0x8FFFFFFF  }
0x9e: {  	s19 =	sld [smem:$0x3FDB];
	_ =	sdelay $0x1  }
0x9f: {  	s5 =	simm.s32 $_scs_section_size  }
0xa0: {  	s6 =	simm.s32 $_size__tile_overlayer_lowered;
	s7 =	simm.s32 $_tile_overlayer_lowered  }
0xa1: {  	s22 =	simm.s32 $0x1BFF;
	s21 =	sshll.u32 s7, $0x1;
	s4 =	sadd.s32 s5, s19  }
0xa2: {  	s8 =	simm.s32 $0x0;
	s20 =	sshll.u32 s6, $0x1;
	s6 =	sadd.s32 s21, s4  }
0xa3: {  	[timem:s8], [sflag:s22] =	dma.local [hbm:s6], s20  }
0xa4: {  	_ =	swait.ge [sflag:s22], s20  }
0xa5: {  	s5 =	ssub.s32 $0x0, s20;
	[sflag:s22] =	ssyncset.done $0x0  }
0xa6: {  	[sflag:s22] =	ssyncadd.s32 s5;
	_ =	sdelay $0x1  }
0xa7: {  	s23 =	simm.s32 $0x1B8B  }
0xa8: {  	_ =	swait.ge [sflag:s23], $0x1  }
0xa9: {  	[sflag:s23] =	ssyncset.done $0x0  }
0xaa: {  	s25 =	simm.s32 $0x1B8E;
	s24 =	sld [smem:$0x3FFE];
	[sflag:s23] =	ssyncadd.s32 $0xFFFFFFFF  }
0xab: {  	s26 =	simm.s32 $execute0_lowered;
	[smem:$0x3FD2] =	sst s25  }
0xac: {  	s6 =	sshll.u32 s26, $0x1;
	_ =	strace $0x80000046;
	[dreg:$0x1] =	wrdreg $0xFFFFFFFF  }
0xad: {  	s28 =	simm.s32 $_size_execute0_lowered;
	s4 =	sadd.s32 s4, s6;
	[dreg:$0x0] =	wrdreg $0x0  }
0xae: {  	s6 =	sshll.u32 s28, $0x1;
	[dreg:$0x2] =	wrdreg s4  }
0xaf: {  	[dreg:$0x3] =	wrdreg s6  }
0xb0: {  	[dreg:$0x4] =	wrdreg $0xC0  }
0xb1: {  	_ =	task [dreg:s8], $0x5FFFF  }
0xb2: {  	[dreg:$0x1] =	wrdreg $0xFFFFFFFF  }
0xb3: {  	[dreg:$0x0] =	wrdreg $0x60  }
0xb4: {  	[dreg:$0x2] =	wrdreg s16  }
0xb5: {  	[dreg:$0x3] =	wrdreg s24  }
0xb6: {  	[dreg:$0x4] =	wrdreg s17  }
0xb7: {  	[dreg:$0x5] =	wrdreg $0x9  }
0xb8: {  	_ =	task.clear_ibuf [dreg:s8], $0x6FFFF;
	_ =	strace $0x90000046  }
0xb9: {  	s29 =	simm.s32 $0x9;
	_ =	strace $0x80000048  }
0xba: {  	_ =	swait.ge [sflag:s29], $0x1  }
0xbb: {  	[sflag:s29] =	ssyncadd.s32 $0xFFFFFFFF  }
0xbc: {  	_ =	strace $0x90000048  }
0xbd: {  	_ =	sfence  }
0xbe: {  	s30 =	sld [smem:$0x0];
	_ =	sdelay $0x2  }
0xbf: {  	s31 =	sshll.u32 s1, $0xD;
	s1 =	sshrl.u32 s1, $0x2  }
0xc0: {  	s3 =	sand.u32 $0x4000, s31;
	s1 =	sadd.s32 s1, s30  }
0xc1: {  	s0 =	sor.u32 s3, s0;
	s1 =	sshll.u32 s1, $0x11  }
0xc2: {  	s0 =	sor.u32 s1, s0  }
0xc3: {  	s0 =	sadd.s32 $0x8F2B, s0  }
0xc4: {  	[sflag:s0] =	ssyncadd.remote.s32 $0x1  }
0xc5: {  	_ =	sfence.sel $0xFFFF  }
0xc6: {  	[dreg:$0x0] =	wrdreg $0xFFFFFFFF;
	(pc) =	sbr.abs _section_cstart, $3  }
0xc7: {  	[dreg:$0x1] =	wrdreg $0xFFFFFFFF  }
0xc8: {  	_ =	task.clear_ibuf [dreg:s8], $0x2FFFF;
	_ =	strace $0x9FFFFFFF  }
0xc9: {  	(tm) =	ssettm $0x7FFFFFFF  }
tec
execute0_lowered:
.L_overlay_start_1:
0x0: {  	(tag) =	ssettag $0x1  }
0x1: {  	s1 =	rddreg [dreg:$0x0]  }
0x2: {  	s0 =	rddreg [dreg:$0x1]  }
0x3: {  	s2 =	rddreg [dreg:$0x2]  }
0x4: {  	s3 =	srdreg.scid;
	s5 =	stileid.u32  }
0x5: {  	s8 =	simm.s32 $0x80;
	s9 =	simm.s32 $0x2000;
	s31 =	simm.s32 $0x3C80  }
0x6: {  	s10 =	simm.s32 $0x1D80;
	s11 =	simm.s32 $0x3D80;
	s12 =	simm.s32 $0x1E00  }
0x7: {  	s13 =	simm.s32 $0x3E00;
	s14 =	simm.s32 $0x1E80;
	s15 =	simm.s32 $0x3E80  }
0x8: {  	s16 =	simm.s32 $0x1F00;
	s17 =	simm.s32 $0x3F00;
	s18 =	simm.s32 $0x1F80  }
0x9: {  	s19 =	simm.s32 $0x3F80;
	s20 =	simm.s32 $0x4000;
	s21 =	simm.s32 $0x8000  }
0xa: {  	s22 =	simm.s32 $0x1;
	s24 =	simm.s32 $0xC480;
	s25 =	simm.s32 $0x0  }
0xb: {  	s4 =	sand.u32 $0x1, s3;
	s3 =	simm.s32 $0x0;
	s5 =	sshll.u32 s5, $0xF  }
0xc: {  	s6 =	sshll.u32 s4, $0xE;
	[smem:$0x7FF] =	sst s3;
	s7 =	ssub.s32 $0x2, s4  }
0xd: {  	s4 =	sadd.s32 $0x1600, s0;
	s0 =	simm.s32 $0x1D00;
	s23 =	sor.u32 s6, s5  }
0xe: {  	_ =	strace $0x80000047;
	s29 =	sshrl.u32 s7, $0x1;
	s6 =	sshrl.u32 s23, $0x3  }
0xf: {  	v0 =	vlaneseq.u32;
	s30 =	ssub.s32 s7, s29;
	s7 =	simm.s32 $0x2;
	v1 =	vmov s23;
	s23 =	simm.s32 $0xC000  }
0x10: {  	v2 =	vimm.s32 $0x0;
	v3 =	vmul.u32 $0x10, v0;
	s5 =	sadd.s32 s2, s6;
	s6 =	smax.u32 s30, $0x1;
	s2 =	simm.s32 $0x3D00  }
.LBB2_1:
0x11: {  	[tilespmem:s3], [sflag:$0x2] =	stream.linear.gather [hbm4b:s4+s3], $0x2000, $0x38;
	[tilespmem:$0x10480] =	vst v63  }
0x12: {  	_ =	swait.ge [sflag:s7], $0x2000  }
0x13: {  	[sflag:s7] =	ssyncset.done $0x0  }
0x14: {  	s26 =	simm.s32 $0x4020;
	[sflag:s7] =	ssyncadd.s32 $0xFFFFE000  }
0x15: {  	[tilespmem:s26+$0xFFFFFFE0] =	vst v2  }
0x16: {  	[tilespmem:s26+$0x10] =	vst v2  }
0x17: {  	s28 =	simm.s32 $0x0;
	[tilespmem:s26+$0x0] =	vst v2  }
.LBB2_2:
0x18: {  	s28 =	sadd.s32 $0x4, s28  }
0x19: {  	[tilespmem:s26+$0xFFFFFFF0] =	vst v2;
	s26 =	sadd.s32 $0x40, s26;
	p0 =	slt.u32 s28, $0x3FC  }
.Ltmp0:
0x1a: {  	[tilespmem:s26+$0xFFFFFFE0] =	vst v2;
	(pc) =	sbr.rel @p0 .LBB2_2-.Ltmp0, $3  }
0x1b: {  	_ =	sdelay $0x1  }
0x1c: {  	[tilespmem:s26+$0x10] =	vst v2  }
0x1d: {  	[tilespmem:s26+$0x0] =	vst v2  }
0x1e: {  	[tilespmem:s26+$0xFFFFFFF0] =	vst v2;
	s26 =	simm.s32 $0x0  }
0x1f: {  	[tilespmem:s9], [sflag:$0x1] =	stream.indirect.gather [hbm4b:s1+s8], $0x1, s26, s8, $0xb8;
	[tilespmem:$0x10480] =	vst v63  }
0x20: {  	s28 =	simm.s32 $0x2080  }
0x21: {  	[tilespmem:s28], [sflag:$0x1] =	stream.indirect.gather [hbm4b:s1+s8], $0x1, s8, s8, $0xb8;
	[tilespmem:$0x10480] =	vst v63  }
0x22: {  	s29 =	simm.s32 $0x2100;
	s28 =	simm.s32 $0x100  }
0x23: {  	[tilespmem:s29], [sflag:$0x1] =	stream.indirect.gather [hbm4b:s1+s8], $0x1, s28, s8, $0xb8;
	[tilespmem:$0x10480] =	vst v63  }
0x24: {  	s28 =	simm.s32 $0x180;
	s29 =	simm.s32 $0x2180  }
0x25: {  	[tilespmem:s29], [sflag:$0x1] =	stream.indirect.gather [hbm4b:s1+s8], $0x1, s28, s8, $0xb8;
	[tilespmem:$0x10480] =	vst v63  }
0x26: {  	s28 =	simm.s32 $0x200;
	s29 =	simm.s32 $0x2200  }
0x27: {  	[tilespmem:s29], [sflag:$0x1] =	stream.indirect.gather [hbm4b:s1+s8], $0x1, s28, s8, $0xb8;
	[tilespmem:$0x10480] =	vst v63  }
0x28: {  	s28 =	simm.s32 $0x280;
	s29 =	simm.s32 $0x2280  }
0x29: {  	[tilespmem:s29], [sflag:$0x1] =	stream.indirect.gather [hbm4b:s1+s8], $0x1, s28, s8, $0xb8;
	[tilespmem:$0x10480] =	vst v63  }
0x2a: {  	s28 =	simm.s32 $0x300;
	s29 =	simm.s32 $0x2300  }
0x2b: {  	[tilespmem:s29], [sflag:$0x1] =	stream.indirect.gather [hbm4b:s1+s8], $0x1, s28, s8, $0xb8;
	[tilespmem:$0x10480] =	vst v63  }
0x2c: {  	s28 =	simm.s32 $0x380;
	s29 =	simm.s32 $0x2380  }
0x2d: {  	[tilespmem:s29], [sflag:$0x1] =	stream.indirect.gather [hbm4b:s1+s8], $0x1, s28, s8, $0xb8;
	[tilespmem:$0x10480] =	vst v63  }
0x2e: {  	s28 =	simm.s32 $0x400;
	s29 =	simm.s32 $0x2400  }
0x2f: {  	[tilespmem:s29], [sflag:$0x1] =	stream.indirect.gather [hbm4b:s1+s8], $0x1, s28, s8, $0xb8;
	[tilespmem:$0x10480] =	vst v63  }
0x30: {  	s28 =	simm.s32 $0x480;
	s29 =	simm.s32 $0x2480  }
0x31: {  	[tilespmem:s29], [sflag:$0x1] =	stream.indirect.gather [hbm4b:s1+s8], $0x1, s28, s8, $0xb8;
	[tilespmem:$0x10480] =	vst v63  }
0x32: {  	s28 =	simm.s32 $0x500;
	s29 =	simm.s32 $0x2500  }
0x33: {  	[tilespmem:s29], [sflag:$0x1] =	stream.indirect.gather [hbm4b:s1+s8], $0x1, s28, s8, $0xb8;
	[tilespmem:$0x10480] =	vst v63  }
0x34: {  	s28 =	simm.s32 $0x580;
	s29 =	simm.s32 $0x2580  }
0x35: {  	[tilespmem:s29], [sflag:$0x1] =	stream.indirect.gather [hbm4b:s1+s8], $0x1, s28, s8, $0xb8;
	[tilespmem:$0x10480] =	vst v63  }
0x36: {  	s28 =	simm.s32 $0x600;
	s29 =	simm.s32 $0x2600  }
0x37: {  	[tilespmem:s29], [sflag:$0x1] =	stream.indirect.gather [hbm4b:s1+s8], $0x1, s28, s8, $0xb8;
	[tilespmem:$0x10480] =	vst v63  }
0x38: {  	s28 =	simm.s32 $0x680;
	s29 =	simm.s32 $0x2680  }
0x39: {  	[tilespmem:s29], [sflag:$0x1] =	stream.indirect.gather [hbm4b:s1+s8], $0x1, s28, s8, $0xb8;
	[tilespmem:$0x10480] =	vst v63  }
0x3a: {  	s28 =	simm.s32 $0x700;
	s29 =	simm.s32 $0x2700  }
0x3b: {  	[tilespmem:s29], [sflag:$0x1] =	stream.indirect.gather [hbm4b:s1+s8], $0x1, s28, s8, $0xb8;
	[tilespmem:$0x10480] =	vst v63  }
0x3c: {  	s28 =	simm.s32 $0x780;
	s29 =	simm.s32 $0x2780  }
0x3d: {  	[tilespmem:s29], [sflag:$0x1] =	stream.indirect.gather [hbm4b:s1+s8], $0x1, s28, s8, $0xb8;
	[tilespmem:$0x10480] =	vst v63  }
0x3e: {  	s28 =	simm.s32 $0x800;
	s29 =	simm.s32 $0x2800  }
0x3f: {  	[tilespmem:s29], [sflag:$0x1] =	stream.indirect.gather [hbm4b:s1+s8], $0x1, s28, s8, $0xb8;
	[tilespmem:$0x10480] =	vst v63  }
0x40: {  	s28 =	simm.s32 $0x880;
	s29 =	simm.s32 $0x2880  }
0x41: {  	[tilespmem:s29], [sflag:$0x1] =	stream.indirect.gather [hbm4b:s1+s8], $0x1, s28, s8, $0xb8;
	[tilespmem:$0x10480] =	vst v63  }
0x42: {  	s28 =	simm.s32 $0x900;
	s29 =	simm.s32 $0x2900  }
0x43: {  	[tilespmem:s29], [sflag:$0x1] =	stream.indirect.gather [hbm4b:s1+s8], $0x1, s28, s8, $0xb8;
	[tilespmem:$0x10480] =	vst v63  }
0x44: {  	s28 =	simm.s32 $0x980;
	s29 =	simm.s32 $0x2980  }
0x45: {  	[tilespmem:s29], [sflag:$0x1] =	stream.indirect.gather [hbm4b:s1+s8], $0x1, s28, s8, $0xb8;
	[tilespmem:$0x10480] =	vst v63  }
0x46: {  	s28 =	simm.s32 $0xA00;
	s29 =	simm.s32 $0x2A00  }
0x47: {  	[tilespmem:s29], [sflag:$0x1] =	stream.indirect.gather [hbm4b:s1+s8], $0x1, s28, s8, $0xb8;
	[tilespmem:$0x10480] =	vst v63  }
0x48: {  	s28 =	simm.s32 $0xA80;
	s29 =	simm.s32 $0x2A80  }
0x49: {  	[tilespmem:s29], [sflag:$0x1] =	stream.indirect.gather [hbm4b:s1+s8], $0x1, s28, s8, $0xb8;
	[tilespmem:$0x10480] =	vst v63  }
0x4a: {  	s28 =	simm.s32 $0xB00;
	s29 =	simm.s32 $0x2B00  }
0x4b: {  	[tilespmem:s29], [sflag:$0x1] =	stream.indirect.gather [hbm4b:s1+s8], $0x1, s28, s8, $0xb8;
	[tilespmem:$0x10480] =	vst v63  }
0x4c: {  	s28 =	simm.s32 $0xB80;
	s29 =	simm.s32 $0x2B80  }
0x4d: {  	[tilespmem:s29], [sflag:$0x1] =	stream.indirect.gather [hbm4b:s1+s8], $0x1, s28, s8, $0xb8;
	[tilespmem:$0x10480] =	vst v63  }
0x4e: {  	s28 =	simm.s32 $0xC00;
	s29 =	simm.s32 $0x2C00  }
0x4f: {  	[tilespmem:s29], [sflag:$0x1] =	stream.indirect.gather [hbm4b:s1+s8], $0x1, s28, s8, $0xb8;
	[tilespmem:$0x10480] =	vst v63  }
0x50: {  	s28 =	simm.s32 $0xC80;
	s29 =	simm.s32 $0x2C80  }
0x51: {  	[tilespmem:s29], [sflag:$0x1] =	stream.indirect.gather [hbm4b:s1+s8], $0x1, s28, s8, $0xb8;
	[tilespmem:$0x10480] =	vst v63  }
0x52: {  	s28 =	simm.s32 $0xD00;
	s29 =	simm.s32 $0x2D00  }
0x53: {  	[tilespmem:s29], [sflag:$0x1] =	stream.indirect.gather [hbm4b:s1+s8], $0x1, s28, s8, $0xb8;
	[tilespmem:$0x10480] =	vst v63  }
0x54: {  	s28 =	simm.s32 $0xD80;
	s29 =	simm.s32 $0x2D80  }
0x55: {  	[tilespmem:s29], [sflag:$0x1] =	stream.indirect.gather [hbm4b:s1+s8], $0x1, s28, s8, $0xb8;
	[tilespmem:$0x10480] =	vst v63  }
0x56: {  	s28 =	simm.s32 $0xE00;
	s29 =	simm.s32 $0x2E00  }
0x57: {  	[tilespmem:s29], [sflag:$0x1] =	stream.indirect.gather [hbm4b:s1+s8], $0x1, s28, s8, $0xb8;
	[tilespmem:$0x10480] =	vst v63  }
0x58: {  	s28 =	simm.s32 $0xE80;
	s29 =	simm.s32 $0x2E80  }
0x59: {  	[tilespmem:s29], [sflag:$0x1] =	stream.indirect.gather [hbm4b:s1+s8], $0x1, s28, s8, $0xb8;
	[tilespmem:$0x10480] =	vst v63  }
0x5a: {  	s28 =	simm.s32 $0xF00;
	s29 =	simm.s32 $0x2F00  }
0x5b: {  	[tilespmem:s29], [sflag:$0x1] =	stream.indirect.gather [hbm4b:s1+s8], $0x1, s28, s8, $0xb8;
	[tilespmem:$0x10480] =	vst v63  }
0x5c: {  	s28 =	simm.s32 $0xF80;
	s29 =	simm.s32 $0x2F80  }
0x5d: {  	[tilespmem:s29], [sflag:$0x1] =	stream.indirect.gather [hbm4b:s1+s8], $0x1, s28, s8, $0xb8;
	[tilespmem:$0x10480] =	vst v63  }
0x5e: {  	s28 =	simm.s32 $0x1000;
	s29 =	simm.s32 $0x3000  }
0x5f: {  	[tilespmem:s29], [sflag:$0x1] =	stream.indirect.gather [hbm4b:s1+s8], $0x1, s28, s8, $0xb8;
	[tilespmem:$0x10480] =	vst v63  }
0x60: {  	s28 =	simm.s32 $0x1080;
	s29 =	simm.s32 $0x3080  }
0x61: {  	[tilespmem:s29], [sflag:$0x1] =	stream.indirect.gather [hbm4b:s1+s8], $0x1, s28, s8, $0xb8;
	[tilespmem:$0x10480] =	vst v63  }
0x62: {  	s28 =	simm.s32 $0x1100;
	s29 =	simm.s32 $0x3100  }
0x63: {  	[tilespmem:s29], [sflag:$0x1] =	stream.indirect.gather [hbm4b:s1+s8], $0x1, s28, s8, $0xb8;
	[tilespmem:$0x10480] =	vst v63  }
0x64: {  	s28 =	simm.s32 $0x1180;
	s29 =	simm.s32 $0x3180  }
0x65: {  	[tilespmem:s29], [sflag:$0x1] =	stream.indirect.gather [hbm4b:s1+s8], $0x1, s28, s8, $0xb8;
	[tilespmem:$0x10480] =	vst v63  }
0x66: {  	s28 =	simm.s32 $0x1200;
	s29 =	simm.s32 $0x3200  }
0x67: {  	[tilespmem:s29], [sflag:$0x1] =	stream.indirect.gather [hbm4b:s1+s8], $0x1, s28, s8, $0xb8;
	[tilespmem:$0x10480] =	vst v63  }
0x68: {  	s28 =	simm.s32 $0x1280;
	s29 =	simm.s32 $0x3280  }
0x69: {  	[tilespmem:s29], [sflag:$0x1] =	stream.indirect.gather [hbm4b:s1+s8], $0x1, s28, s8, $0xb8;
	[tilespmem:$0x10480] =	vst v63  }
0x6a: {  	s28 =	simm.s32 $0x1300;
	s29 =	simm.s32 $0x3300  }
0x6b: {  	[tilespmem:s29], [sflag:$0x1] =	stream.indirect.gather [hbm4b:s1+s8], $0x1, s28, s8, $0xb8;
	[tilespmem:$0x10480] =	vst v63  }
0x6c: {  	s28 =	simm.s32 $0x1380;
	s29 =	simm.s32 $0x3380  }
0x6d: {  	[tilespmem:s29], [sflag:$0x1] =	stream.indirect.gather [hbm4b:s1+s8], $0x1, s28, s8, $0xb8;
	[tilespmem:$0x10480] =	vst v63  }
0x6e: {  	s28 =	simm.s32 $0x1400;
	s29 =	simm.s32 $0x3400  }
0x6f: {  	[tilespmem:s29], [sflag:$0x1] =	stream.indirect.gather [hbm4b:s1+s8], $0x1, s28, s8, $0xb8;
	[tilespmem:$0x10480] =	vst v63  }
0x70: {  	s28 =	simm.s32 $0x1480;
	s29 =	simm.s32 $0x3480  }
0x71: {  	[tilespmem:s29], [sflag:$0x1] =	stream.indirect.gather [hbm4b:s1+s8], $0x1, s28, s8, $0xb8;
	[tilespmem:$0x10480] =	vst v63  }
0x72: {  	s28 =	simm.s32 $0x1500;
	s29 =	simm.s32 $0x3500  }
0x73: {  	[tilespmem:s29], [sflag:$0x1] =	stream.indirect.gather [hbm4b:s1+s8], $0x1, s28, s8, $0xb8;
	[tilespmem:$0x10480] =	vst v63  }
0x74: {  	s28 =	simm.s32 $0x1580;
	s29 =	simm.s32 $0x3580  }
0x75: {  	[tilespmem:s29], [sflag:$0x1] =	stream.indirect.gather [hbm4b:s1+s8], $0x1, s28, s8, $0xb8;
	[tilespmem:$0x10480] =	vst v63  }
0x76: {  	s28 =	simm.s32 $0x1600;
	s29 =	simm.s32 $0x3600  }
0x77: {  	[tilespmem:s29], [sflag:$0x1] =	stream.indirect.gather [hbm4b:s1+s8], $0x1, s28, s8, $0xb8;
	[tilespmem:$0x10480] =	vst v63  }
0x78: {  	s28 =	simm.s32 $0x1680;
	s29 =	simm.s32 $0x3680  }
0x79: {  	[tilespmem:s29], [sflag:$0x1] =	stream.indirect.gather [hbm4b:s1+s8], $0x1, s28, s8, $0xb8;
	[tilespmem:$0x10480] =	vst v63  }
0x7a: {  	s28 =	simm.s32 $0x1700;
	s29 =	simm.s32 $0x3700  }
0x7b: {  	[tilespmem:s29], [sflag:$0x1] =	stream.indirect.gather [hbm4b:s1+s8], $0x1, s28, s8, $0xb8;
	[tilespmem:$0x10480] =	vst v63  }
0x7c: {  	s28 =	simm.s32 $0x1780;
	s29 =	simm.s32 $0x3780  }
0x7d: {  	[tilespmem:s29], [sflag:$0x1] =	stream.indirect.gather [hbm4b:s1+s8], $0x1, s28, s8, $0xb8;
	[tilespmem:$0x10480] =	vst v63  }
0x7e: {  	s28 =	simm.s32 $0x1800;
	s29 =	simm.s32 $0x3800  }
0x7f: {  	[tilespmem:s29], [sflag:$0x1] =	stream.indirect.gather [hbm4b:s1+s8], $0x1, s28, s8, $0xb8;
	[tilespmem:$0x10480] =	vst v63  }
0x80: {  	s28 =	simm.s32 $0x1880;
	s29 =	simm.s32 $0x3880  }
0x81: {  	[tilespmem:s29], [sflag:$0x1] =	stream.indirect.gather [hbm4b:s1+s8], $0x1, s28, s8, $0xb8;
	[tilespmem:$0x10480] =	vst v63  }
0x82: {  	s28 =	simm.s32 $0x1900;
	s29 =	simm.s32 $0x3900  }
0x83: {  	[tilespmem:s29], [sflag:$0x1] =	stream.indirect.gather [hbm4b:s1+s8], $0x1, s28, s8, $0xb8;
	[tilespmem:$0x10480] =	vst v63  }
0x84: {  	s28 =	simm.s32 $0x1980;
	s29 =	simm.s32 $0x3980  }
0x85: {  	[tilespmem:s29], [sflag:$0x1] =	stream.indirect.gather [hbm4b:s1+s8], $0x1, s28, s8, $0xb8;
	[tilespmem:$0x10480] =	vst v63  }
0x86: {  	s28 =	simm.s32 $0x1A00;
	s29 =	simm.s32 $0x3A00  }
0x87: {  	[tilespmem:s29], [sflag:$0x1] =	stream.indirect.gather [hbm4b:s1+s8], $0x1, s28, s8, $0xb8;
	[tilespmem:$0x10480] =	vst v63  }
0x88: {  	s28 =	simm.s32 $0x1A80;
	s29 =	simm.s32 $0x3A80  }
0x89: {  	[tilespmem:s29], [sflag:$0x1] =	stream.indirect.gather [hbm4b:s1+s8], $0x1, s28, s8, $0xb8;
	[tilespmem:$0x10480] =	vst v63  }
0x8a: {  	s28 =	simm.s32 $0x1B00;
	s29 =	simm.s32 $0x3B00  }
0x8b: {  	[tilespmem:s29], [sflag:$0x1] =	stream.indirect.gather [hbm4b:s1+s8], $0x1, s28, s8, $0xb8;
	[tilespmem:$0x10480] =	vst v63  }
0x8c: {  	s28 =	simm.s32 $0x1B80;
	s29 =	simm.s32 $0x3B80  }
0x8d: {  	[tilespmem:s29], [sflag:$0x1] =	stream.indirect.gather [hbm4b:s1+s8], $0x1, s28, s8, $0xb8;
	[tilespmem:$0x10480] =	vst v63  }
0x8e: {  	s28 =	simm.s32 $0x1C00;
	s29 =	simm.s32 $0x3C00  }
0x8f: {  	[tilespmem:s29], [sflag:$0x1] =	stream.indirect.gather [hbm4b:s1+s8], $0x1, s28, s8, $0xb8;
	[tilespmem:$0x10480] =	vst v63  }
0x90: {  	s28 =	simm.s32 $0x1C80  }
0x91: {  	[tilespmem:s31], [sflag:$0x1] =	stream.indirect.gather [hbm4b:s1+s8], $0x1, s28, s8, $0xb8;
	[tilespmem:$0x10480] =	vst v63  }
0x92: {  	_ = 	snop  }
0x93: {  	[tilespmem:s2], [sflag:$0x1] =	stream.indirect.gather [hbm4b:s1+s8], $0x1, s0, s8, $0xb8;
	[tilespmem:$0x10480] =	vst v63  }
0x94: {  	_ = 	snop  }
0x95: {  	[tilespmem:s11], [sflag:$0x1] =	stream.indirect.gather [hbm4b:s1+s8], $0x1, s10, s8, $0xb8;
	[tilespmem:$0x10480] =	vst v63  }
0x96: {  	_ = 	snop  }
0x97: {  	[tilespmem:s13], [sflag:$0x1] =	stream.indirect.gather [hbm4b:s1+s8], $0x1, s12, s8, $0xb8;
	[tilespmem:$0x10480] =	vst v63  }
0x98: {  	_ = 	snop  }
0x99: {  	[tilespmem:s15], [sflag:$0x1] =	stream.indirect.gather [hbm4b:s1+s8], $0x1, s14, s8, $0xb8;
	[tilespmem:$0x10480] =	vst v63  }
0x9a: {  	_ = 	snop  }
0x9b: {  	[tilespmem:s17], [sflag:$0x1] =	stream.indirect.gather [hbm4b:s1+s8], $0x1, s16, s8, $0xb8;
	[tilespmem:$0x10480] =	vst v63  }
0x9c: {  	s29 =	simm.s32 $0x20;
	s28 =	simm.s32 $0xFFFFFFFC  }
0x9d: {  	v4 =	vimm.s32 $0x0;
	[tilespmem:s19], [sflag:$0x1] =	stream.indirect.gather [hbm4b:s1+s8], $0x1, s18, s8, $0xb8;
	[tilespmem:$0x10480] =	vst v63  }
.LBB2_4:
0x9e: {  	v5 =	vld [tilespmem:s29+$0xFFFFFFE0];
	_ =	sdelay $0x4  }
0x9f: {  	v6 =	vsub.s32 v5, v1  }
0xa0: {  	v7 =	vand.u32 $0x7F, v5;
	vm0 =	vlt.u32 v6, $0x4000;
	v6 =	vand.u32 $0xFFFFFF80, v6  }
0xa1: {  	v6 =	vor.u32 v7, v6;
	_ =	sdelay $0x3  }
0xa2: {  	v7 =	vor.u32 s26, v0  }
0xa3: {  	[tilespmem:v6+s20+$0x0] =	vst.idx.msk vm0, v7  }
0xa4: {  	v6 =	vld [tilespmem:s29+$0xFFFFFFF0];
	_ =	sdelay $0x4  }
0xa5: {  	v7 =	vsub.s32 v6, v1  }
0xa6: {  	v8 =	vand.u32 $0x7F, v6;
	vm10 =	vlt.u32 v7, $0x4000;
	v7 =	vand.u32 $0xFFFFFF80, v7  }
0xa7: {  	v7 =	vor.u32 v8, v7;
	_ =	sdelay $0x2  }
0xa8: {  	s30 =	sadd.s32 $0x10, s26  }
0xa9: {  	v60 =	vor.u32 s30, v0  }
0xaa: {  	[tilespmem:v7+s20+$0x0] =	vst.idx.msk vm10, v60  }
0xab: {  	v7 =	vld [tilespmem:s29+$0x0];
	_ =	sdelay $0x4  }
0xac: {  	v61 =	vsub.s32 v7, v1  }
0xad: {  	v9 =	vand.u32 $0x7F, v7;
	vm11 =	vlt.u32 v61, $0x4000;
	v8 =	vand.u32 $0xFFFFFF80, v61  }
0xae: {  	v8 =	vor.u32 v9, v8;
	_ =	sdelay $0x2  }
0xaf: {  	s30 =	sadd.s32 $0x20, s26  }
0xb0: {  	v62 =	vor.u32 s30, v0  }
0xb1: {  	[tilespmem:v8+s20+$0x0] =	vst.idx.msk vm11, v62  }
0xb2: {  	v8 =	vld [tilespmem:s29+$0x10];
	_ =	sdelay $0x4  }
0xb3: {  	v63 =	vsub.s32 v8, v1  }
0xb4: {  	s28 =	sadd.s32 $0x4, s28;
	v10 =	vand.u32 $0x7F, v8;
	vm12 =	vlt.u32 v63, $0x4000;
	v9 =	vand.u32 $0xFFFFFF80, v63  }
0xb5: {  	p0 =	slt.u32 s28, $0x1FC;
	vm1 =	vle.s32 v5, v1;
	v9 =	vor.u32 v10, v9  }
.Ltmp1:
0xb6: {  	v5 =	vsel vm1, $0x1, v2;
	vm13 =	vle.s32 v6, v1;
	(pc) =	sbr.rel @p0 .LBB2_4-.Ltmp1, $4  }
0xb7: {  	v4 =	vadd.s32 v5, v4;
	v5 =	vsel vm13, $0x1, v2;
	vm14 =	vle.s32 v7, v1  }
0xb8: {  	s30 =	sadd.s32 $0x30, s26;
	v4 =	vadd.s32 v5, v4;
	v5 =	vsel vm14, $0x1, v2;
	vm15 =	vle.s32 v8, v1  }
0xb9: {  	v4 =	vadd.s32 v5, v4;
	v5 =	vor.u32 s30, v0;
	v6 =	vsel vm15, $0x1, v2  }
0xba: {  	s26 =	sadd.s32 $0x40, s26;
	s29 =	sadd.s32 $0x40, s29;
	v4 =	vadd.s32 v6, v4;
	[tilespmem:v9+s20+$0x0] =	vst.idx.msk vm12, v5  }
0xbb: {  	s28 =	simm.s32 $0x0  }
0xbc: {  	v5 =	vld [tilespmem:s28+$0x4000];
	_ =	sdelay $0x4  }
0xbd: {  	v6 =	vxor.u32 $0x80000000, v5  }
0xbe: {  	(xrf0) =	vmax.scan.msk.u32 $0xffff, v6  }
0xbf: {  	s26 =	simm.s32 $0x10  }
0xc0: {  	s29 =	simm.s32 $0x80;
	v5 =	vld [tilespmem:s26+$0x4000]  }
.LBB2_6:
0xc1: {  	p0 =	sne.s32 s29, $0xFFC0  }
.Ltmp2:
0xc2: {  	_ = 	snop;
	(pc) =	sbr.rel @p0 .LBB2_6-.Ltmp2, $4  }
0xc3: {  	_ = 	snop  }
0xc4: {  	v6, _, _ =	vpop (xrf0)  }
0xc5: {  	s30 =	sshra.s32 s29, $0x2;
	v7 =	vxor.u32 $0x80000000, v5;
	v6 =	vxor.u32 $0x80000000, v6  }
0xc6: {  	s29 =	sadd.s32 $0x40, s29;
	v5 =	vld [tilespmem:s30+$0x4000];
	(xrf0) =	vmax.scan.msk.u32 $0xffff, v7;
	[tilespmem:s28+$0x8000] =	vst v6;
	s28 =	smov.u32 s26;
	s26 =	smov.u32 s30  }
0xc7: {  	_ =	sdelay $0x3  }
0xc8: {  	v5 =	vxor.u32 $0x80000000, v5  }
0xc9: {  	(xrf0) =	vmax.scan.msk.u32 $0xffff, v5  }
0xca: {  	(xrf0) =	vadd.scan.msk.s32 $0xffff, v4;
	_ =	sdelay $0x3  }
0xcb: {  	v4, _, _ =	vpop (xrf0)  }
0xcc: {  	v5, _, _ =	vpop (xrf0)  }
0xcd: {  	v6, _, _ =	vpop (xrf0)  }
0xce: {  	(v2sf) =	vpush v6, $0xF;
	_ =	sdelay $0x9  }
0xcf: {  	s29 =	simm.s32 $0x0  }
0xd0: {  	v6 =	vmov s29  }
0xd1: {  	v6 =	vshll.u32 v6, $0x4  }
0xd2: {  	v6 =	vor.u32 v3, v6  }
0xd3: {  	v6 =	vor.u32 $0xF, v6  }
0xd4: {  	v4 =	vxor.u32 $0x80000000, v4;
	s29 =	spop (v2sf)  }
0xd5: {  	[tilespmem:s28+$0x8000] =	vst v4;
	v4 =	vxor.u32 $0x80000000, v5;
	s28 =	sadd.s32 $0xFFFFFFFF, s29  }
0xd6: {  	[tilespmem:s26+$0x8000] =	vst v4;
	v4 =	vmov s28  }
0xd7: {  	[tilespmem:$0xC000] =	vst v4  }
0xd8: {  	v5 =	vld.idx.msk [tilespmem:v6+s21+$0x0], $0xffff;
	_ =	sdelay $0x4  }
0xd9: {  	v5 =	vxor.u32 $0x80000000, v5  }
0xda: {  	(xrf0) =	vmax.scan.msk.u32 $0xffff, v5;
	_ =	sdelay $0x5  }
0xdb: {  	v5, _, _ =	vpop (xrf0)  }
0xdc: {  	v5 =	vxor.u32 $0x80000000, v5  }
0xdd: {  	s30 =	simm.s32 $0x10;
	vm0 =	vgt.s32 v5, v4  }
0xde: {  	v6 =	vmov s30;
	v4 =	vsel vm0, v5, v4  }
0xdf: {  	v5 =	vshll.u32 v6, $0x4;
	v6 =	vxor.u32 $0x80000000, v4  }
0xe0: {  	(xrf0) =	vmax.scan.msk.u32 $0xffff, v6;
	_ =	sdelay $0x3  }
0xe1: {  	s26 =	simm.s32 $0xC010;
	v5 =	vor.u32 v3, v5  }
0xe2: {  	s29 =	simm.s32 $0x30;
	s28 =	simm.s32 $0x20;
	[tilespmem:s26+$0x0] =	vst v4;
	v4 =	vor.u32 $0xF, v5  }
.LBB2_8:
0xe3: {  	p0 =	sne.s32 s29, $0x3F0;
	v5, _, _ =	vpop (xrf0)  }
0xe4: {  	(v2sf) =	vpush v5, $0xF;
	_ =	sdelay $0x2  }
0xe5: {  	v4 =	vld.idx.msk [tilespmem:v4+s21+$0x0], $0xffff;
	_ =	sdelay $0x5  }
0xe6: {  	v4 =	vxor.u32 $0x80000000, v4  }
0xe7: {  	(xrf0) =	vmax.scan.msk.u32 $0xffff, v4;
	_ =	sdelay $0x4  }
0xe8: {  	s30 =	spop (v2sf)  }
0xe9: {  	v4, _, _ =	vpop (xrf0);
	s30 =	sxor.u32 $0x80000000, s30  }
0xea: {  	v4 =	vxor.u32 $0x80000000, v4;
	v5 =	vmov s30  }
0xeb: {  	vm0 =	vgt.s32 v4, v5  }
0xec: {  	s26 =	sadd.s32 $0x10, s26;
	v4 =	vsel vm0, v4, v5  }
0xed: {  	[tilespmem:s26+$0x0] =	vst v4;
	v4 =	vxor.u32 $0x80000000, v4  }
0xee: {  	(xrf0) =	vmax.scan.msk.u32 $0xffff, v4  }
.Ltmp3:
0xef: {  	(pc) =	sbr.rel @p0 .LBB2_8-.Ltmp3, $4  }
0xf0: {  	v4 =	vmov s28;
	s28 =	smov.u32 s29  }
0xf1: {  	v4 =	vshll.u32 v4, $0x4  }
0xf2: {  	v4 =	vor.u32 v3, v4  }
0xf3: {  	s29 =	sadd.s32 $0x10, s29;
	v4 =	vor.u32 $0xF, v4  }
0xf4: {  	v5, _, _ =	vpop (xrf0)  }
0xf5: {  	(v2sf) =	vpush v5, $0xF;
	_ =	sdelay $0x3  }
0xf6: {  	v4 =	vld.idx.msk [tilespmem:v4+s21+$0x0], $0xffff;
	_ =	sdelay $0x4  }
0xf7: {  	v4 =	vxor.u32 $0x80000000, v4  }
0xf8: {  	(xrf0) =	vmax.scan.msk.u32 $0xffff, v4;
	_ =	sdelay $0x4  }
0xf9: {  	s29 =	spop (v2sf)  }
0xfa: {  	v4, _, _ =	vpop (xrf0);
	s29 =	sxor.u32 $0x80000000, s29  }
0xfb: {  	v4 =	vxor.u32 $0x80000000, v4;
	v5 =	vmov s29  }
0xfc: {  	vm0 =	vgt.s32 v4, v5  }
0xfd: {  	v4 =	vsel vm0, v4, v5  }
0xfe: {  	v5 =	vxor.u32 $0x80000000, v4  }
0xff: {  	(xrf0) =	vmax.scan.msk.u32 $0xffff, v5;
	_ =	sdelay $0x2  }
0x100: {  	v5 =	vmov s28  }
0x101: {  	v5 =	vshll.u32 v5, $0x4  }
0x102: {  	v5 =	vor.u32 v3, v5  }
0x103: {  	v5 =	vor.u32 $0xF, v5;
	v6, _, _ =	vpop (xrf0)  }
0x104: {  	(v2sf) =	vpush v6, $0xF;
	_ =	sdelay $0x1  }
0x105: {  	s26 =	sadd.s32 $0x10, s26  }
0x106: {  	[tilespmem:s26+$0x0] =	vst v4  }
0x107: {  	v4 =	vld.idx.msk [tilespmem:v5+s21+$0x0], $0xffff;
	_ =	sdelay $0x4  }
0x108: {  	v4 =	vxor.u32 $0x80000000, v4  }
0x109: {  	(xrf0) =	vmax.scan.msk.u32 $0xffff, v4;
	_ =	sdelay $0x4  }
0x10a: {  	s28 =	spop (v2sf)  }
0x10b: {  	v4, _, _ =	vpop (xrf0);
	s28 =	sxor.u32 $0x80000000, s28  }
0x10c: {  	v4 =	vxor.u32 $0x80000000, v4;
	v5 =	vmov s28  }
0x10d: {  	vm13 =	vgt.s32 v4, v5  }
0x10e: {  	v4 =	vsel vm13, v4, v5  }
0x10f: {  	v5 =	vxor.u32 $0x80000000, v4  }
0x110: {  	(xrf0) =	vmax.scan.msk.u32 $0xffff, v5;
	_ =	sdelay $0x5  }
0x111: {  	v5, _, _ =	vpop (xrf0)  }
0x112: {  	(v2sf) =	vpush v5, $0xF;
	_ =	sdelay $0xd  }
0x113: {  	s26 =	sadd.s32 $0x10, s26  }
0x114: {  	[tilespmem:s26+$0x0] =	vst v4;
	s30 =	spop (v2sf)  }
0x115: {  	_ =	swait.ge [sflag:s22], $0x80  }
0x116: {  	[sflag:s22] =	ssyncset.done $0x0  }
0x117: {  	[sflag:s22] =	ssyncadd.s32 $0xFFFFFF80  }
0x118: {  	_ =	swait.ge [sflag:s22], $0x80  }
0x119: {  	[sflag:s22] =	ssyncset.done $0x0  }
0x11a: {  	[sflag:s22] =	ssyncadd.s32 $0xFFFFFF80  }
0x11b: {  	_ =	swait.ge [sflag:s22], $0x80  }
0x11c: {  	[sflag:s22] =	ssyncset.done $0x0  }
0x11d: {  	[sflag:s22] =	ssyncadd.s32 $0xFFFFFF80  }
0x11e: {  	_ =	swait.ge [sflag:s22], $0x80  }
0x11f: {  	[sflag:s22] =	ssyncset.done $0x0  }
0x120: {  	[sflag:s22] =	ssyncadd.s32 $0xFFFFFF80  }
0x121: {  	_ =	swait.ge [sflag:s22], $0x80  }
0x122: {  	[sflag:s22] =	ssyncset.done $0x0  }
0x123: {  	[sflag:s22] =	ssyncadd.s32 $0xFFFFFF80  }
0x124: {  	_ =	swait.ge [sflag:s22], $0x80  }
0x125: {  	[sflag:s22] =	ssyncset.done $0x0  }
0x126: {  	[sflag:s22] =	ssyncadd.s32 $0xFFFFFF80  }
0x127: {  	_ =	swait.ge [sflag:s22], $0x80  }
0x128: {  	[sflag:s22] =	ssyncset.done $0x0  }
0x129: {  	[sflag:s22] =	ssyncadd.s32 $0xFFFFFF80  }
0x12a: {  	_ =	swait.ge [sflag:s22], $0x80  }
0x12b: {  	[sflag:s22] =	ssyncset.done $0x0  }
0x12c: {  	[sflag:s22] =	ssyncadd.s32 $0xFFFFFF80  }
0x12d: {  	_ =	swait.ge [sflag:s22], $0x80  }
0x12e: {  	[sflag:s22] =	ssyncset.done $0x0  }
0x12f: {  	[sflag:s22] =	ssyncadd.s32 $0xFFFFFF80  }
0x130: {  	_ =	swait.ge [sflag:s22], $0x80  }
0x131: {  	[sflag:s22] =	ssyncset.done $0x0  }
0x132: {  	[sflag:s22] =	ssyncadd.s32 $0xFFFFFF80  }
0x133: {  	_ =	swait.ge [sflag:s22], $0x80  }
0x134: {  	[sflag:s22] =	ssyncset.done $0x0  }
0x135: {  	[sflag:s22] =	ssyncadd.s32 $0xFFFFFF80  }
0x136: {  	_ =	swait.ge [sflag:s22], $0x80  }
0x137: {  	[sflag:s22] =	ssyncset.done $0x0  }
0x138: {  	[sflag:s22] =	ssyncadd.s32 $0xFFFFFF80  }
0x139: {  	_ =	swait.ge [sflag:s22], $0x80  }
0x13a: {  	[sflag:s22] =	ssyncset.done $0x0  }
0x13b: {  	[sflag:s22] =	ssyncadd.s32 $0xFFFFFF80  }
0x13c: {  	_ =	swait.ge [sflag:s22], $0x80  }
0x13d: {  	[sflag:s22] =	ssyncset.done $0x0  }
0x13e: {  	[sflag:s22] =	ssyncadd.s32 $0xFFFFFF80  }
0x13f: {  	_ =	swait.ge [sflag:s22], $0x80  }
0x140: {  	[sflag:s22] =	ssyncset.done $0x0  }
0x141: {  	[sflag:s22] =	ssyncadd.s32 $0xFFFFFF80  }
0x142: {  	_ =	swait.ge [sflag:s22], $0x80  }
0x143: {  	[sflag:s22] =	ssyncset.done $0x0  }
0x144: {  	[sflag:s22] =	ssyncadd.s32 $0xFFFFFF80  }
0x145: {  	_ =	swait.ge [sflag:s22], $0x80  }
0x146: {  	[sflag:s22] =	ssyncset.done $0x0  }
0x147: {  	[sflag:s22] =	ssyncadd.s32 $0xFFFFFF80  }
0x148: {  	_ =	swait.ge [sflag:s22], $0x80  }
0x149: {  	[sflag:s22] =	ssyncset.done $0x0  }
0x14a: {  	[sflag:s22] =	ssyncadd.s32 $0xFFFFFF80  }
0x14b: {  	_ =	swait.ge [sflag:s22], $0x80  }
0x14c: {  	[sflag:s22] =	ssyncset.done $0x0  }
0x14d: {  	[sflag:s22] =	ssyncadd.s32 $0xFFFFFF80  }
0x14e: {  	_ =	swait.ge [sflag:s22], $0x80  }
0x14f: {  	[sflag:s22] =	ssyncset.done $0x0  }
0x150: {  	[sflag:s22] =	ssyncadd.s32 $0xFFFFFF80  }
0x151: {  	_ =	swait.ge [sflag:s22], $0x80  }
0x152: {  	[sflag:s22] =	ssyncset.done $0x0  }
0x153: {  	[sflag:s22] =	ssyncadd.s32 $0xFFFFFF80  }
0x154: {  	_ =	swait.ge [sflag:s22], $0x80  }
0x155: {  	[sflag:s22] =	ssyncset.done $0x0  }
0x156: {  	[sflag:s22] =	ssyncadd.s32 $0xFFFFFF80  }
0x157: {  	_ =	swait.ge [sflag:s22], $0x80  }
0x158: {  	[sflag:s22] =	ssyncset.done $0x0  }
0x159: {  	[sflag:s22] =	ssyncadd.s32 $0xFFFFFF80  }
0x15a: {  	_ =	swait.ge [sflag:s22], $0x80  }
0x15b: {  	[sflag:s22] =	ssyncset.done $0x0  }
0x15c: {  	[sflag:s22] =	ssyncadd.s32 $0xFFFFFF80  }
0x15d: {  	_ =	swait.ge [sflag:s22], $0x80  }
0x15e: {  	[sflag:s22] =	ssyncset.done $0x0  }
0x15f: {  	[sflag:s22] =	ssyncadd.s32 $0xFFFFFF80  }
0x160: {  	_ =	swait.ge [sflag:s22], $0x80  }
0x161: {  	[sflag:s22] =	ssyncset.done $0x0  }
0x162: {  	[sflag:s22] =	ssyncadd.s32 $0xFFFFFF80  }
0x163: {  	_ =	swait.ge [sflag:s22], $0x80  }
0x164: {  	[sflag:s22] =	ssyncset.done $0x0  }
0x165: {  	[sflag:s22] =	ssyncadd.s32 $0xFFFFFF80  }
0x166: {  	_ =	swait.ge [sflag:s22], $0x80  }
0x167: {  	[sflag:s22] =	ssyncset.done $0x0  }
0x168: {  	[sflag:s22] =	ssyncadd.s32 $0xFFFFFF80  }
0x169: {  	_ =	swait.ge [sflag:s22], $0x80  }
0x16a: {  	[sflag:s22] =	ssyncset.done $0x0  }
0x16b: {  	[sflag:s22] =	ssyncadd.s32 $0xFFFFFF80  }
0x16c: {  	_ =	swait.ge [sflag:s22], $0x80  }
0x16d: {  	[sflag:s22] =	ssyncset.done $0x0  }
0x16e: {  	[sflag:s22] =	ssyncadd.s32 $0xFFFFFF80  }
0x16f: {  	_ =	swait.ge [sflag:s22], $0x80  }
0x170: {  	[sflag:s22] =	ssyncset.done $0x0  }
0x171: {  	[sflag:s22] =	ssyncadd.s32 $0xFFFFFF80  }
0x172: {  	_ =	swait.ge [sflag:s22], $0x80  }
0x173: {  	[sflag:s22] =	ssyncset.done $0x0  }
0x174: {  	[sflag:s22] =	ssyncadd.s32 $0xFFFFFF80  }
0x175: {  	_ =	swait.ge [sflag:s22], $0x80  }
0x176: {  	[sflag:s22] =	ssyncset.done $0x0  }
0x177: {  	[sflag:s22] =	ssyncadd.s32 $0xFFFFFF80  }
0x178: {  	_ =	swait.ge [sflag:s22], $0x80  }
0x179: {  	[sflag:s22] =	ssyncset.done $0x0  }
0x17a: {  	[sflag:s22] =	ssyncadd.s32 $0xFFFFFF80  }
0x17b: {  	_ =	swait.ge [sflag:s22], $0x80  }
0x17c: {  	[sflag:s22] =	ssyncset.done $0x0  }
0x17d: {  	[sflag:s22] =	ssyncadd.s32 $0xFFFFFF80  }
0x17e: {  	_ =	swait.ge [sflag:s22], $0x80  }
0x17f: {  	[sflag:s22] =	ssyncset.done $0x0  }
0x180: {  	[sflag:s22] =	ssyncadd.s32 $0xFFFFFF80  }
0x181: {  	_ =	swait.ge [sflag:s22], $0x80  }
0x182: {  	[sflag:s22] =	ssyncset.done $0x0  }
0x183: {  	[sflag:s22] =	ssyncadd.s32 $0xFFFFFF80  }
0x184: {  	_ =	swait.ge [sflag:s22], $0x80  }
0x185: {  	[sflag:s22] =	ssyncset.done $0x0  }
0x186: {  	[sflag:s22] =	ssyncadd.s32 $0xFFFFFF80  }
0x187: {  	_ =	swait.ge [sflag:s22], $0x80  }
0x188: {  	[sflag:s22] =	ssyncset.done $0x0  }
0x189: {  	[sflag:s22] =	ssyncadd.s32 $0xFFFFFF80  }
0x18a: {  	_ =	swait.ge [sflag:s22], $0x80  }
0x18b: {  	[sflag:s22] =	ssyncset.done $0x0  }
0x18c: {  	[sflag:s22] =	ssyncadd.s32 $0xFFFFFF80  }
0x18d: {  	_ =	swait.ge [sflag:s22], $0x80  }
0x18e: {  	[sflag:s22] =	ssyncset.done $0x0  }
0x18f: {  	[sflag:s22] =	ssyncadd.s32 $0xFFFFFF80  }
0x190: {  	_ =	swait.ge [sflag:s22], $0x80  }
0x191: {  	[sflag:s22] =	ssyncset.done $0x0  }
0x192: {  	[sflag:s22] =	ssyncadd.s32 $0xFFFFFF80  }
0x193: {  	_ =	swait.ge [sflag:s22], $0x80  }
0x194: {  	[sflag:s22] =	ssyncset.done $0x0  }
0x195: {  	[sflag:s22] =	ssyncadd.s32 $0xFFFFFF80  }
0x196: {  	_ =	swait.ge [sflag:s22], $0x80  }
0x197: {  	[sflag:s22] =	ssyncset.done $0x0  }
0x198: {  	[sflag:s22] =	ssyncadd.s32 $0xFFFFFF80  }
0x199: {  	_ =	swait.ge [sflag:s22], $0x80  }
0x19a: {  	[sflag:s22] =	ssyncset.done $0x0  }
0x19b: {  	[sflag:s22] =	ssyncadd.s32 $0xFFFFFF80  }
0x19c: {  	_ =	swait.ge [sflag:s22], $0x80  }
0x19d: {  	[sflag:s22] =	ssyncset.done $0x0  }
0x19e: {  	[sflag:s22] =	ssyncadd.s32 $0xFFFFFF80  }
0x19f: {  	_ =	swait.ge [sflag:s22], $0x80  }
0x1a0: {  	[sflag:s22] =	ssyncset.done $0x0  }
0x1a1: {  	[sflag:s22] =	ssyncadd.s32 $0xFFFFFF80  }
0x1a2: {  	_ =	swait.ge [sflag:s22], $0x80  }
0x1a3: {  	[sflag:s22] =	ssyncset.done $0x0  }
0x1a4: {  	[sflag:s22] =	ssyncadd.s32 $0xFFFFFF80  }
0x1a5: {  	_ =	swait.ge [sflag:s22], $0x80  }
0x1a6: {  	[sflag:s22] =	ssyncset.done $0x0  }
0x1a7: {  	[sflag:s22] =	ssyncadd.s32 $0xFFFFFF80  }
0x1a8: {  	_ =	swait.ge [sflag:s22], $0x80  }
0x1a9: {  	[sflag:s22] =	ssyncset.done $0x0  }
0x1aa: {  	[sflag:s22] =	ssyncadd.s32 $0xFFFFFF80  }
0x1ab: {  	_ =	swait.ge [sflag:s22], $0x80  }
0x1ac: {  	[sflag:s22] =	ssyncset.done $0x0  }
0x1ad: {  	[sflag:s22] =	ssyncadd.s32 $0xFFFFFF80  }
0x1ae: {  	_ =	swait.ge [sflag:s22], $0x80  }
0x1af: {  	[sflag:s22] =	ssyncset.done $0x0  }
0x1b0: {  	[sflag:s22] =	ssyncadd.s32 $0xFFFFFF80  }
0x1b1: {  	_ =	swait.ge [sflag:s22], $0x80  }
0x1b2: {  	[sflag:s22] =	ssyncset.done $0x0  }
0x1b3: {  	[sflag:s22] =	ssyncadd.s32 $0xFFFFFF80  }
0x1b4: {  	_ =	swait.ge [sflag:s22], $0x80  }
0x1b5: {  	[sflag:s22] =	ssyncset.done $0x0  }
0x1b6: {  	[sflag:s22] =	ssyncadd.s32 $0xFFFFFF80  }
0x1b7: {  	_ =	swait.ge [sflag:s22], $0x80  }
0x1b8: {  	[sflag:s22] =	ssyncset.done $0x0  }
0x1b9: {  	[sflag:s22] =	ssyncadd.s32 $0xFFFFFF80  }
0x1ba: {  	_ =	swait.ge [sflag:s22], $0x80  }
0x1bb: {  	[sflag:s22] =	ssyncset.done $0x0  }
0x1bc: {  	[sflag:s22] =	ssyncadd.s32 $0xFFFFFF80  }
0x1bd: {  	_ =	swait.ge [sflag:s22], $0x80  }
0x1be: {  	[sflag:s22] =	ssyncset.done $0x0  }
0x1bf: {  	[sflag:s22] =	ssyncadd.s32 $0xFFFFFF80  }
0x1c0: {  	_ =	swait.ge [sflag:s22], $0x80  }
0x1c1: {  	[sflag:s22] =	ssyncset.done $0x0  }
0x1c2: {  	[sflag:s22] =	ssyncadd.s32 $0xFFFFFF80  }
0x1c3: {  	_ =	swait.ge [sflag:s22], $0x80  }
0x1c4: {  	[sflag:s22] =	ssyncset.done $0x0  }
0x1c5: {  	[sflag:s22] =	ssyncadd.s32 $0xFFFFFF80  }
0x1c6: {  	_ =	swait.ge [sflag:s22], $0x80  }
0x1c7: {  	[sflag:s22] =	ssyncset.done $0x0  }
0x1c8: {  	[sflag:s22] =	ssyncadd.s32 $0xFFFFFF80  }
0x1c9: {  	_ =	swait.ge [sflag:s22], $0x80  }
0x1ca: {  	[sflag:s22] =	ssyncset.done $0x0  }
0x1cb: {  	[sflag:s22] =	ssyncadd.s32 $0xFFFFFF80  }
0x1cc: {  	_ =	swait.ge [sflag:s22], $0x80  }
0x1cd: {  	[sflag:s22] =	ssyncset.done $0x0  }
0x1ce: {  	[sflag:s22] =	ssyncadd.s32 $0xFFFFFF80  }
0x1cf: {  	s26 =	simm.s32 $0xF;
	_ =	swait.ge [sflag:s22], $0x80  }
0x1d0: {  	v4 =	vmov s26;
	[sflag:s22] =	ssyncset.done $0x0  }
0x1d1: {  	[sflag:s22] =	ssyncadd.s32 $0xFFFFFF80  }
0x1d2: {  	_ =	swait.ge [sflag:s22], $0x80  }
0x1d3: {  	[sflag:s22] =	ssyncset.done $0x0  }
0x1d4: {  	[sflag:s22] =	ssyncadd.s32 $0xFFFFFF80  }
0x1d5: {  	s30 =	simm.s32 $0x8000;
	v4 =	vld.idx.msk [tilespmem:v4+s23+$0x0], $0xffff  }
0x1d6: {  	v5 =	vld [tilespmem:s30+$0x0];
	_ =	sdelay $0x4  }
0x1d7: {  	vm14 =	vgt.s32 v5, v4  }
0x1d8: {  	v4 =	vsel vm14, v5, v4;
	_ =	sdelay $0x4  }
0x1d9: {  	s30 =	simm.s32 $0x10;
	v4 =	vld.idx.msk [tilespmem:v4+s9+$0x0], $0xffff  }
0x1da: {  	v5 =	vmov s30;
	_ =	sdelay $0x2  }
0x1db: {  	s26 =	simm.s32 $0xC480  }
0x1dc: {  	[tilespmem:s26+$0x0] =	vst v4  }
0x1dd: {  	s28 =	simm.s32 $0x8010;
	v4 =	vld.idx.msk [tilespmem:v5+s23+$0x0], $0xffff  }
0x1de: {  	v5 =	vld [tilespmem:s28+$0x0];
	_ =	sdelay $0x4  }
0x1df: {  	vm15 =	vgt.s32 v5, v4  }
0x1e0: {  	v4 =	vsel vm15, v5, v4;
	_ =	sdelay $0x4  }
0x1e1: {  	s29 =	simm.s32 $0x11;
	v4 =	vld.idx.msk [tilespmem:v4+s9+$0x0], $0xffff  }
0x1e2: {  	v5 =	vmov s29;
	s29 =	simm.s32 $0x12  }
.LBB2_10:
0x1e3: {  	p0 =	sne.s32 s29, $0x40E;
	_ =	sdelay $0x1  }
0x1e4: {  	s26 =	sadd.s32 $0x10, s26  }
0x1e5: {  	[tilespmem:s26+$0x0] =	vst v4  }
0x1e6: {  	s28 =	sadd.s32 $0x10, s28;
	v4 =	vld.idx.msk [tilespmem:v5+s23+$0x0], $0xffff  }
0x1e7: {  	v5 =	vld [tilespmem:s28+$0x0];
	_ =	sdelay $0x4  }
0x1e8: {  	vm0 =	vgt.s32 v5, v4  }
0x1e9: {  	v4 =	vsel vm0, v5, v4;
	_ =	sdelay $0x2  }
.Ltmp4:
0x1ea: {  	(pc) =	sbr.rel @p0 .LBB2_10-.Ltmp4, $3  }
0x1eb: {  	_ = 	snop  }
0x1ec: {  	v4 =	vld.idx.msk [tilespmem:v4+s9+$0x0], $0xffff;
	_ =	sdelay $0x1  }
0x1ed: {  	v5 =	vmov s29;
	s29 =	sadd.s32 $0x1, s29  }
0x1ee: {  	_ =	sdelay $0x1  }
0x1ef: {  	s26 =	sadd.s32 $0x10, s26  }
0x1f0: {  	[tilespmem:s26+$0x0] =	vst v4  }
0x1f1: {  	s28 =	sadd.s32 $0x10, s28;
	v4 =	vld.idx.msk [tilespmem:v5+s23+$0x0], $0xffff  }
0x1f2: {  	v5 =	vld [tilespmem:s28+$0x0];
	_ =	sdelay $0x4  }
0x1f3: {  	vm0 =	vgt.s32 v5, v4  }
0x1f4: {  	v4 =	vsel vm0, v5, v4;
	_ =	sdelay $0x4  }
0x1f5: {  	v4 =	vld.idx.msk [tilespmem:v4+s9+$0x0], $0xffff;
	_ =	sdelay $0x2  }
0x1f6: {  	s25 =	sadd.s32 $0x1, s25  }
0x1f7: {  	p0 =	sne.s32 s25, s6;
	s26 =	sadd.s32 $0x10, s26  }
.Ltmp5:
0x1f8: {  	[tilespmem:s26+$0x0] =	vst v4;
	(pc) =	sbr.rel @p0 .LBB2_1-.Ltmp5, $4  }
0x1f9: {  	[hbm4b:s5+s3] =	stream.linear.scatter [tilespmem:s24], [sflag:$0x2], $0x4000, $0x38;
	[tilespmem:$0x10480] =	vst v63  }
0x1fa: {  	_ =	swait.ge [sflag:s7], $0x4000  }
0x1fb: {  	[sflag:s7] =	ssyncset.done $0x0  }
0x1fc: {  	[sflag:s7] =	ssyncadd.s32 $0xFFFFC000  }
0x1fd: {  	_ =	sfence.sel $0x180000  }
0x1fe: {  	[bflag:$0x0] =	sbarrier.arrive $0xFFFF  }
0x1ff: {  	_ =	strace $0x90000047  }
0x200: {  	s0 =	stileid.u32;
	[bflag:$0x2] =	sbarrier.arrive $0xFFFF  }
0x201: {  	p0 =	sne.s32 s0, $0x0;
	s0 =	rddreg [dreg:$0x3]  }
0x202: {  	s0 =	sadd.s32 @!p0 $0x100000, s0  }
0x203: {  	[sflag:s0] =	ssyncadd.tile.s32 @!p0 $0x1;
	_ =	shalt  }
.Lfunc_end2:
_tile_overlayer_lowered:
.L_overlay_start_2:
0x204: {  	(tag) =	ssettag $0x2  }
0x205: {  	s0 =	rddreg [dreg:$0x0];
	s2 =	stileid.u32  }
0x206: {  	s1 =	rddreg [dreg:$0x1];
	p0 =	sne.s32 s2, $0x0  }
0x207: {  	s3 =	rddreg [dreg:$0x2];
	[bflag:$0x3] =	sbarrier.arrive $0xFFFF;
	s2 =	simm.s32 @!p0 $0x1C02  }
0x208: {  	[timem:s3], [sflag:s2] =	dma.local @!p0 [hbm:s0], s1  }
0x209: {  	s0 =	simm.s32 @!p0 $0x2  }
0x20a: {  	_ =	swait.ge @!p0 [sflag:s0], s1  }
0x20b: {  	s1 =	ssub.s32 @!p0 $0x0, s1;
	[sflag:s0] =	ssyncset.done @!p0 $0x0  }
0x20c: {  	[sflag:s0] =	ssyncadd.s32 @!p0 s1  }
0x20d: {  	[bflag:$0x3] =	sbarrier.arrive $0xFFFF  }
0x20e: {  	_ =	shalt  }

</sc_bundles>
